<compile_context>
chip_gen: v7x
topology: tpu7x:2x2x1
jax: 0.10.2.dev20260603
libtpu: 0.0.44.dev20260713+nightly
codegen_flags: <defaults>
</compile_context>

<pallas_src>
import functools

import jax
import jax.numpy as jnp
from jax import lax
from jax.experimental import pallas as pl
from jax.experimental.pallas import tpu as pltpu
from jax.experimental.pallas import tpu_sc as plsc

N = 1000000
D = 64
B = 16384

NC = 2
NS = 16
NW = NC * NS
B_PER_W = B // NW
R_PER_W = B_PER_W * D // 128

SLABS = N // 128
TAIL = N - SLABS * 128
SPW = (SLABS + NW - 1) // NW

_mesh = plsc.VectorSubcoreMesh(core_axis_name="c", subcore_axis_name="s")


@functools.partial(
    pl.kernel,
    mesh=_mesh,
    compiler_params=pltpu.CompilerParams(needs_layout_passes=False),
    out_type=jax.ShapeDtypeStruct((N // 2, 128), jnp.float32),
    scratch_types=[
        pltpu.VMEM((2, D, 129), jnp.float32),
        pltpu.VMEM((2, D, 128), jnp.float32),
        pltpu.SemaphoreType.DMA,
        pltpu.SemaphoreType.DMA,
    ],
)
def _transpose_kernel(tableT_hbm, tailp_hbm, out_hbm, in_v, tr_v, sem_in,
                      sem_out):
    wid = lax.axis_index("s") * NC + lax.axis_index("c")
    s0 = wid * SPW
    s1 = jnp.minimum(s0 + SPW, SLABS)

    lanes = lax.iota(jnp.int32, 16)
    cvecs = [lanes + 16 * jj for jj in range(4)]

    def transpose_slab(src, dst, nq):
        @plsc.parallel_loop(0, nq, 1, unroll=4)
        def qbody(q):
            h0 = jnp.full((16,), 2 * q, jnp.int32)
            h1 = h0 + 1
            gs = [
                plsc.load_gather(src, [cvecs[j % 4], h0 if j < 4 else h1])
                for j in range(8)
            ]
            for j in range(8):
                dst[q, pl.ds(16 * j, 16)] = gs[j]

    @pl.when(s0 < s1)
    def _():
        pltpu.async_copy(
            tableT_hbm.at[:, pl.ds(s0 * 128, 128)],
            in_v.at[s0 % 2, :, pl.ds(0, 128)], sem_in
        )

        def body(s, carry):
            buf = s % 2

            @pl.when(s + 1 < s1)
            def _():
                pltpu.async_copy(
                    tableT_hbm.at[:, pl.ds((s + 1) * 128, 128)],
                    in_v.at[(s + 1) % 2, :, pl.ds(0, 128)],
                    sem_in,
                )

            pltpu.make_async_copy(
                tableT_hbm.at[:, pl.ds(s * 128, 128)],
                in_v.at[buf, :, pl.ds(0, 128)], sem_in
            ).wait()

            @pl.when(s >= s0 + 2)
            def _():
                pltpu.make_async_copy(
                    tr_v.at[buf], out_hbm.at[pl.ds(s * 64, 64), :], sem_out
                ).wait()

            transpose_slab(in_v.at[buf], tr_v.at[buf], D)
            pltpu.async_copy(
                tr_v.at[buf], out_hbm.at[pl.ds(s * 64, 64), :], sem_out
            )
            return carry

        lax.fori_loop(s0, s1, body, 0)

        ntail = jnp.minimum(s1 - s0, 2) * (64 * 128 * 4)

        @pl.when(ntail > 0)
        def _():
            pltpu.make_async_copy(
                tr_v.at[0], out_hbm.at[pl.ds(0, 64), :], sem_out
            ).wait()

        @pl.when(ntail > 64 * 128 * 4)
        def _():
            pltpu.make_async_copy(
                tr_v.at[0], out_hbm.at[pl.ds(0, 64), :], sem_out
            ).wait()

    @pl.when(wid == 0)
    def _():
        pltpu.sync_copy(tailp_hbm, in_v.at[0, :, pl.ds(0, 128)])
        transpose_slab(in_v.at[0], tr_v.at[0], TAIL // 2)
        pltpu.sync_copy(
            tr_v.at[0, pl.ds(0, TAIL // 2)],
            out_hbm.at[pl.ds(SLABS * 64, TAIL // 2), :],
        )


@functools.partial(
    pl.kernel,
    mesh=_mesh,
    compiler_params=pltpu.CompilerParams(needs_layout_passes=False),
    out_type=jax.ShapeDtypeStruct((B * D // 128, 128), jnp.float32),
    scratch_types=[
        pltpu.VMEM((B_PER_W,), jnp.int32),
        pltpu.VMEM((B_PER_W,), jnp.int32),
        pltpu.VMEM((B_PER_W,), jnp.int32),
        pltpu.VMEM((B_PER_W, 128), jnp.float32),
        pltpu.VMEM((R_PER_W, 128), jnp.float32),
        pltpu.SemaphoreType.DMA,
    ],
)
def _gather_kernel(packed_hbm, idx_hbm, out_hbm, idx_v, j_v, par_v, rows_v,
                   blk_v, sem):
    wid = lax.axis_index("s") * NC + lax.axis_index("c")
    base = wid * B_PER_W
    pltpu.sync_copy(idx_hbm.at[pl.ds(base, B_PER_W)], idx_v)

    def mk_idx(g, carry):
        v = idx_v[pl.ds(g * 16, 16)]
        j_v[pl.ds(g * 16, 16)] = v >> 1
        par_v[pl.ds(g * 16, 16)] = (v & 1) * 64
        return carry

    lax.fori_loop(0, B_PER_W // 16, mk_idx, 0)
    pltpu.async_copy(packed_hbm.at[j_v], rows_v, sem).wait()

    lanes = lax.iota(jnp.int32, 16)

    def extract(g, carry):
        kvec = lanes + g * 16
        par = par_v[pl.ds(g * 16, 16)]
        rvec = kvec >> 1
        cbase = (kvec & 1) * 64
        for c in range(D):
            val = plsc.load_gather(rows_v, [kvec, par + c])
            plsc.store_scatter(blk_v, [rvec, cbase + c], val)
        return carry

    lax.fori_loop(0, B_PER_W // 16, extract, 0)
    pltpu.sync_copy(blk_v, out_hbm.at[pl.ds(wid * R_PER_W, R_PER_W)])


def kernel(nodes, table):
    tableT = table.T
    tail_pad = jnp.pad(tableT[:, SLABS * 128:], ((0, 0), (0, 128 - TAIL)))
    packed = _transpose_kernel(tableT, tail_pad)
    out = _gather_kernel(packed, nodes.astype(jnp.int32))
    return out.reshape(B, D)

# --- scband reference (transcript-rebuilt; emitter-appended) ---
"""Pipeline reference for scband-node2vec-40458591929167 (READ-ONLY COPY).

The authoritative reference and input builder live on the scoring server;
editing this copy changes nothing except your own understanding.
"""

import jax, jax.numpy as jnp
import numpy as np

N = 1000000
D = 64
B = 16384

def setup_inputs(seed: int = 0) -> dict:
    key = jax.random.key(seed)
    k_table, k_nodes = jax.random.split(key)
    # Learned parameter: embedding table [N, D] (nn.Embedding weight)
    table = jax.random.normal(k_table, (N, D), dtype=jnp.float32)
    nodes = jax.random.randint(k_nodes, (B,), 0, N, dtype=jnp.int64 if jax.config.jax_enable_x64 else jnp.int32)
    return {"nodes": nodes, "table": table}

def reference(nodes, table):
    # Node2vec.forward(nodes): return self.embedding.weight[nodes]
    return jnp.take(table, nodes, axis=0)

if __name__ == "__main__":
    import jax
    _d = setup_inputs()
    print(jax.jit(kernel)(*tuple(_d.values())))

</pallas_src>

<mosaic_0001>
#map = affine_map<(d0, d1) -> (0, 0)>
module attributes {stable_mosaic.version = 14 : i64} {
  func.func @_transpose_kernel(%arg0: i32, %arg1: i32, %arg2: memref<64x1000000xf32, #tpu.memory_space<hbm>>, %arg3: memref<64x128xf32, #tpu.memory_space<hbm>>, %arg4: memref<500000x128xf32, #tpu.memory_space<hbm>>, %arg5: memref<2x64x129xf32, #tpu.memory_space<vmem>>, %arg6: memref<2x64x128xf32, #tpu.memory_space<vmem>>, %arg7: memref<!tpu.dma_semaphore, #tpu.memory_space<semaphore_mem>>, %arg8: memref<!tpu.dma_semaphore, #tpu.memory_space<semaphore_mem>>) attributes {dimension_semantics = [#tpu.dimension_semantics<core_parallel>, #tpu.dimension_semantics<subcore_parallel>], iteration_bounds = array<i64: 2, 16>, scalar_prefetch = 0 : i64, scratch_operands = 4 : i64, tpu.core_type = #tpu.core_type<sc_vector_subcore>, window_params = [{transform_indices = #map}, {transform_indices = #map}, {transform_indices = #map}]} {
    %mul3A = arith.constant 2 : i32
    %mul3A_0 = arith.muli %arg1, %mul3A : i32
    %add3A = arith.addi %mul3A_0, %arg0 : i32
    %mul3A_1 = arith.constant 245 : i32
    %mul3A_2 = arith.muli %add3A, %mul3A_1 : i32
    %add3A_3 = arith.constant 245 : i32
    %add3A_4 = arith.addi %mul3A_2, %add3A_3 : i32
    %min3A = arith.constant 7812 : i32
    %min3A_5 = arith.minsi %add3A_4, %min3A : i32
    %iota3A = tpu.iota {dimensions = array<i32: 0>} : vector<16xi32>
    %add3A_6 = arith.constant 0 : i32
    %add3A_7 = vector.broadcast %add3A_6 : i32 to vector<16xi32>
    %add3A_8 = arith.addi %iota3A, %add3A_7 : vector<16xi32>
    %add3A_9 = arith.constant 16 : i32
    %add3A_10 = vector.broadcast %add3A_9 : i32 to vector<16xi32>
    %add3A_11 = arith.addi %iota3A, %add3A_10 : vector<16xi32>
    %add3A_12 = arith.constant 32 : i32
    %add3A_13 = vector.broadcast %add3A_12 : i32 to vector<16xi32>
    %add3A_14 = arith.addi %iota3A, %add3A_13 : vector<16xi32>
    %add3A_15 = arith.constant 48 : i32
    %add3A_16 = vector.broadcast %add3A_15 : i32 to vector<16xi32>
    %add3A_17 = arith.addi %iota3A, %add3A_16 : vector<16xi32>
    %lt3A = arith.cmpi slt, %mul3A_2, %min3A_5 : i32
    %convert_element_type3A = arith.extui %lt3A : i1 to i32
    %cond3A = arith.constant 0 : i32
    %cond3A_18 = arith.cmpi ne, %convert_element_type3A, %cond3A : i32
    scf.if %cond3A_18 {
      %mul3A_23 = arith.constant 128 : i32
      %mul3A_24 = arith.muli %mul3A_2, %mul3A_23 : i32
      %jit3A = arith.constant 2 : i32
      %eq3A_25 = arith.constant 0 : i32
      %eq3A_26 = arith.cmpi eq, %jit3A, %eq3A_25 : i32
      %jit3A_27 = arith.constant 1 : i32
      %select_n3A = arith.select %eq3A_26, %jit3A_27, %jit3A : i32
      %rem3A = arith.remsi %mul3A_2, %select_n3A : i32
      %ne3A = arith.constant 0 : i32
      %ne3A_28 = arith.cmpi ne, %rem3A, %ne3A : i32
      %lt3A_29 = arith.constant 0 : i32
      %lt3A_30 = arith.cmpi slt, %rem3A, %lt3A_29 : i32
      %lt3A_31 = arith.constant 0 : i32
      %lt3A_32 = arith.cmpi slt, %select_n3A, %lt3A_31 : i32
      %ne3A_33 = arith.xori %lt3A_30, %lt3A_32 : i1
      %and3A = arith.andi %ne3A_33, %ne3A_28 : i1
      %add3A_34 = arith.addi %rem3A, %select_n3A : i32
      %select_n3A_35 = arith.select %and3A, %add3A_34, %rem3A : i32
      %dma_start3A = arith.constant 0 : i32
      %dma_start3A_36 = arith.constant 0 : i32
      %dma_start3A_37 = tpu.memref_slice %arg5[%select_n3A_35, %dma_start3A, %dma_start3A_36] : memref<2x64x129xf32, #tpu.memory_space<vmem>> -> memref<1x64x128xf32, #tpu.memory_space<vmem>>
      %dma_start3A_38 = tpu.memref_squeeze %dma_start3A_37 : memref<1x64x128xf32, #tpu.memory_space<vmem>> -> memref<64x128xf32, #tpu.memory_space<vmem>>
      %dma_start3A_39 = arith.constant 0 : i32
      %dma_start3A_40 = tpu.memref_slice %arg2[%dma_start3A_39, %mul3A_24] : memref<64x1000000xf32, #tpu.memory_space<hbm>> -> memref<64x128xf32, #tpu.memory_space<hbm>>
      %dma_start3A_41 = arith.constant 0 : i32
      %dma_start3A_42 = arith.constant 0 : i32
      %dma_start3A_43 = tpu.memref_slice %arg5[%select_n3A_35, %dma_start3A_41, %dma_start3A_42] : memref<2x64x129xf32, #tpu.memory_space<vmem>> -> memref<1x64x128xf32, #tpu.memory_space<vmem>>
      %dma_start3A_44 = tpu.memref_squeeze %dma_start3A_43 : memref<1x64x128xf32, #tpu.memory_space<vmem>> -> memref<64x128xf32, #tpu.memory_space<vmem>>
      %dma_start3A_45 = arith.constant 0 : i32
      %dma_start3A_46 = tpu.memref_slice %arg2[%dma_start3A_45, %mul3A_24] : memref<64x1000000xf32, #tpu.memory_space<hbm>> -> memref<64x128xf32, #tpu.memory_space<hbm>>
      tpu.enqueue_dma source(%dma_start3A_46 : memref<64x128xf32, #tpu.memory_space<hbm>>) target(%dma_start3A_44 : memref<64x128xf32, #tpu.memory_space<vmem>>) target_semaphore(%arg7 : memref<!tpu.dma_semaphore, #tpu.memory_space<semaphore_mem>>)
      %while3A = arith.constant 0 : i32
      %while3A_47 = arith.subi %min3A_5, %mul3A_2 : i32
      %while3A_48 = arith.addi %mul3A_2, %while3A_47 : i32
      %while3A_49 = arith.constant 1 : i32
      %while3A_50 = arith.divsi %while3A_47, %while3A_49 : i32
      %while3A_51 = arith.muli %while3A_50, %while3A_49 : i32
      %while3A_52 = arith.addi %mul3A_2, %while3A_51 : i32
      %while3A_53 = arith.constant 1 : i32
      scf.for %while3A_68 = %mul3A_2 to %while3A_52 step %while3A_53  : i32 {
        %jit3A_69 = arith.constant 2 : i32
        %eq3A_70 = arith.constant 0 : i32
        %eq3A_71 = arith.cmpi eq, %jit3A_69, %eq3A_70 : i32
        %jit3A_72 = arith.constant 1 : i32
        %select_n3A_73 = arith.select %eq3A_71, %jit3A_72, %jit3A_69 : i32
        %rem3A_74 = arith.remsi %while3A_68, %select_n3A_73 : i32
        %ne3A_75 = arith.constant 0 : i32
        %ne3A_76 = arith.cmpi ne, %rem3A_74, %ne3A_75 : i32
        %lt3A_77 = arith.constant 0 : i32
        %lt3A_78 = arith.cmpi slt, %rem3A_74, %lt3A_77 : i32
        %lt3A_79 = arith.constant 0 : i32
        %lt3A_80 = arith.cmpi slt, %select_n3A_73, %lt3A_79 : i32
        %ne3A_81 = arith.xori %lt3A_78, %lt3A_80 : i1
        %and3A_82 = arith.andi %ne3A_81, %ne3A_76 : i1
        %add3A_83 = arith.addi %rem3A_74, %select_n3A_73 : i32
        %select_n3A_84 = arith.select %and3A_82, %add3A_83, %rem3A_74 : i32
        %add3A_85 = arith.constant 1 : i32
        %add3A_86 = arith.addi %while3A_68, %add3A_85 : i32
        %lt3A_87 = arith.cmpi slt, %add3A_86, %min3A_5 : i32
        %convert_element_type3A_88 = arith.extui %lt3A_87 : i1 to i32
        %cond3A_89 = arith.constant 0 : i32
        %cond3A_90 = arith.cmpi ne, %convert_element_type3A_88, %cond3A_89 : i32
        scf.if %cond3A_90 {
          %add3A_125 = arith.constant 1 : i32
          %add3A_126 = arith.addi %while3A_68, %add3A_125 : i32
          %mul3A_127 = arith.constant 128 : i32
          %mul3A_128 = arith.muli %add3A_126, %mul3A_127 : i32
          %add3A_129 = arith.constant 1 : i32
          %add3A_130 = arith.addi %while3A_68, %add3A_129 : i32
          %jit3A_131 = arith.constant 2 : i32
          %eq3A_132 = arith.constant 0 : i32
          %eq3A_133 = arith.cmpi eq, %jit3A_131, %eq3A_132 : i32
          %jit3A_134 = arith.constant 1 : i32
          %select_n3A_135 = arith.select %eq3A_133, %jit3A_134, %jit3A_131 : i32
          %rem3A_136 = arith.remsi %add3A_130, %select_n3A_135 : i32
          %ne3A_137 = arith.constant 0 : i32
          %ne3A_138 = arith.cmpi ne, %rem3A_136, %ne3A_137 : i32
          %lt3A_139 = arith.constant 0 : i32
          %lt3A_140 = arith.cmpi slt, %rem3A_136, %lt3A_139 : i32
          %lt3A_141 = arith.constant 0 : i32
          %lt3A_142 = arith.cmpi slt, %select_n3A_135, %lt3A_141 : i32
          %ne3A_143 = arith.xori %lt3A_140, %lt3A_142 : i1
          %and3A_144 = arith.andi %ne3A_143, %ne3A_138 : i1
          %add3A_145 = arith.addi %rem3A_136, %select_n3A_135 : i32
          %select_n3A_146 = arith.select %and3A_144, %add3A_145, %rem3A_136 : i32
          %dma_start3A_147 = arith.constant 0 : i32
          %dma_start3A_148 = arith.constant 0 : i32
          %dma_start3A_149 = tpu.memref_slice %arg5[%select_n3A_146, %dma_start3A_147, %dma_start3A_148] : memref<2x64x129xf32, #tpu.memory_space<vmem>> -> memref<1x64x128xf32, #tpu.memory_space<vmem>>
          %dma_start3A_150 = tpu.memref_squeeze %dma_start3A_149 : memref<1x64x128xf32, #tpu.memory_space<vmem>> -> memref<64x128xf32, #tpu.memory_space<vmem>>
          %dma_start3A_151 = arith.constant 0 : i32
          %dma_start3A_152 = tpu.memref_slice %arg2[%dma_start3A_151, %mul3A_128] : memref<64x1000000xf32, #tpu.memory_space<hbm>> -> memref<64x128xf32, #tpu.memory_space<hbm>>
          %dma_start3A_153 = arith.constant 0 : i32
          %dma_start3A_154 = arith.constant 0 : i32
          %dma_start3A_155 = tpu.memref_slice %arg5[%select_n3A_146, %dma_start3A_153, %dma_start3A_154] : memref<2x64x129xf32, #tpu.memory_space<vmem>> -> memref<1x64x128xf32, #tpu.memory_space<vmem>>
          %dma_start3A_156 = tpu.memref_squeeze %dma_start3A_155 : memref<1x64x128xf32, #tpu.memory_space<vmem>> -> memref<64x128xf32, #tpu.memory_space<vmem>>
          %dma_start3A_157 = arith.constant 0 : i32
          %dma_start3A_158 = tpu.memref_slice %arg2[%dma_start3A_157, %mul3A_128] : memref<64x1000000xf32, #tpu.memory_space<hbm>> -> memref<64x128xf32, #tpu.memory_space<hbm>>
          tpu.enqueue_dma source(%dma_start3A_158 : memref<64x128xf32, #tpu.memory_space<hbm>>) target(%dma_start3A_156 : memref<64x128xf32, #tpu.memory_space<vmem>>) target_semaphore(%arg7 : memref<!tpu.dma_semaphore, #tpu.memory_space<semaphore_mem>>)
        } else {
        }
        %mul3A_91 = arith.constant 128 : i32
        %mul3A_92 = arith.muli %while3A_68, %mul3A_91 : i32
        %dma_wait3A = arith.constant 0 : i32
        %dma_wait3A_93 = arith.constant 0 : i32
        %dma_wait3A_94 = tpu.memref_slice %arg5[%select_n3A_84, %dma_wait3A, %dma_wait3A_93] : memref<2x64x129xf32, #tpu.memory_space<vmem>> -> memref<1x64x128xf32, #tpu.memory_space<vmem>>
        %dma_wait3A_95 = tpu.memref_squeeze %dma_wait3A_94 : memref<1x64x128xf32, #tpu.memory_space<vmem>> -> memref<64x128xf32, #tpu.memory_space<vmem>>
        %dma_wait3A_96 = arith.constant 0 : i32
        %dma_wait3A_97 = tpu.memref_slice %arg2[%dma_wait3A_96, %mul3A_92] : memref<64x1000000xf32, #tpu.memory_space<hbm>> -> memref<64x128xf32, #tpu.memory_space<hbm>>
        %dma_wait3A_98 = arith.constant 0 : i32
        %dma_wait3A_99 = arith.constant 0 : i32
        %dma_wait3A_100 = tpu.memref_slice %arg5[%select_n3A_84, %dma_wait3A_98, %dma_wait3A_99] : memref<2x64x129xf32, #tpu.memory_space<vmem>> -> memref<1x64x128xf32, #tpu.memory_space<vmem>>
        %dma_wait3A_101 = tpu.memref_squeeze %dma_wait3A_100 : memref<1x64x128xf32, #tpu.memory_space<vmem>> -> memref<64x128xf32, #tpu.memory_space<vmem>>
        %dma_wait3A_102 = arith.constant 0 : i32
        %dma_wait3A_103 = tpu.memref_slice %arg2[%dma_wait3A_102, %mul3A_92] : memref<64x1000000xf32, #tpu.memory_space<hbm>> -> memref<64x128xf32, #tpu.memory_space<hbm>>
        tpu.wait_dma2 semaphore(%arg7 : memref<!tpu.dma_semaphore, #tpu.memory_space<semaphore_mem>>) src(%dma_wait3A_103 : memref<64x128xf32, #tpu.memory_space<hbm>>) dst(%dma_wait3A_101 : memref<64x128xf32, #tpu.memory_space<vmem>>)
        %add3A_104 = arith.constant 2 : i32
        %add3A_105 = arith.addi %mul3A_2, %add3A_104 : i32
        %ge3A = arith.cmpi sge, %while3A_68, %add3A_105 : i32
        %convert_element_type3A_106 = arith.extui %ge3A : i1 to i32
        %cond3A_107 = arith.constant 0 : i32
        %cond3A_108 = arith.cmpi ne, %convert_element_type3A_106, %cond3A_107 : i32
        scf.if %cond3A_108 {
          %mul3A_125 = arith.constant 64 : i32
          %mul3A_126 = arith.muli %while3A_68, %mul3A_125 : i32
          %dma_wait3A_127 = arith.constant 0 : i32
          %dma_wait3A_128 = arith.constant 0 : i32
          %dma_wait3A_129 = tpu.memref_slice %arg6[%select_n3A_84, %dma_wait3A_127, %dma_wait3A_128] : memref<2x64x128xf32, #tpu.memory_space<vmem>> -> memref<1x64x128xf32, #tpu.memory_space<vmem>>
          %dma_wait3A_130 = tpu.memref_squeeze %dma_wait3A_129 : memref<1x64x128xf32, #tpu.memory_space<vmem>> -> memref<64x128xf32, #tpu.memory_space<vmem>>
          %dma_wait3A_131 = arith.constant 0 : i32
          %dma_wait3A_132 = tpu.memref_slice %arg4[%mul3A_126, %dma_wait3A_131] : memref<500000x128xf32, #tpu.memory_space<hbm>> -> memref<64x128xf32, #tpu.memory_space<hbm>>
          %dma_wait3A_133 = arith.constant 0 : i32
          %dma_wait3A_134 = tpu.memref_slice %arg4[%mul3A_126, %dma_wait3A_133] : memref<500000x128xf32, #tpu.memory_space<hbm>> -> memref<64x128xf32, #tpu.memory_space<hbm>>
          %dma_wait3A_135 = arith.constant 0 : i32
          %dma_wait3A_136 = arith.constant 0 : i32
          %dma_wait3A_137 = tpu.memref_slice %arg6[%select_n3A_84, %dma_wait3A_135, %dma_wait3A_136] : memref<2x64x128xf32, #tpu.memory_space<vmem>> -> memref<1x64x128xf32, #tpu.memory_space<vmem>>
          %dma_wait3A_138 = tpu.memref_squeeze %dma_wait3A_137 : memref<1x64x128xf32, #tpu.memory_space<vmem>> -> memref<64x128xf32, #tpu.memory_space<vmem>>
          tpu.wait_dma2 semaphore(%arg8 : memref<!tpu.dma_semaphore, #tpu.memory_space<semaphore_mem>>) src(%dma_wait3A_138 : memref<64x128xf32, #tpu.memory_space<vmem>>) dst(%dma_wait3A_134 : memref<64x128xf32, #tpu.memory_space<hbm>>)
        } else {
        }
        %parallel_loop3A = arith.constant 0 : i32
        %parallel_loop3A_109 = arith.constant 64 : i32
        %parallel_loop3A_110 = arith.constant 1 : i32
        scf.for %parallel_loop3A_125 = %parallel_loop3A to %parallel_loop3A_109 step %parallel_loop3A_110  : i32 {
          %parallel_loop3A_126 = arith.constant 2 : i32
          %parallel_loop3A_127 = arith.muli %parallel_loop3A_126, %parallel_loop3A_125 : i32
          %parallel_loop3A_128 = vector.broadcast %parallel_loop3A_127 : i32 to vector<16xi32>
          %parallel_loop3A_129 = arith.constant 1 : i32
          %parallel_loop3A_130 = vector.broadcast %parallel_loop3A_129 : i32 to vector<16xi32>
          %parallel_loop3A_131 = arith.addi %parallel_loop3A_128, %parallel_loop3A_130 : vector<16xi32>
          %parallel_loop3A_132 = arith.constant 0 : i32
          %parallel_loop3A_133 = arith.constant 0 : i32
          %parallel_loop3A_134 = tpu.memref_slice %arg5[%select_n3A_84, %parallel_loop3A_132, %parallel_loop3A_133] : memref<2x64x129xf32, #tpu.memory_space<vmem>> -> memref<1x64x129xf32, #tpu.memory_space<vmem>>
          %parallel_loop3A_135 = tpu.memref_squeeze %parallel_loop3A_134 : memref<1x64x129xf32, #tpu.memory_space<vmem>> -> memref<64x129xf32, #tpu.memory_space<vmem>>
          %parallel_loop3A_136 = tpu.vector_load_idx %parallel_loop3A_135[%add3A_8, %parallel_loop3A_128] : memref<64x129xf32, #tpu.memory_space<vmem>>[vector<16xi32>, vector<16xi32>], vector<16xf32>,
          %parallel_loop3A_137 = arith.constant 0 : i32
          %parallel_loop3A_138 = arith.constant 0 : i32
          %parallel_loop3A_139 = tpu.memref_slice %arg5[%select_n3A_84, %parallel_loop3A_137, %parallel_loop3A_138] : memref<2x64x129xf32, #tpu.memory_space<vmem>> -> memref<1x64x129xf32, #tpu.memory_space<vmem>>
          %parallel_loop3A_140 = tpu.memref_squeeze %parallel_loop3A_139 : memref<1x64x129xf32, #tpu.memory_space<vmem>> -> memref<64x129xf32, #tpu.memory_space<vmem>>
          %parallel_loop3A_141 = tpu.vector_load_idx %parallel_loop3A_140[%add3A_11, %parallel_loop3A_128] : memref<64x129xf32, #tpu.memory_space<vmem>>[vector<16xi32>, vector<16xi32>], vector<16xf32>,
          %parallel_loop3A_142 = arith.constant 0 : i32
          %parallel_loop3A_143 = arith.constant 0 : i32
          %parallel_loop3A_144 = tpu.memref_slice %arg5[%select_n3A_84, %parallel_loop3A_142, %parallel_loop3A_143] : memref<2x64x129xf32, #tpu.memory_space<vmem>> -> memref<1x64x129xf32, #tpu.memory_space<vmem>>
          %parallel_loop3A_145 = tpu.memref_squeeze %parallel_loop3A_144 : memref<1x64x129xf32, #tpu.memory_space<vmem>> -> memref<64x129xf32, #tpu.memory_space<vmem>>
          %parallel_loop3A_146 = tpu.vector_load_idx %parallel_loop3A_145[%add3A_14, %parallel_loop3A_128] : memref<64x129xf32, #tpu.memory_space<vmem>>[vector<16xi32>, vector<16xi32>], vector<16xf32>,
          %parallel_loop3A_147 = arith.constant 0 : i32
          %parallel_loop3A_148 = arith.constant 0 : i32
          %parallel_loop3A_149 = tpu.memref_slice %arg5[%select_n3A_84, %parallel_loop3A_147, %parallel_loop3A_148] : memref<2x64x129xf32, #tpu.memory_space<vmem>> -> memref<1x64x129xf32, #tpu.memory_space<vmem>>
          %parallel_loop3A_150 = tpu.memref_squeeze %parallel_loop3A_149 : memref<1x64x129xf32, #tpu.memory_space<vmem>> -> memref<64x129xf32, #tpu.memory_space<vmem>>
          %parallel_loop3A_151 = tpu.vector_load_idx %parallel_loop3A_150[%add3A_17, %parallel_loop3A_128] : memref<64x129xf32, #tpu.memory_space<vmem>>[vector<16xi32>, vector<16xi32>], vector<16xf32>,
          %parallel_loop3A_152 = arith.constant 0 : i32
          %parallel_loop3A_153 = arith.constant 0 : i32
          %parallel_loop3A_154 = tpu.memref_slice %arg5[%select_n3A_84, %parallel_loop3A_152, %parallel_loop3A_153] : memref<2x64x129xf32, #tpu.memory_space<vmem>> -> memref<1x64x129xf32, #tpu.memory_space<vmem>>
          %parallel_loop3A_155 = tpu.memref_squeeze %parallel_loop3A_154 : memref<1x64x129xf32, #tpu.memory_space<vmem>> -> memref<64x129xf32, #tpu.memory_space<vmem>>
          %parallel_loop3A_156 = tpu.vector_load_idx %parallel_loop3A_155[%add3A_8, %parallel_loop3A_131] : memref<64x129xf32, #tpu.memory_space<vmem>>[vector<16xi32>, vector<16xi32>], vector<16xf32>,
          %parallel_loop3A_157 = arith.constant 0 : i32
          %parallel_loop3A_158 = arith.constant 0 : i32
          %parallel_loop3A_159 = tpu.memref_slice %arg5[%select_n3A_84, %parallel_loop3A_157, %parallel_loop3A_158] : memref<2x64x129xf32, #tpu.memory_space<vmem>> -> memref<1x64x129xf32, #tpu.memory_space<vmem>>
          %parallel_loop3A_160 = tpu.memref_squeeze %parallel_loop3A_159 : memref<1x64x129xf32, #tpu.memory_space<vmem>> -> memref<64x129xf32, #tpu.memory_space<vmem>>
          %parallel_loop3A_161 = tpu.vector_load_idx %parallel_loop3A_160[%add3A_11, %parallel_loop3A_131] : memref<64x129xf32, #tpu.memory_space<vmem>>[vector<16xi32>, vector<16xi32>], vector<16xf32>,
          %parallel_loop3A_162 = arith.constant 0 : i32
          %parallel_loop3A_163 = arith.constant 0 : i32
          %parallel_loop3A_164 = tpu.memref_slice %arg5[%select_n3A_84, %parallel_loop3A_162, %parallel_loop3A_163] : memref<2x64x129xf32, #tpu.memory_space<vmem>> -> memref<1x64x129xf32, #tpu.memory_space<vmem>>
          %parallel_loop3A_165 = tpu.memref_squeeze %parallel_loop3A_164 : memref<1x64x129xf32, #tpu.memory_space<vmem>> -> memref<64x129xf32, #tpu.memory_space<vmem>>
          %parallel_loop3A_166 = tpu.vector_load_idx %parallel_loop3A_165[%add3A_14, %parallel_loop3A_131] : memref<64x129xf32, #tpu.memory_space<vmem>>[vector<16xi32>, vector<16xi32>], vector<16xf32>,
          %parallel_loop3A_167 = arith.constant 0 : i32
          %parallel_loop3A_168 = arith.constant 0 : i32
          %parallel_loop3A_169 = tpu.memref_slice %arg5[%select_n3A_84, %parallel_loop3A_167, %parallel_loop3A_168] : memref<2x64x129xf32, #tpu.memory_space<vmem>> -> memref<1x64x129xf32, #tpu.memory_space<vmem>>
          %parallel_loop3A_170 = tpu.memref_squeeze %parallel_loop3A_169 : memref<1x64x129xf32, #tpu.memory_space<vmem>> -> memref<64x129xf32, #tpu.memory_space<vmem>>
          %parallel_loop3A_171 = tpu.vector_load_idx %parallel_loop3A_170[%add3A_17, %parallel_loop3A_131] : memref<64x129xf32, #tpu.memory_space<vmem>>[vector<16xi32>, vector<16xi32>], vector<16xf32>,
          %parallel_loop3A_172 = arith.constant 0 : i32
          %parallel_loop3A_173 = arith.constant 0 : i32
          %parallel_loop3A_174 = tpu.memref_slice %arg6[%select_n3A_84, %parallel_loop3A_172, %parallel_loop3A_173] : memref<2x64x128xf32, #tpu.memory_space<vmem>> -> memref<1x64x128xf32, #tpu.memory_space<vmem>>
          %parallel_loop3A_175 = tpu.memref_squeeze %parallel_loop3A_174 : memref<1x64x128xf32, #tpu.memory_space<vmem>> -> memref<64x128xf32, #tpu.memory_space<vmem>>
          %parallel_loop3A_176 = arith.index_cast %parallel_loop3A_125 : i32 to index
          %parallel_loop3A_177 = arith.constant 0 : index
          %parallel_loop3A_178 = tpu.vector_load %parallel_loop3A_175[%parallel_loop3A_176, %parallel_loop3A_177] {strides = array<i32>} : memref<64x128xf32, #tpu.memory_space<vmem>>, vector<16xf32>,
          tpu.vector_store %parallel_loop3A_175[%parallel_loop3A_176, %parallel_loop3A_177], %parallel_loop3A_136 {strides = array<i32>} : memref<64x128xf32, #tpu.memory_space<vmem>>, vector<16xf32>,
          %parallel_loop3A_179 = arith.constant 0 : i32
          %parallel_loop3A_180 = arith.constant 0 : i32
          %parallel_loop3A_181 = tpu.memref_slice %arg6[%select_n3A_84, %parallel_loop3A_179, %parallel_loop3A_180] : memref<2x64x128xf32, #tpu.memory_space<vmem>> -> memref<1x64x128xf32, #tpu.memory_space<vmem>>
          %parallel_loop3A_182 = tpu.memref_squeeze %parallel_loop3A_181 : memref<1x64x128xf32, #tpu.memory_space<vmem>> -> memref<64x128xf32, #tpu.memory_space<vmem>>
          %parallel_loop3A_183 = arith.index_cast %parallel_loop3A_125 : i32 to index
          %parallel_loop3A_184 = arith.constant 16 : index
          %parallel_loop3A_185 = tpu.vector_load %parallel_loop3A_182[%parallel_loop3A_183, %parallel_loop3A_184] {strides = array<i32>} : memref<64x128xf32, #tpu.memory_space<vmem>>, vector<16xf32>,
          tpu.vector_store %parallel_loop3A_182[%parallel_loop3A_183, %parallel_loop3A_184], %parallel_loop3A_141 {strides = array<i32>} : memref<64x128xf32, #tpu.memory_space<vmem>>, vector<16xf32>,
          %parallel_loop3A_186 = arith.constant 0 : i32
          %parallel_loop3A_187 = arith.constant 0 : i32
          %parallel_loop3A_188 = tpu.memref_slice %arg6[%select_n3A_84, %parallel_loop3A_186, %parallel_loop3A_187] : memref<2x64x128xf32, #tpu.memory_space<vmem>> -> memref<1x64x128xf32, #tpu.memory_space<vmem>>
          %parallel_loop3A_189 = tpu.memref_squeeze %parallel_loop3A_188 : memref<1x64x128xf32, #tpu.memory_space<vmem>> -> memref<64x128xf32, #tpu.memory_space<vmem>>
          %parallel_loop3A_190 = arith.index_cast %parallel_loop3A_125 : i32 to index
          %parallel_loop3A_191 = arith.constant 32 : index
          %parallel_loop3A_192 = tpu.vector_load %parallel_loop3A_189[%parallel_loop3A_190, %parallel_loop3A_191] {strides = array<i32>} : memref<64x128xf32, #tpu.memory_space<vmem>>, vector<16xf32>,
          tpu.vector_store %parallel_loop3A_189[%parallel_loop3A_190, %parallel_loop3A_191], %parallel_loop3A_146 {strides = array<i32>} : memref<64x128xf32, #tpu.memory_space<vmem>>, vector<16xf32>,
          %parallel_loop3A_193 = arith.constant 0 : i32
          %parallel_loop3A_194 = arith.constant 0 : i32
          %parallel_loop3A_195 = tpu.memref_slice %arg6[%select_n3A_84, %parallel_loop3A_193, %parallel_loop3A_194] : memref<2x64x128xf32, #tpu.memory_space<vmem>> -> memref<1x64x128xf32, #tpu.memory_space<vmem>>
          %parallel_loop3A_196 = tpu.memref_squeeze %parallel_loop3A_195 : memref<1x64x128xf32, #tpu.memory_space<vmem>> -> memref<64x128xf32, #tpu.memory_space<vmem>>
          %parallel_loop3A_197 = arith.index_cast %parallel_loop3A_125 : i32 to index
          %parallel_loop3A_198 = arith.constant 48 : index
          %parallel_loop3A_199 = tpu.vector_load %parallel_loop3A_196[%parallel_loop3A_197, %parallel_loop3A_198] {strides = array<i32>} : memref<64x128xf32, #tpu.memory_space<vmem>>, vector<16xf32>,
          tpu.vector_store %parallel_loop3A_196[%parallel_loop3A_197, %parallel_loop3A_198], %parallel_loop3A_151 {strides = array<i32>} : memref<64x128xf32, #tpu.memory_space<vmem>>, vector<16xf32>,
          %parallel_loop3A_200 = arith.constant 0 : i32
          %parallel_loop3A_201 = arith.constant 0 : i32
          %parallel_loop3A_202 = tpu.memref_slice %arg6[%select_n3A_84, %parallel_loop3A_200, %parallel_loop3A_201] : memref<2x64x128xf32, #tpu.memory_space<vmem>> -> memref<1x64x128xf32, #tpu.memory_space<vmem>>
          %parallel_loop3A_203 = tpu.memref_squeeze %parallel_loop3A_202 : memref<1x64x128xf32, #tpu.memory_space<vmem>> -> memref<64x128xf32, #tpu.memory_space<vmem>>
          %parallel_loop3A_204 = arith.index_cast %parallel_loop3A_125 : i32 to index
          %parallel_loop3A_205 = arith.constant 64 : index
          %parallel_loop3A_206 = tpu.vector_load %parallel_loop3A_203[%parallel_loop3A_204, %parallel_loop3A_205] {strides = array<i32>} : memref<64x128xf32, #tpu.memory_space<vmem>>, vector<16xf32>,
          tpu.vector_store %parallel_loop3A_203[%parallel_loop3A_204, %parallel_loop3A_205], %parallel_loop3A_156 {strides = array<i32>} : memref<64x128xf32, #tpu.memory_space<vmem>>, vector<16xf32>,
          %parallel_loop3A_207 = arith.constant 0 : i32
          %parallel_loop3A_208 = arith.constant 0 : i32
          %parallel_loop3A_209 = tpu.memref_slice %arg6[%select_n3A_84, %parallel_loop3A_207, %parallel_loop3A_208] : memref<2x64x128xf32, #tpu.memory_space<vmem>> -> memref<1x64x128xf32, #tpu.memory_space<vmem>>
          %parallel_loop3A_210 = tpu.memref_squeeze %parallel_loop3A_209 : memref<1x64x128xf32, #tpu.memory_space<vmem>> -> memref<64x128xf32, #tpu.memory_space<vmem>>
          %parallel_loop3A_211 = arith.index_cast %parallel_loop3A_125 : i32 to index
          %parallel_loop3A_212 = arith.constant 80 : index
          %parallel_loop3A_213 = tpu.vector_load %parallel_loop3A_210[%parallel_loop3A_211, %parallel_loop3A_212] {strides = array<i32>} : memref<64x128xf32, #tpu.memory_space<vmem>>, vector<16xf32>,
          tpu.vector_store %parallel_loop3A_210[%parallel_loop3A_211, %parallel_loop3A_212], %parallel_loop3A_161 {strides = array<i32>} : memref<64x128xf32, #tpu.memory_space<vmem>>, vector<16xf32>,
          %parallel_loop3A_214 = arith.constant 0 : i32
          %parallel_loop3A_215 = arith.constant 0 : i32
          %parallel_loop3A_216 = tpu.memref_slice %arg6[%select_n3A_84, %parallel_loop3A_214, %parallel_loop3A_215] : memref<2x64x128xf32, #tpu.memory_space<vmem>> -> memref<1x64x128xf32, #tpu.memory_space<vmem>>
          %parallel_loop3A_217 = tpu.memref_squeeze %parallel_loop3A_216 : memref<1x64x128xf32, #tpu.memory_space<vmem>> -> memref<64x128xf32, #tpu.memory_space<vmem>>
          %parallel_loop3A_218 = arith.index_cast %parallel_loop3A_125 : i32 to index
          %parallel_loop3A_219 = arith.constant 96 : index
          %parallel_loop3A_220 = tpu.vector_load %parallel_loop3A_217[%parallel_loop3A_218, %parallel_loop3A_219] {strides = array<i32>} : memref<64x128xf32, #tpu.memory_space<vmem>>, vector<16xf32>,
          tpu.vector_store %parallel_loop3A_217[%parallel_loop3A_218, %parallel_loop3A_219], %parallel_loop3A_166 {strides = array<i32>} : memref<64x128xf32, #tpu.memory_space<vmem>>, vector<16xf32>,
          %parallel_loop3A_221 = arith.constant 0 : i32
          %parallel_loop3A_222 = arith.constant 0 : i32
          %parallel_loop3A_223 = tpu.memref_slice %arg6[%select_n3A_84, %parallel_loop3A_221, %parallel_loop3A_222] : memref<2x64x128xf32, #tpu.memory_space<vmem>> -> memref<1x64x128xf32, #tpu.memory_space<vmem>>
          %parallel_loop3A_224 = tpu.memref_squeeze %parallel_loop3A_223 : memref<1x64x128xf32, #tpu.memory_space<vmem>> -> memref<64x128xf32, #tpu.memory_space<vmem>>
          %parallel_loop3A_225 = arith.index_cast %parallel_loop3A_125 : i32 to index
          %parallel_loop3A_226 = arith.constant 112 : index
          %parallel_loop3A_227 = tpu.vector_load %parallel_loop3A_224[%parallel_loop3A_225, %parallel_loop3A_226] {strides = array<i32>} : memref<64x128xf32, #tpu.memory_space<vmem>>, vector<16xf32>,
          tpu.vector_store %parallel_loop3A_224[%parallel_loop3A_225, %parallel_loop3A_226], %parallel_loop3A_171 {strides = array<i32>} : memref<64x128xf32, #tpu.memory_space<vmem>>, vector<16xf32>,
        } {sc.loop_unroll_factor = 4 : i64, sc.parallel_access}
        %mul3A_111 = arith.constant 64 : i32
        %mul3A_112 = arith.muli %while3A_68, %mul3A_111 : i32
        %dma_start3A_113 = arith.constant 0 : i32
        %dma_start3A_114 = arith.constant 0 : i32
        %dma_start3A_115 = tpu.memref_slice %arg6[%select_n3A_84, %dma_start3A_113, %dma_start3A_114] : memref<2x64x128xf32, #tpu.memory_space<vmem>> -> memref<1x64x128xf32, #tpu.memory_space<vmem>>
        %dma_start3A_116 = tpu.memref_squeeze %dma_start3A_115 : memref<1x64x128xf32, #tpu.memory_space<vmem>> -> memref<64x128xf32, #tpu.memory_space<vmem>>
        %dma_start3A_117 = arith.constant 0 : i32
        %dma_start3A_118 = tpu.memref_slice %arg4[%mul3A_112, %dma_start3A_117] : memref<500000x128xf32, #tpu.memory_space<hbm>> -> memref<64x128xf32, #tpu.memory_space<hbm>>
        %dma_start3A_119 = arith.constant 0 : i32
        %dma_start3A_120 = tpu.memref_slice %arg4[%mul3A_112, %dma_start3A_119] : memref<500000x128xf32, #tpu.memory_space<hbm>> -> memref<64x128xf32, #tpu.memory_space<hbm>>
        %dma_start3A_121 = arith.constant 0 : i32
        %dma_start3A_122 = arith.constant 0 : i32
        %dma_start3A_123 = tpu.memref_slice %arg6[%select_n3A_84, %dma_start3A_121, %dma_start3A_122] : memref<2x64x128xf32, #tpu.memory_space<vmem>> -> memref<1x64x128xf32, #tpu.memory_space<vmem>>
        %dma_start3A_124 = tpu.memref_squeeze %dma_start3A_123 : memref<1x64x128xf32, #tpu.memory_space<vmem>> -> memref<64x128xf32, #tpu.memory_space<vmem>>
        tpu.enqueue_dma source(%dma_start3A_124 : memref<64x128xf32, #tpu.memory_space<vmem>>) target(%dma_start3A_120 : memref<64x128xf32, #tpu.memory_space<hbm>>) target_semaphore(%arg8 : memref<!tpu.dma_semaphore, #tpu.memory_space<semaphore_mem>>)
      }
      %while3A_54 = arith.constant 1 : i32
      scf.for %while3A_68 = %while3A_52 to %while3A_48 step %while3A_54  : i32 {
        %jit3A_69 = arith.constant 2 : i32
        %eq3A_70 = arith.constant 0 : i32
        %eq3A_71 = arith.cmpi eq, %jit3A_69, %eq3A_70 : i32
        %jit3A_72 = arith.constant 1 : i32
        %select_n3A_73 = arith.select %eq3A_71, %jit3A_72, %jit3A_69 : i32
        %rem3A_74 = arith.remsi %while3A_68, %select_n3A_73 : i32
        %ne3A_75 = arith.constant 0 : i32
        %ne3A_76 = arith.cmpi ne, %rem3A_74, %ne3A_75 : i32
        %lt3A_77 = arith.constant 0 : i32
        %lt3A_78 = arith.cmpi slt, %rem3A_74, %lt3A_77 : i32
        %lt3A_79 = arith.constant 0 : i32
        %lt3A_80 = arith.cmpi slt, %select_n3A_73, %lt3A_79 : i32
        %ne3A_81 = arith.xori %lt3A_78, %lt3A_80 : i1
        %and3A_82 = arith.andi %ne3A_81, %ne3A_76 : i1
        %add3A_83 = arith.addi %rem3A_74, %select_n3A_73 : i32
        %select_n3A_84 = arith.select %and3A_82, %add3A_83, %rem3A_74 : i32
        %add3A_85 = arith.constant 1 : i32
        %add3A_86 = arith.addi %while3A_68, %add3A_85 : i32
        %lt3A_87 = arith.cmpi slt, %add3A_86, %min3A_5 : i32
        %convert_element_type3A_88 = arith.extui %lt3A_87 : i1 to i32
        %cond3A_89 = arith.constant 0 : i32
        %cond3A_90 = arith.cmpi ne, %convert_element_type3A_88, %cond3A_89 : i32
        scf.if %cond3A_90 {
          %add3A_125 = arith.constant 1 : i32
          %add3A_126 = arith.addi %while3A_68, %add3A_125 : i32
          %mul3A_127 = arith.constant 128 : i32
          %mul3A_128 = arith.muli %add3A_126, %mul3A_127 : i32
          %add3A_129 = arith.constant 1 : i32
          %add3A_130 = arith.addi %while3A_68, %add3A_129 : i32
          %jit3A_131 = arith.constant 2 : i32
          %eq3A_132 = arith.constant 0 : i32
          %eq3A_133 = arith.cmpi eq, %jit3A_131, %eq3A_132 : i32
          %jit3A_134 = arith.constant 1 : i32
          %select_n3A_135 = arith.select %eq3A_133, %jit3A_134, %jit3A_131 : i32
          %rem3A_136 = arith.remsi %add3A_130, %select_n3A_135 : i32
          %ne3A_137 = arith.constant 0 : i32
          %ne3A_138 = arith.cmpi ne, %rem3A_136, %ne3A_137 : i32
          %lt3A_139 = arith.constant 0 : i32
          %lt3A_140 = arith.cmpi slt, %rem3A_136, %lt3A_139 : i32
          %lt3A_141 = arith.constant 0 : i32
          %lt3A_142 = arith.cmpi slt, %select_n3A_135, %lt3A_141 : i32
          %ne3A_143 = arith.xori %lt3A_140, %lt3A_142 : i1
          %and3A_144 = arith.andi %ne3A_143, %ne3A_138 : i1
          %add3A_145 = arith.addi %rem3A_136, %select_n3A_135 : i32
          %select_n3A_146 = arith.select %and3A_144, %add3A_145, %rem3A_136 : i32
          %dma_start3A_147 = arith.constant 0 : i32
          %dma_start3A_148 = arith.constant 0 : i32
          %dma_start3A_149 = tpu.memref_slice %arg5[%select_n3A_146, %dma_start3A_147, %dma_start3A_148] : memref<2x64x129xf32, #tpu.memory_space<vmem>> -> memref<1x64x128xf32, #tpu.memory_space<vmem>>
          %dma_start3A_150 = tpu.memref_squeeze %dma_start3A_149 : memref<1x64x128xf32, #tpu.memory_space<vmem>> -> memref<64x128xf32, #tpu.memory_space<vmem>>
          %dma_start3A_151 = arith.constant 0 : i32
          %dma_start3A_152 = tpu.memref_slice %arg2[%dma_start3A_151, %mul3A_128] : memref<64x1000000xf32, #tpu.memory_space<hbm>> -> memref<64x128xf32, #tpu.memory_space<hbm>>
          %dma_start3A_153 = arith.constant 0 : i32
          %dma_start3A_154 = arith.constant 0 : i32
          %dma_start3A_155 = tpu.memref_slice %arg5[%select_n3A_146, %dma_start3A_153, %dma_start3A_154] : memref<2x64x129xf32, #tpu.memory_space<vmem>> -> memref<1x64x128xf32, #tpu.memory_space<vmem>>
          %dma_start3A_156 = tpu.memref_squeeze %dma_start3A_155 : memref<1x64x128xf32, #tpu.memory_space<vmem>> -> memref<64x128xf32, #tpu.memory_space<vmem>>
          %dma_start3A_157 = arith.constant 0 : i32
          %dma_start3A_158 = tpu.memref_slice %arg2[%dma_start3A_157, %mul3A_128] : memref<64x1000000xf32, #tpu.memory_space<hbm>> -> memref<64x128xf32, #tpu.memory_space<hbm>>
          tpu.enqueue_dma source(%dma_start3A_158 : memref<64x128xf32, #tpu.memory_space<hbm>>) target(%dma_start3A_156 : memref<64x128xf32, #tpu.memory_space<vmem>>) target_semaphore(%arg7 : memref<!tpu.dma_semaphore, #tpu.memory_space<semaphore_mem>>)
        } else {
        }
        %mul3A_91 = arith.constant 128 : i32
        %mul3A_92 = arith.muli %while3A_68, %mul3A_91 : i32
        %dma_wait3A = arith.constant 0 : i32
        %dma_wait3A_93 = arith.constant 0 : i32
        %dma_wait3A_94 = tpu.memref_slice %arg5[%select_n3A_84, %dma_wait3A, %dma_wait3A_93] : memref<2x64x129xf32, #tpu.memory_space<vmem>> -> memref<1x64x128xf32, #tpu.memory_space<vmem>>
        %dma_wait3A_95 = tpu.memref_squeeze %dma_wait3A_94 : memref<1x64x128xf32, #tpu.memory_space<vmem>> -> memref<64x128xf32, #tpu.memory_space<vmem>>
        %dma_wait3A_96 = arith.constant 0 : i32
        %dma_wait3A_97 = tpu.memref_slice %arg2[%dma_wait3A_96, %mul3A_92] : memref<64x1000000xf32, #tpu.memory_space<hbm>> -> memref<64x128xf32, #tpu.memory_space<hbm>>
        %dma_wait3A_98 = arith.constant 0 : i32
        %dma_wait3A_99 = arith.constant 0 : i32
        %dma_wait3A_100 = tpu.memref_slice %arg5[%select_n3A_84, %dma_wait3A_98, %dma_wait3A_99] : memref<2x64x129xf32, #tpu.memory_space<vmem>> -> memref<1x64x128xf32, #tpu.memory_space<vmem>>
        %dma_wait3A_101 = tpu.memref_squeeze %dma_wait3A_100 : memref<1x64x128xf32, #tpu.memory_space<vmem>> -> memref<64x128xf32, #tpu.memory_space<vmem>>
        %dma_wait3A_102 = arith.constant 0 : i32
        %dma_wait3A_103 = tpu.memref_slice %arg2[%dma_wait3A_102, %mul3A_92] : memref<64x1000000xf32, #tpu.memory_space<hbm>> -> memref<64x128xf32, #tpu.memory_space<hbm>>
        tpu.wait_dma2 semaphore(%arg7 : memref<!tpu.dma_semaphore, #tpu.memory_space<semaphore_mem>>) src(%dma_wait3A_103 : memref<64x128xf32, #tpu.memory_space<hbm>>) dst(%dma_wait3A_101 : memref<64x128xf32, #tpu.memory_space<vmem>>)
        %add3A_104 = arith.constant 2 : i32
        %add3A_105 = arith.addi %mul3A_2, %add3A_104 : i32
        %ge3A = arith.cmpi sge, %while3A_68, %add3A_105 : i32
        %convert_element_type3A_106 = arith.extui %ge3A : i1 to i32
        %cond3A_107 = arith.constant 0 : i32
        %cond3A_108 = arith.cmpi ne, %convert_element_type3A_106, %cond3A_107 : i32
        scf.if %cond3A_108 {
          %mul3A_125 = arith.constant 64 : i32
          %mul3A_126 = arith.muli %while3A_68, %mul3A_125 : i32
          %dma_wait3A_127 = arith.constant 0 : i32
          %dma_wait3A_128 = arith.constant 0 : i32
          %dma_wait3A_129 = tpu.memref_slice %arg6[%select_n3A_84, %dma_wait3A_127, %dma_wait3A_128] : memref<2x64x128xf32, #tpu.memory_space<vmem>> -> memref<1x64x128xf32, #tpu.memory_space<vmem>>
          %dma_wait3A_130 = tpu.memref_squeeze %dma_wait3A_129 : memref<1x64x128xf32, #tpu.memory_space<vmem>> -> memref<64x128xf32, #tpu.memory_space<vmem>>
          %dma_wait3A_131 = arith.constant 0 : i32
          %dma_wait3A_132 = tpu.memref_slice %arg4[%mul3A_126, %dma_wait3A_131] : memref<500000x128xf32, #tpu.memory_space<hbm>> -> memref<64x128xf32, #tpu.memory_space<hbm>>
          %dma_wait3A_133 = arith.constant 0 : i32
          %dma_wait3A_134 = tpu.memref_slice %arg4[%mul3A_126, %dma_wait3A_133] : memref<500000x128xf32, #tpu.memory_space<hbm>> -> memref<64x128xf32, #tpu.memory_space<hbm>>
          %dma_wait3A_135 = arith.constant 0 : i32
          %dma_wait3A_136 = arith.constant 0 : i32
          %dma_wait3A_137 = tpu.memref_slice %arg6[%select_n3A_84, %dma_wait3A_135, %dma_wait3A_136] : memref<2x64x128xf32, #tpu.memory_space<vmem>> -> memref<1x64x128xf32, #tpu.memory_space<vmem>>
          %dma_wait3A_138 = tpu.memref_squeeze %dma_wait3A_137 : memref<1x64x128xf32, #tpu.memory_space<vmem>> -> memref<64x128xf32, #tpu.memory_space<vmem>>
          tpu.wait_dma2 semaphore(%arg8 : memref<!tpu.dma_semaphore, #tpu.memory_space<semaphore_mem>>) src(%dma_wait3A_138 : memref<64x128xf32, #tpu.memory_space<vmem>>) dst(%dma_wait3A_134 : memref<64x128xf32, #tpu.memory_space<hbm>>)
        } else {
        }
        %parallel_loop3A = arith.constant 0 : i32
        %parallel_loop3A_109 = arith.constant 64 : i32
        %parallel_loop3A_110 = arith.constant 1 : i32
        scf.for %parallel_loop3A_125 = %parallel_loop3A to %parallel_loop3A_109 step %parallel_loop3A_110  : i32 {
          %parallel_loop3A_126 = arith.constant 2 : i32
          %parallel_loop3A_127 = arith.muli %parallel_loop3A_126, %parallel_loop3A_125 : i32
          %parallel_loop3A_128 = vector.broadcast %parallel_loop3A_127 : i32 to vector<16xi32>
          %parallel_loop3A_129 = arith.constant 1 : i32
          %parallel_loop3A_130 = vector.broadcast %parallel_loop3A_129 : i32 to vector<16xi32>
          %parallel_loop3A_131 = arith.addi %parallel_loop3A_128, %parallel_loop3A_130 : vector<16xi32>
          %parallel_loop3A_132 = arith.constant 0 : i32
          %parallel_loop3A_133 = arith.constant 0 : i32
          %parallel_loop3A_134 = tpu.memref_slice %arg5[%select_n3A_84, %parallel_loop3A_132, %parallel_loop3A_133] : memref<2x64x129xf32, #tpu.memory_space<vmem>> -> memref<1x64x129xf32, #tpu.memory_space<vmem>>
          %parallel_loop3A_135 = tpu.memref_squeeze %parallel_loop3A_134 : memref<1x64x129xf32, #tpu.memory_space<vmem>> -> memref<64x129xf32, #tpu.memory_space<vmem>>
          %parallel_loop3A_136 = tpu.vector_load_idx %parallel_loop3A_135[%add3A_8, %parallel_loop3A_128] : memref<64x129xf32, #tpu.memory_space<vmem>>[vector<16xi32>, vector<16xi32>], vector<16xf32>,
          %parallel_loop3A_137 = arith.constant 0 : i32
          %parallel_loop3A_138 = arith.constant 0 : i32
          %parallel_loop3A_139 = tpu.memref_slice %arg5[%select_n3A_84, %parallel_loop3A_137, %parallel_loop3A_138] : memref<2x64x129xf32, #tpu.memory_space<vmem>> -> memref<1x64x129xf32, #tpu.memory_space<vmem>>
          %parallel_loop3A_140 = tpu.memref_squeeze %parallel_loop3A_139 : memref<1x64x129xf32, #tpu.memory_space<vmem>> -> memref<64x129xf32, #tpu.memory_space<vmem>>
          %parallel_loop3A_141 = tpu.vector_load_idx %parallel_loop3A_140[%add3A_11, %parallel_loop3A_128] : memref<64x129xf32, #tpu.memory_space<vmem>>[vector<16xi32>, vector<16xi32>], vector<16xf32>,
          %parallel_loop3A_142 = arith.constant 0 : i32
          %parallel_loop3A_143 = arith.constant 0 : i32
          %parallel_loop3A_144 = tpu.memref_slice %arg5[%select_n3A_84, %parallel_loop3A_142, %parallel_loop3A_143] : memref<2x64x129xf32, #tpu.memory_space<vmem>> -> memref<1x64x129xf32, #tpu.memory_space<vmem>>
          %parallel_loop3A_145 = tpu.memref_squeeze %parallel_loop3A_144 : memref<1x64x129xf32, #tpu.memory_space<vmem>> -> memref<64x129xf32, #tpu.memory_space<vmem>>
          %parallel_loop3A_146 = tpu.vector_load_idx %parallel_loop3A_145[%add3A_14, %parallel_loop3A_128] : memref<64x129xf32, #tpu.memory_space<vmem>>[vector<16xi32>, vector<16xi32>], vector<16xf32>,
          %parallel_loop3A_147 = arith.constant 0 : i32
          %parallel_loop3A_148 = arith.constant 0 : i32
          %parallel_loop3A_149 = tpu.memref_slice %arg5[%select_n3A_84, %parallel_loop3A_147, %parallel_loop3A_148] : memref<2x64x129xf32, #tpu.memory_space<vmem>> -> memref<1x64x129xf32, #tpu.memory_space<vmem>>
          %parallel_loop3A_150 = tpu.memref_squeeze %parallel_loop3A_149 : memref<1x64x129xf32, #tpu.memory_space<vmem>> -> memref<64x129xf32, #tpu.memory_space<vmem>>
          %parallel_loop3A_151 = tpu.vector_load_idx %parallel_loop3A_150[%add3A_17, %parallel_loop3A_128] : memref<64x129xf32, #tpu.memory_space<vmem>>[vector<16xi32>, vector<16xi32>], vector<16xf32>,
          %parallel_loop3A_152 = arith.constant 0 : i32
          %parallel_loop3A_153 = arith.constant 0 : i32
          %parallel_loop3A_154 = tpu.memref_slice %arg5[%select_n3A_84, %parallel_loop3A_152, %parallel_loop3A_153] : memref<2x64x129xf32, #tpu.memory_space<vmem>> -> memref<1x64x129xf32, #tpu.memory_space<vmem>>
          %parallel_loop3A_155 = tpu.memref_squeeze %parallel_loop3A_154 : memref<1x64x129xf32, #tpu.memory_space<vmem>> -> memref<64x129xf32, #tpu.memory_space<vmem>>
          %parallel_loop3A_156 = tpu.vector_load_idx %parallel_loop3A_155[%add3A_8, %parallel_loop3A_131] : memref<64x129xf32, #tpu.memory_space<vmem>>[vector<16xi32>, vector<16xi32>], vector<16xf32>,
          %parallel_loop3A_157 = arith.constant 0 : i32
          %parallel_loop3A_158 = arith.constant 0 : i32
          %parallel_loop3A_159 = tpu.memref_slice %arg5[%select_n3A_84, %parallel_loop3A_157, %parallel_loop3A_158] : memref<2x64x129xf32, #tpu.memory_space<vmem>> -> memref<1x64x129xf32, #tpu.memory_space<vmem>>
          %parallel_loop3A_160 = tpu.memref_squeeze %parallel_loop3A_159 : memref<1x64x129xf32, #tpu.memory_space<vmem>> -> memref<64x129xf32, #tpu.memory_space<vmem>>
          %parallel_loop3A_161 = tpu.vector_load_idx %parallel_loop3A_160[%add3A_11, %parallel_loop3A_131] : memref<64x129xf32, #tpu.memory_space<vmem>>[vector<16xi32>, vector<16xi32>], vector<16xf32>,
          %parallel_loop3A_162 = arith.constant 0 : i32
          %parallel_loop3A_163 = arith.constant 0 : i32
          %parallel_loop3A_164 = tpu.memref_slice %arg5[%select_n3A_84, %parallel_loop3A_162, %parallel_loop3A_163] : memref<2x64x129xf32, #tpu.memory_space<vmem>> -> memref<1x64x129xf32, #tpu.memory_space<vmem>>
          %parallel_loop3A_165 = tpu.memref_squeeze %parallel_loop3A_164 : memref<1x64x129xf32, #tpu.memory_space<vmem>> -> memref<64x129xf32, #tpu.memory_space<vmem>>
          %parallel_loop3A_166 = tpu.vector_load_idx %parallel_loop3A_165[%add3A_14, %parallel_loop3A_131] : memref<64x129xf32, #tpu.memory_space<vmem>>[vector<16xi32>, vector<16xi32>], vector<16xf32>,
          %parallel_loop3A_167 = arith.constant 0 : i32
          %parallel_loop3A_168 = arith.constant 0 : i32
          %parallel_loop3A_169 = tpu.memref_slice %arg5[%select_n3A_84, %parallel_loop3A_167, %parallel_loop3A_168] : memref<2x64x129xf32, #tpu.memory_space<vmem>> -> memref<1x64x129xf32, #tpu.memory_space<vmem>>
          %parallel_loop3A_170 = tpu.memref_squeeze %parallel_loop3A_169 : memref<1x64x129xf32, #tpu.memory_space<vmem>> -> memref<64x129xf32, #tpu.memory_space<vmem>>
          %parallel_loop3A_171 = tpu.vector_load_idx %parallel_loop3A_170[%add3A_17, %parallel_loop3A_131] : memref<64x129xf32, #tpu.memory_space<vmem>>[vector<16xi32>, vector<16xi32>], vector<16xf32>,
          %parallel_loop3A_172 = arith.constant 0 : i32
          %parallel_loop3A_173 = arith.constant 0 : i32
          %parallel_loop3A_174 = tpu.memref_slice %arg6[%select_n3A_84, %parallel_loop3A_172, %parallel_loop3A_173] : memref<2x64x128xf32, #tpu.memory_space<vmem>> -> memref<1x64x128xf32, #tpu.memory_space<vmem>>
          %parallel_loop3A_175 = tpu.memref_squeeze %parallel_loop3A_174 : memref<1x64x128xf32, #tpu.memory_space<vmem>> -> memref<64x128xf32, #tpu.memory_space<vmem>>
          %parallel_loop3A_176 = arith.index_cast %parallel_loop3A_125 : i32 to index
          %parallel_loop3A_177 = arith.constant 0 : index
          %parallel_loop3A_178 = tpu.vector_load %parallel_loop3A_175[%parallel_loop3A_176, %parallel_loop3A_177] {strides = array<i32>} : memref<64x128xf32, #tpu.memory_space<vmem>>, vector<16xf32>,
          tpu.vector_store %parallel_loop3A_175[%parallel_loop3A_176, %parallel_loop3A_177], %parallel_loop3A_136 {strides = array<i32>} : memref<64x128xf32, #tpu.memory_space<vmem>>, vector<16xf32>,
          %parallel_loop3A_179 = arith.constant 0 : i32
          %parallel_loop3A_180 = arith.constant 0 : i32
          %parallel_loop3A_181 = tpu.memref_slice %arg6[%select_n3A_84, %parallel_loop3A_179, %parallel_loop3A_180] : memref<2x64x128xf32, #tpu.memory_space<vmem>> -> memref<1x64x128xf32, #tpu.memory_space<vmem>>
          %parallel_loop3A_182 = tpu.memref_squeeze %parallel_loop3A_181 : memref<1x64x128xf32, #tpu.memory_space<vmem>> -> memref<64x128xf32, #tpu.memory_space<vmem>>
          %parallel_loop3A_183 = arith.index_cast %parallel_loop3A_125 : i32 to index
          %parallel_loop3A_184 = arith.constant 16 : index
          %parallel_loop3A_185 = tpu.vector_load %parallel_loop3A_182[%parallel_loop3A_183, %parallel_loop3A_184] {strides = array<i32>} : memref<64x128xf32, #tpu.memory_space<vmem>>, vector<16xf32>,
          tpu.vector_store %parallel_loop3A_182[%parallel_loop3A_183, %parallel_loop3A_184], %parallel_loop3A_141 {strides = array<i32>} : memref<64x128xf32, #tpu.memory_space<vmem>>, vector<16xf32>,
          %parallel_loop3A_186 = arith.constant 0 : i32
          %parallel_loop3A_187 = arith.constant 0 : i32
          %parallel_loop3A_188 = tpu.memref_slice %arg6[%select_n3A_84, %parallel_loop3A_186, %parallel_loop3A_187] : memref<2x64x128xf32, #tpu.memory_space<vmem>> -> memref<1x64x128xf32, #tpu.memory_space<vmem>>
          %parallel_loop3A_189 = tpu.memref_squeeze %parallel_loop3A_188 : memref<1x64x128xf32, #tpu.memory_space<vmem>> -> memref<64x128xf32, #tpu.memory_space<vmem>>
          %parallel_loop3A_190 = arith.index_cast %parallel_loop3A_125 : i32 to index
          %parallel_loop3A_191 = arith.constant 32 : index
          %parallel_loop3A_192 = tpu.vector_load %parallel_loop3A_189[%parallel_loop3A_190, %parallel_loop3A_191] {strides = array<i32>} : memref<64x128xf32, #tpu.memory_space<vmem>>, vector<16xf32>,
          tpu.vector_store %parallel_loop3A_189[%parallel_loop3A_190, %parallel_loop3A_191], %parallel_loop3A_146 {strides = array<i32>} : memref<64x128xf32, #tpu.memory_space<vmem>>, vector<16xf32>,
          %parallel_loop3A_193 = arith.constant 0 : i32
          %parallel_loop3A_194 = arith.constant 0 : i32
          %parallel_loop3A_195 = tpu.memref_slice %arg6[%select_n3A_84, %parallel_loop3A_193, %parallel_loop3A_194] : memref<2x64x128xf32, #tpu.memory_space<vmem>> -> memref<1x64x128xf32, #tpu.memory_space<vmem>>
          %parallel_loop3A_196 = tpu.memref_squeeze %parallel_loop3A_195 : memref<1x64x128xf32, #tpu.memory_space<vmem>> -> memref<64x128xf32, #tpu.memory_space<vmem>>
          %parallel_loop3A_197 = arith.index_cast %parallel_loop3A_125 : i32 to index
          %parallel_loop3A_198 = arith.constant 48 : index
          %parallel_loop3A_199 = tpu.vector_load %parallel_loop3A_196[%parallel_loop3A_197, %parallel_loop3A_198] {strides = array<i32>} : memref<64x128xf32, #tpu.memory_space<vmem>>, vector<16xf32>,
          tpu.vector_store %parallel_loop3A_196[%parallel_loop3A_197, %parallel_loop3A_198], %parallel_loop3A_151 {strides = array<i32>} : memref<64x128xf32, #tpu.memory_space<vmem>>, vector<16xf32>,
          %parallel_loop3A_200 = arith.constant 0 : i32
          %parallel_loop3A_201 = arith.constant 0 : i32
          %parallel_loop3A_202 = tpu.memref_slice %arg6[%select_n3A_84, %parallel_loop3A_200, %parallel_loop3A_201] : memref<2x64x128xf32, #tpu.memory_space<vmem>> -> memref<1x64x128xf32, #tpu.memory_space<vmem>>
          %parallel_loop3A_203 = tpu.memref_squeeze %parallel_loop3A_202 : memref<1x64x128xf32, #tpu.memory_space<vmem>> -> memref<64x128xf32, #tpu.memory_space<vmem>>
          %parallel_loop3A_204 = arith.index_cast %parallel_loop3A_125 : i32 to index
          %parallel_loop3A_205 = arith.constant 64 : index
          %parallel_loop3A_206 = tpu.vector_load %parallel_loop3A_203[%parallel_loop3A_204, %parallel_loop3A_205] {strides = array<i32>} : memref<64x128xf32, #tpu.memory_space<vmem>>, vector<16xf32>,
          tpu.vector_store %parallel_loop3A_203[%parallel_loop3A_204, %parallel_loop3A_205], %parallel_loop3A_156 {strides = array<i32>} : memref<64x128xf32, #tpu.memory_space<vmem>>, vector<16xf32>,
          %parallel_loop3A_207 = arith.constant 0 : i32
          %parallel_loop3A_208 = arith.constant 0 : i32
          %parallel_loop3A_209 = tpu.memref_slice %arg6[%select_n3A_84, %parallel_loop3A_207, %parallel_loop3A_208] : memref<2x64x128xf32, #tpu.memory_space<vmem>> -> memref<1x64x128xf32, #tpu.memory_space<vmem>>
          %parallel_loop3A_210 = tpu.memref_squeeze %parallel_loop3A_209 : memref<1x64x128xf32, #tpu.memory_space<vmem>> -> memref<64x128xf32, #tpu.memory_space<vmem>>
          %parallel_loop3A_211 = arith.index_cast %parallel_loop3A_125 : i32 to index
          %parallel_loop3A_212 = arith.constant 80 : index
          %parallel_loop3A_213 = tpu.vector_load %parallel_loop3A_210[%parallel_loop3A_211, %parallel_loop3A_212] {strides = array<i32>} : memref<64x128xf32, #tpu.memory_space<vmem>>, vector<16xf32>,
          tpu.vector_store %parallel_loop3A_210[%parallel_loop3A_211, %parallel_loop3A_212], %parallel_loop3A_161 {strides = array<i32>} : memref<64x128xf32, #tpu.memory_space<vmem>>, vector<16xf32>,
          %parallel_loop3A_214 = arith.constant 0 : i32
          %parallel_loop3A_215 = arith.constant 0 : i32
          %parallel_loop3A_216 = tpu.memref_slice %arg6[%select_n3A_84, %parallel_loop3A_214, %parallel_loop3A_215] : memref<2x64x128xf32, #tpu.memory_space<vmem>> -> memref<1x64x128xf32, #tpu.memory_space<vmem>>
          %parallel_loop3A_217 = tpu.memref_squeeze %parallel_loop3A_216 : memref<1x64x128xf32, #tpu.memory_space<vmem>> -> memref<64x128xf32, #tpu.memory_space<vmem>>
          %parallel_loop3A_218 = arith.index_cast %parallel_loop3A_125 : i32 to index
          %parallel_loop3A_219 = arith.constant 96 : index
          %parallel_loop3A_220 = tpu.vector_load %parallel_loop3A_217[%parallel_loop3A_218, %parallel_loop3A_219] {strides = array<i32>} : memref<64x128xf32, #tpu.memory_space<vmem>>, vector<16xf32>,
          tpu.vector_store %parallel_loop3A_217[%parallel_loop3A_218, %parallel_loop3A_219], %parallel_loop3A_166 {strides = array<i32>} : memref<64x128xf32, #tpu.memory_space<vmem>>, vector<16xf32>,
          %parallel_loop3A_221 = arith.constant 0 : i32
          %parallel_loop3A_222 = arith.constant 0 : i32
          %parallel_loop3A_223 = tpu.memref_slice %arg6[%select_n3A_84, %parallel_loop3A_221, %parallel_loop3A_222] : memref<2x64x128xf32, #tpu.memory_space<vmem>> -> memref<1x64x128xf32, #tpu.memory_space<vmem>>
          %parallel_loop3A_224 = tpu.memref_squeeze %parallel_loop3A_223 : memref<1x64x128xf32, #tpu.memory_space<vmem>> -> memref<64x128xf32, #tpu.memory_space<vmem>>
          %parallel_loop3A_225 = arith.index_cast %parallel_loop3A_125 : i32 to index
          %parallel_loop3A_226 = arith.constant 112 : index
          %parallel_loop3A_227 = tpu.vector_load %parallel_loop3A_224[%parallel_loop3A_225, %parallel_loop3A_226] {strides = array<i32>} : memref<64x128xf32, #tpu.memory_space<vmem>>, vector<16xf32>,
          tpu.vector_store %parallel_loop3A_224[%parallel_loop3A_225, %parallel_loop3A_226], %parallel_loop3A_171 {strides = array<i32>} : memref<64x128xf32, #tpu.memory_space<vmem>>, vector<16xf32>,
        } {sc.loop_unroll_factor = 4 : i64, sc.parallel_access}
        %mul3A_111 = arith.constant 64 : i32
        %mul3A_112 = arith.muli %while3A_68, %mul3A_111 : i32
        %dma_start3A_113 = arith.constant 0 : i32
        %dma_start3A_114 = arith.constant 0 : i32
        %dma_start3A_115 = tpu.memref_slice %arg6[%select_n3A_84, %dma_start3A_113, %dma_start3A_114] : memref<2x64x128xf32, #tpu.memory_space<vmem>> -> memref<1x64x128xf32, #tpu.memory_space<vmem>>
        %dma_start3A_116 = tpu.memref_squeeze %dma_start3A_115 : memref<1x64x128xf32, #tpu.memory_space<vmem>> -> memref<64x128xf32, #tpu.memory_space<vmem>>
        %dma_start3A_117 = arith.constant 0 : i32
        %dma_start3A_118 = tpu.memref_slice %arg4[%mul3A_112, %dma_start3A_117] : memref<500000x128xf32, #tpu.memory_space<hbm>> -> memref<64x128xf32, #tpu.memory_space<hbm>>
        %dma_start3A_119 = arith.constant 0 : i32
        %dma_start3A_120 = tpu.memref_slice %arg4[%mul3A_112, %dma_start3A_119] : memref<500000x128xf32, #tpu.memory_space<hbm>> -> memref<64x128xf32, #tpu.memory_space<hbm>>
        %dma_start3A_121 = arith.constant 0 : i32
        %dma_start3A_122 = arith.constant 0 : i32
        %dma_start3A_123 = tpu.memref_slice %arg6[%select_n3A_84, %dma_start3A_121, %dma_start3A_122] : memref<2x64x128xf32, #tpu.memory_space<vmem>> -> memref<1x64x128xf32, #tpu.memory_space<vmem>>
        %dma_start3A_124 = tpu.memref_squeeze %dma_start3A_123 : memref<1x64x128xf32, #tpu.memory_space<vmem>> -> memref<64x128xf32, #tpu.memory_space<vmem>>
        tpu.enqueue_dma source(%dma_start3A_124 : memref<64x128xf32, #tpu.memory_space<vmem>>) target(%dma_start3A_120 : memref<64x128xf32, #tpu.memory_space<hbm>>) target_semaphore(%arg8 : memref<!tpu.dma_semaphore, #tpu.memory_space<semaphore_mem>>)
      }
      %sub3A = arith.subi %min3A_5, %mul3A_2 : i32
      %min3A_55 = arith.constant 2 : i32
      %min3A_56 = arith.minsi %sub3A, %min3A_55 : i32
      %mul3A_57 = arith.constant 32768 : i32
      %mul3A_58 = arith.muli %min3A_56, %mul3A_57 : i32
      %gt3A = arith.constant 0 : i32
      %gt3A_59 = arith.cmpi sgt, %mul3A_58, %gt3A : i32
      %convert_element_type3A_60 = arith.extui %gt3A_59 : i1 to i32
      %cond3A_61 = arith.constant 0 : i32
      %cond3A_62 = arith.cmpi ne, %convert_element_type3A_60, %cond3A_61 : i32
      scf.if %cond3A_62 {
        %dma_wait3A = arith.constant 0 : i32
        %dma_wait3A_68 = arith.constant 0 : i32
        %dma_wait3A_69 = arith.constant 0 : i32
        %dma_wait3A_70 = tpu.memref_slice %arg6[%dma_wait3A, %dma_wait3A_68, %dma_wait3A_69] : memref<2x64x128xf32, #tpu.memory_space<vmem>> -> memref<1x64x128xf32, #tpu.memory_space<vmem>>
        %dma_wait3A_71 = tpu.memref_squeeze %dma_wait3A_70 : memref<1x64x128xf32, #tpu.memory_space<vmem>> -> memref<64x128xf32, #tpu.memory_space<vmem>>
        %dma_wait3A_72 = arith.constant 0 : i32
        %dma_wait3A_73 = arith.constant 0 : i32
        %dma_wait3A_74 = tpu.memref_slice %arg4[%dma_wait3A_72, %dma_wait3A_73] : memref<500000x128xf32, #tpu.memory_space<hbm>> -> memref<64x128xf32, #tpu.memory_space<hbm>>
        %dma_wait3A_75 = arith.constant 0 : i32
        %dma_wait3A_76 = arith.constant 0 : i32
        %dma_wait3A_77 = tpu.memref_slice %arg4[%dma_wait3A_75, %dma_wait3A_76] : memref<500000x128xf32, #tpu.memory_space<hbm>> -> memref<64x128xf32, #tpu.memory_space<hbm>>
        %dma_wait3A_78 = arith.constant 0 : i32
        %dma_wait3A_79 = arith.constant 0 : i32
        %dma_wait3A_80 = tpu.memref_slice %arg6[%dma_wait3A, %dma_wait3A_78, %dma_wait3A_79] : memref<2x64x128xf32, #tpu.memory_space<vmem>> -> memref<1x64x128xf32, #tpu.memory_space<vmem>>
        %dma_wait3A_81 = tpu.memref_squeeze %dma_wait3A_80 : memref<1x64x128xf32, #tpu.memory_space<vmem>> -> memref<64x128xf32, #tpu.memory_space<vmem>>
        tpu.wait_dma2 semaphore(%arg8 : memref<!tpu.dma_semaphore, #tpu.memory_space<semaphore_mem>>) src(%dma_wait3A_81 : memref<64x128xf32, #tpu.memory_space<vmem>>) dst(%dma_wait3A_77 : memref<64x128xf32, #tpu.memory_space<hbm>>)
      } else {
      }
      %gt3A_63 = arith.constant 32768 : i32
      %gt3A_64 = arith.cmpi sgt, %mul3A_58, %gt3A_63 : i32
      %convert_element_type3A_65 = arith.extui %gt3A_64 : i1 to i32
      %cond3A_66 = arith.constant 0 : i32
      %cond3A_67 = arith.cmpi ne, %convert_element_type3A_65, %cond3A_66 : i32
      scf.if %cond3A_67 {
        %dma_wait3A = arith.constant 0 : i32
        %dma_wait3A_68 = arith.constant 0 : i32
        %dma_wait3A_69 = arith.constant 0 : i32
        %dma_wait3A_70 = tpu.memref_slice %arg6[%dma_wait3A, %dma_wait3A_68, %dma_wait3A_69] : memref<2x64x128xf32, #tpu.memory_space<vmem>> -> memref<1x64x128xf32, #tpu.memory_space<vmem>>
        %dma_wait3A_71 = tpu.memref_squeeze %dma_wait3A_70 : memref<1x64x128xf32, #tpu.memory_space<vmem>> -> memref<64x128xf32, #tpu.memory_space<vmem>>
        %dma_wait3A_72 = arith.constant 0 : i32
        %dma_wait3A_73 = arith.constant 0 : i32
        %dma_wait3A_74 = tpu.memref_slice %arg4[%dma_wait3A_72, %dma_wait3A_73] : memref<500000x128xf32, #tpu.memory_space<hbm>> -> memref<64x128xf32, #tpu.memory_space<hbm>>
        %dma_wait3A_75 = arith.constant 0 : i32
        %dma_wait3A_76 = arith.constant 0 : i32
        %dma_wait3A_77 = tpu.memref_slice %arg4[%dma_wait3A_75, %dma_wait3A_76] : memref<500000x128xf32, #tpu.memory_space<hbm>> -> memref<64x128xf32, #tpu.memory_space<hbm>>
        %dma_wait3A_78 = arith.constant 0 : i32
        %dma_wait3A_79 = arith.constant 0 : i32
        %dma_wait3A_80 = tpu.memref_slice %arg6[%dma_wait3A, %dma_wait3A_78, %dma_wait3A_79] : memref<2x64x128xf32, #tpu.memory_space<vmem>> -> memref<1x64x128xf32, #tpu.memory_space<vmem>>
        %dma_wait3A_81 = tpu.memref_squeeze %dma_wait3A_80 : memref<1x64x128xf32, #tpu.memory_space<vmem>> -> memref<64x128xf32, #tpu.memory_space<vmem>>
        tpu.wait_dma2 semaphore(%arg8 : memref<!tpu.dma_semaphore, #tpu.memory_space<semaphore_mem>>) src(%dma_wait3A_81 : memref<64x128xf32, #tpu.memory_space<vmem>>) dst(%dma_wait3A_77 : memref<64x128xf32, #tpu.memory_space<hbm>>)
      } else {
      }
    } else {
    }
    %eq3A = arith.constant 0 : i32
    %eq3A_19 = arith.cmpi eq, %add3A, %eq3A : i32
    %convert_element_type3A_20 = arith.extui %eq3A_19 : i1 to i32
    %cond3A_21 = arith.constant 0 : i32
    %cond3A_22 = arith.cmpi ne, %convert_element_type3A_20, %cond3A_21 : i32
    scf.if %cond3A_22 {
      %run_scoped3A = arith.constant 0 : i32
      "tpu.region"() ({
        %run_scoped3A_28 = tpu.sem_alloc : memref<!tpu.dma_semaphore, #tpu.memory_space<semaphore_mem>>
        %dma_start3A = arith.constant 0 : i32
        %dma_start3A_29 = arith.constant 0 : i32
        %dma_start3A_30 = tpu.memref_slice %arg5[%run_scoped3A, %dma_start3A, %dma_start3A_29] : memref<2x64x129xf32, #tpu.memory_space<vmem>> -> memref<1x64x128xf32, #tpu.memory_space<vmem>>
        %dma_start3A_31 = tpu.memref_squeeze %dma_start3A_30 : memref<1x64x128xf32, #tpu.memory_space<vmem>> -> memref<64x128xf32, #tpu.memory_space<vmem>>
        %dma_start3A_32 = arith.constant 0 : i32
        %dma_start3A_33 = arith.constant 0 : i32
        %dma_start3A_34 = tpu.memref_slice %arg5[%run_scoped3A, %dma_start3A_32, %dma_start3A_33] : memref<2x64x129xf32, #tpu.memory_space<vmem>> -> memref<1x64x128xf32, #tpu.memory_space<vmem>>
        %dma_start3A_35 = tpu.memref_squeeze %dma_start3A_34 : memref<1x64x128xf32, #tpu.memory_space<vmem>> -> memref<64x128xf32, #tpu.memory_space<vmem>>
        tpu.enqueue_dma source(%arg3 : memref<64x128xf32, #tpu.memory_space<hbm>>) target(%dma_start3A_35 : memref<64x128xf32, #tpu.memory_space<vmem>>) target_semaphore(%run_scoped3A_28 : memref<!tpu.dma_semaphore, #tpu.memory_space<semaphore_mem>>)
        %dma_wait3A = arith.constant 0 : i32
        %dma_wait3A_36 = arith.constant 0 : i32
        %dma_wait3A_37 = tpu.memref_slice %arg5[%run_scoped3A, %dma_wait3A, %dma_wait3A_36] : memref<2x64x129xf32, #tpu.memory_space<vmem>> -> memref<1x64x128xf32, #tpu.memory_space<vmem>>
        %dma_wait3A_38 = tpu.memref_squeeze %dma_wait3A_37 : memref<1x64x128xf32, #tpu.memory_space<vmem>> -> memref<64x128xf32, #tpu.memory_space<vmem>>
        %dma_wait3A_39 = arith.constant 0 : i32
        %dma_wait3A_40 = arith.constant 0 : i32
        %dma_wait3A_41 = tpu.memref_slice %arg5[%run_scoped3A, %dma_wait3A_39, %dma_wait3A_40] : memref<2x64x129xf32, #tpu.memory_space<vmem>> -> memref<1x64x128xf32, #tpu.memory_space<vmem>>
        %dma_wait3A_42 = tpu.memref_squeeze %dma_wait3A_41 : memref<1x64x128xf32, #tpu.memory_space<vmem>> -> memref<64x128xf32, #tpu.memory_space<vmem>>
        tpu.wait_dma2 semaphore(%run_scoped3A_28 : memref<!tpu.dma_semaphore, #tpu.memory_space<semaphore_mem>>) src(%arg3 : memref<64x128xf32, #tpu.memory_space<hbm>>) dst(%dma_wait3A_42 : memref<64x128xf32, #tpu.memory_space<vmem>>)
        tpu.yield
      }) : () -> ()
      %parallel_loop3A = arith.constant 0 : i32
      %parallel_loop3A_23 = arith.constant 32 : i32
      %parallel_loop3A_24 = arith.constant 1 : i32
      %parallel_loop3A_25 = arith.constant 0 : i32
      %parallel_loop3A_26 = arith.constant 0 : i32
      scf.for %parallel_loop3A_28 = %parallel_loop3A to %parallel_loop3A_23 step %parallel_loop3A_24  : i32 {
        %parallel_loop3A_29 = arith.constant 2 : i32
        %parallel_loop3A_30 = arith.muli %parallel_loop3A_29, %parallel_loop3A_28 : i32
        %parallel_loop3A_31 = vector.broadcast %parallel_loop3A_30 : i32 to vector<16xi32>
        %parallel_loop3A_32 = arith.constant 1 : i32
        %parallel_loop3A_33 = vector.broadcast %parallel_loop3A_32 : i32 to vector<16xi32>
        %parallel_loop3A_34 = arith.addi %parallel_loop3A_31, %parallel_loop3A_33 : vector<16xi32>
        %parallel_loop3A_35 = arith.constant 0 : i32
        %parallel_loop3A_36 = arith.constant 0 : i32
        %parallel_loop3A_37 = tpu.memref_slice %arg5[%parallel_loop3A_25, %parallel_loop3A_35, %parallel_loop3A_36] : memref<2x64x129xf32, #tpu.memory_space<vmem>> -> memref<1x64x129xf32, #tpu.memory_space<vmem>>
        %parallel_loop3A_38 = tpu.memref_squeeze %parallel_loop3A_37 : memref<1x64x129xf32, #tpu.memory_space<vmem>> -> memref<64x129xf32, #tpu.memory_space<vmem>>
        %parallel_loop3A_39 = tpu.vector_load_idx %parallel_loop3A_38[%add3A_8, %parallel_loop3A_31] : memref<64x129xf32, #tpu.memory_space<vmem>>[vector<16xi32>, vector<16xi32>], vector<16xf32>,
        %parallel_loop3A_40 = arith.constant 0 : i32
        %parallel_loop3A_41 = arith.constant 0 : i32
        %parallel_loop3A_42 = tpu.memref_slice %arg5[%parallel_loop3A_25, %parallel_loop3A_40, %parallel_loop3A_41] : memref<2x64x129xf32, #tpu.memory_space<vmem>> -> memref<1x64x129xf32, #tpu.memory_space<vmem>>
        %parallel_loop3A_43 = tpu.memref_squeeze %parallel_loop3A_42 : memref<1x64x129xf32, #tpu.memory_space<vmem>> -> memref<64x129xf32, #tpu.memory_space<vmem>>
        %parallel_loop3A_44 = tpu.vector_load_idx %parallel_loop3A_43[%add3A_11, %parallel_loop3A_31] : memref<64x129xf32, #tpu.memory_space<vmem>>[vector<16xi32>, vector<16xi32>], vector<16xf32>,
        %parallel_loop3A_45 = arith.constant 0 : i32
        %parallel_loop3A_46 = arith.constant 0 : i32
        %parallel_loop3A_47 = tpu.memref_slice %arg5[%parallel_loop3A_25, %parallel_loop3A_45, %parallel_loop3A_46] : memref<2x64x129xf32, #tpu.memory_space<vmem>> -> memref<1x64x129xf32, #tpu.memory_space<vmem>>
        %parallel_loop3A_48 = tpu.memref_squeeze %parallel_loop3A_47 : memref<1x64x129xf32, #tpu.memory_space<vmem>> -> memref<64x129xf32, #tpu.memory_space<vmem>>
        %parallel_loop3A_49 = tpu.vector_load_idx %parallel_loop3A_48[%add3A_14, %parallel_loop3A_31] : memref<64x129xf32, #tpu.memory_space<vmem>>[vector<16xi32>, vector<16xi32>], vector<16xf32>,
        %parallel_loop3A_50 = arith.constant 0 : i32
        %parallel_loop3A_51 = arith.constant 0 : i32
        %parallel_loop3A_52 = tpu.memref_slice %arg5[%parallel_loop3A_25, %parallel_loop3A_50, %parallel_loop3A_51] : memref<2x64x129xf32, #tpu.memory_space<vmem>> -> memref<1x64x129xf32, #tpu.memory_space<vmem>>
        %parallel_loop3A_53 = tpu.memref_squeeze %parallel_loop3A_52 : memref<1x64x129xf32, #tpu.memory_space<vmem>> -> memref<64x129xf32, #tpu.memory_space<vmem>>
        %parallel_loop3A_54 = tpu.vector_load_idx %parallel_loop3A_53[%add3A_17, %parallel_loop3A_31] : memref<64x129xf32, #tpu.memory_space<vmem>>[vector<16xi32>, vector<16xi32>], vector<16xf32>,
        %parallel_loop3A_55 = arith.constant 0 : i32
        %parallel_loop3A_56 = arith.constant 0 : i32
        %parallel_loop3A_57 = tpu.memref_slice %arg5[%parallel_loop3A_25, %parallel_loop3A_55, %parallel_loop3A_56] : memref<2x64x129xf32, #tpu.memory_space<vmem>> -> memref<1x64x129xf32, #tpu.memory_space<vmem>>
        %parallel_loop3A_58 = tpu.memref_squeeze %parallel_loop3A_57 : memref<1x64x129xf32, #tpu.memory_space<vmem>> -> memref<64x129xf32, #tpu.memory_space<vmem>>
        %parallel_loop3A_59 = tpu.vector_load_idx %parallel_loop3A_58[%add3A_8, %parallel_loop3A_34] : memref<64x129xf32, #tpu.memory_space<vmem>>[vector<16xi32>, vector<16xi32>], vector<16xf32>,
        %parallel_loop3A_60 = arith.constant 0 : i32
        %parallel_loop3A_61 = arith.constant 0 : i32
        %parallel_loop3A_62 = tpu.memref_slice %arg5[%parallel_loop3A_25, %parallel_loop3A_60, %parallel_loop3A_61] : memref<2x64x129xf32, #tpu.memory_space<vmem>> -> memref<1x64x129xf32, #tpu.memory_space<vmem>>
        %parallel_loop3A_63 = tpu.memref_squeeze %parallel_loop3A_62 : memref<1x64x129xf32, #tpu.memory_space<vmem>> -> memref<64x129xf32, #tpu.memory_space<vmem>>
        %parallel_loop3A_64 = tpu.vector_load_idx %parallel_loop3A_63[%add3A_11, %parallel_loop3A_34] : memref<64x129xf32, #tpu.memory_space<vmem>>[vector<16xi32>, vector<16xi32>], vector<16xf32>,
        %parallel_loop3A_65 = arith.constant 0 : i32
        %parallel_loop3A_66 = arith.constant 0 : i32
        %parallel_loop3A_67 = tpu.memref_slice %arg5[%parallel_loop3A_25, %parallel_loop3A_65, %parallel_loop3A_66] : memref<2x64x129xf32, #tpu.memory_space<vmem>> -> memref<1x64x129xf32, #tpu.memory_space<vmem>>
        %parallel_loop3A_68 = tpu.memref_squeeze %parallel_loop3A_67 : memref<1x64x129xf32, #tpu.memory_space<vmem>> -> memref<64x129xf32, #tpu.memory_space<vmem>>
        %parallel_loop3A_69 = tpu.vector_load_idx %parallel_loop3A_68[%add3A_14, %parallel_loop3A_34] : memref<64x129xf32, #tpu.memory_space<vmem>>[vector<16xi32>, vector<16xi32>], vector<16xf32>,
        %parallel_loop3A_70 = arith.constant 0 : i32
        %parallel_loop3A_71 = arith.constant 0 : i32
        %parallel_loop3A_72 = tpu.memref_slice %arg5[%parallel_loop3A_25, %parallel_loop3A_70, %parallel_loop3A_71] : memref<2x64x129xf32, #tpu.memory_space<vmem>> -> memref<1x64x129xf32, #tpu.memory_space<vmem>>
        %parallel_loop3A_73 = tpu.memref_squeeze %parallel_loop3A_72 : memref<1x64x129xf32, #tpu.memory_space<vmem>> -> memref<64x129xf32, #tpu.memory_space<vmem>>
        %parallel_loop3A_74 = tpu.vector_load_idx %parallel_loop3A_73[%add3A_17, %parallel_loop3A_34] : memref<64x129xf32, #tpu.memory_space<vmem>>[vector<16xi32>, vector<16xi32>], vector<16xf32>,
        %parallel_loop3A_75 = arith.constant 0 : i32
        %parallel_loop3A_76 = arith.constant 0 : i32
        %parallel_loop3A_77 = tpu.memref_slice %arg6[%parallel_loop3A_26, %parallel_loop3A_75, %parallel_loop3A_76] : memref<2x64x128xf32, #tpu.memory_space<vmem>> -> memref<1x64x128xf32, #tpu.memory_space<vmem>>
        %parallel_loop3A_78 = tpu.memref_squeeze %parallel_loop3A_77 : memref<1x64x128xf32, #tpu.memory_space<vmem>> -> memref<64x128xf32, #tpu.memory_space<vmem>>
        %parallel_loop3A_79 = arith.index_cast %parallel_loop3A_28 : i32 to index
        %parallel_loop3A_80 = arith.constant 0 : index
        %parallel_loop3A_81 = tpu.vector_load %parallel_loop3A_78[%parallel_loop3A_79, %parallel_loop3A_80] {strides = array<i32>} : memref<64x128xf32, #tpu.memory_space<vmem>>, vector<16xf32>,
        tpu.vector_store %parallel_loop3A_78[%parallel_loop3A_79, %parallel_loop3A_80], %parallel_loop3A_39 {strides = array<i32>} : memref<64x128xf32, #tpu.memory_space<vmem>>, vector<16xf32>,
        %parallel_loop3A_82 = arith.constant 0 : i32
        %parallel_loop3A_83 = arith.constant 0 : i32
        %parallel_loop3A_84 = tpu.memref_slice %arg6[%parallel_loop3A_26, %parallel_loop3A_82, %parallel_loop3A_83] : memref<2x64x128xf32, #tpu.memory_space<vmem>> -> memref<1x64x128xf32, #tpu.memory_space<vmem>>
        %parallel_loop3A_85 = tpu.memref_squeeze %parallel_loop3A_84 : memref<1x64x128xf32, #tpu.memory_space<vmem>> -> memref<64x128xf32, #tpu.memory_space<vmem>>
        %parallel_loop3A_86 = arith.index_cast %parallel_loop3A_28 : i32 to index
        %parallel_loop3A_87 = arith.constant 16 : index
        %parallel_loop3A_88 = tpu.vector_load %parallel_loop3A_85[%parallel_loop3A_86, %parallel_loop3A_87] {strides = array<i32>} : memref<64x128xf32, #tpu.memory_space<vmem>>, vector<16xf32>,
        tpu.vector_store %parallel_loop3A_85[%parallel_loop3A_86, %parallel_loop3A_87], %parallel_loop3A_44 {strides = array<i32>} : memref<64x128xf32, #tpu.memory_space<vmem>>, vector<16xf32>,
        %parallel_loop3A_89 = arith.constant 0 : i32
        %parallel_loop3A_90 = arith.constant 0 : i32
        %parallel_loop3A_91 = tpu.memref_slice %arg6[%parallel_loop3A_26, %parallel_loop3A_89, %parallel_loop3A_90] : memref<2x64x128xf32, #tpu.memory_space<vmem>> -> memref<1x64x128xf32, #tpu.memory_space<vmem>>
        %parallel_loop3A_92 = tpu.memref_squeeze %parallel_loop3A_91 : memref<1x64x128xf32, #tpu.memory_space<vmem>> -> memref<64x128xf32, #tpu.memory_space<vmem>>
        %parallel_loop3A_93 = arith.index_cast %parallel_loop3A_28 : i32 to index
        %parallel_loop3A_94 = arith.constant 32 : index
        %parallel_loop3A_95 = tpu.vector_load %parallel_loop3A_92[%parallel_loop3A_93, %parallel_loop3A_94] {strides = array<i32>} : memref<64x128xf32, #tpu.memory_space<vmem>>, vector<16xf32>,
        tpu.vector_store %parallel_loop3A_92[%parallel_loop3A_93, %parallel_loop3A_94], %parallel_loop3A_49 {strides = array<i32>} : memref<64x128xf32, #tpu.memory_space<vmem>>, vector<16xf32>,
        %parallel_loop3A_96 = arith.constant 0 : i32
        %parallel_loop3A_97 = arith.constant 0 : i32
        %parallel_loop3A_98 = tpu.memref_slice %arg6[%parallel_loop3A_26, %parallel_loop3A_96, %parallel_loop3A_97] : memref<2x64x128xf32, #tpu.memory_space<vmem>> -> memref<1x64x128xf32, #tpu.memory_space<vmem>>
        %parallel_loop3A_99 = tpu.memref_squeeze %parallel_loop3A_98 : memref<1x64x128xf32, #tpu.memory_space<vmem>> -> memref<64x128xf32, #tpu.memory_space<vmem>>
        %parallel_loop3A_100 = arith.index_cast %parallel_loop3A_28 : i32 to index
        %parallel_loop3A_101 = arith.constant 48 : index
        %parallel_loop3A_102 = tpu.vector_load %parallel_loop3A_99[%parallel_loop3A_100, %parallel_loop3A_101] {strides = array<i32>} : memref<64x128xf32, #tpu.memory_space<vmem>>, vector<16xf32>,
        tpu.vector_store %parallel_loop3A_99[%parallel_loop3A_100, %parallel_loop3A_101], %parallel_loop3A_54 {strides = array<i32>} : memref<64x128xf32, #tpu.memory_space<vmem>>, vector<16xf32>,
        %parallel_loop3A_103 = arith.constant 0 : i32
        %parallel_loop3A_104 = arith.constant 0 : i32
        %parallel_loop3A_105 = tpu.memref_slice %arg6[%parallel_loop3A_26, %parallel_loop3A_103, %parallel_loop3A_104] : memref<2x64x128xf32, #tpu.memory_space<vmem>> -> memref<1x64x128xf32, #tpu.memory_space<vmem>>
        %parallel_loop3A_106 = tpu.memref_squeeze %parallel_loop3A_105 : memref<1x64x128xf32, #tpu.memory_space<vmem>> -> memref<64x128xf32, #tpu.memory_space<vmem>>
        %parallel_loop3A_107 = arith.index_cast %parallel_loop3A_28 : i32 to index
        %parallel_loop3A_108 = arith.constant 64 : index
        %parallel_loop3A_109 = tpu.vector_load %parallel_loop3A_106[%parallel_loop3A_107, %parallel_loop3A_108] {strides = array<i32>} : memref<64x128xf32, #tpu.memory_space<vmem>>, vector<16xf32>,
        tpu.vector_store %parallel_loop3A_106[%parallel_loop3A_107, %parallel_loop3A_108], %parallel_loop3A_59 {strides = array<i32>} : memref<64x128xf32, #tpu.memory_space<vmem>>, vector<16xf32>,
        %parallel_loop3A_110 = arith.constant 0 : i32
        %parallel_loop3A_111 = arith.constant 0 : i32
        %parallel_loop3A_112 = tpu.memref_slice %arg6[%parallel_loop3A_26, %parallel_loop3A_110, %parallel_loop3A_111] : memref<2x64x128xf32, #tpu.memory_space<vmem>> -> memref<1x64x128xf32, #tpu.memory_space<vmem>>
        %parallel_loop3A_113 = tpu.memref_squeeze %parallel_loop3A_112 : memref<1x64x128xf32, #tpu.memory_space<vmem>> -> memref<64x128xf32, #tpu.memory_space<vmem>>
        %parallel_loop3A_114 = arith.index_cast %parallel_loop3A_28 : i32 to index
        %parallel_loop3A_115 = arith.constant 80 : index
        %parallel_loop3A_116 = tpu.vector_load %parallel_loop3A_113[%parallel_loop3A_114, %parallel_loop3A_115] {strides = array<i32>} : memref<64x128xf32, #tpu.memory_space<vmem>>, vector<16xf32>,
        tpu.vector_store %parallel_loop3A_113[%parallel_loop3A_114, %parallel_loop3A_115], %parallel_loop3A_64 {strides = array<i32>} : memref<64x128xf32, #tpu.memory_space<vmem>>, vector<16xf32>,
        %parallel_loop3A_117 = arith.constant 0 : i32
        %parallel_loop3A_118 = arith.constant 0 : i32
        %parallel_loop3A_119 = tpu.memref_slice %arg6[%parallel_loop3A_26, %parallel_loop3A_117, %parallel_loop3A_118] : memref<2x64x128xf32, #tpu.memory_space<vmem>> -> memref<1x64x128xf32, #tpu.memory_space<vmem>>
        %parallel_loop3A_120 = tpu.memref_squeeze %parallel_loop3A_119 : memref<1x64x128xf32, #tpu.memory_space<vmem>> -> memref<64x128xf32, #tpu.memory_space<vmem>>
        %parallel_loop3A_121 = arith.index_cast %parallel_loop3A_28 : i32 to index
        %parallel_loop3A_122 = arith.constant 96 : index
        %parallel_loop3A_123 = tpu.vector_load %parallel_loop3A_120[%parallel_loop3A_121, %parallel_loop3A_122] {strides = array<i32>} : memref<64x128xf32, #tpu.memory_space<vmem>>, vector<16xf32>,
        tpu.vector_store %parallel_loop3A_120[%parallel_loop3A_121, %parallel_loop3A_122], %parallel_loop3A_69 {strides = array<i32>} : memref<64x128xf32, #tpu.memory_space<vmem>>, vector<16xf32>,
        %parallel_loop3A_124 = arith.constant 0 : i32
        %parallel_loop3A_125 = arith.constant 0 : i32
        %parallel_loop3A_126 = tpu.memref_slice %arg6[%parallel_loop3A_26, %parallel_loop3A_124, %parallel_loop3A_125] : memref<2x64x128xf32, #tpu.memory_space<vmem>> -> memref<1x64x128xf32, #tpu.memory_space<vmem>>
        %parallel_loop3A_127 = tpu.memref_squeeze %parallel_loop3A_126 : memref<1x64x128xf32, #tpu.memory_space<vmem>> -> memref<64x128xf32, #tpu.memory_space<vmem>>
        %parallel_loop3A_128 = arith.index_cast %parallel_loop3A_28 : i32 to index
        %parallel_loop3A_129 = arith.constant 112 : index
        %parallel_loop3A_130 = tpu.vector_load %parallel_loop3A_127[%parallel_loop3A_128, %parallel_loop3A_129] {strides = array<i32>} : memref<64x128xf32, #tpu.memory_space<vmem>>, vector<16xf32>,
        tpu.vector_store %parallel_loop3A_127[%parallel_loop3A_128, %parallel_loop3A_129], %parallel_loop3A_74 {strides = array<i32>} : memref<64x128xf32, #tpu.memory_space<vmem>>, vector<16xf32>,
      } {sc.loop_unroll_factor = 4 : i64, sc.parallel_access}
      %run_scoped3A_27 = arith.constant 0 : i32
      "tpu.region"() ({
        %run_scoped3A_28 = tpu.sem_alloc : memref<!tpu.dma_semaphore, #tpu.memory_space<semaphore_mem>>
        %dma_start3A = arith.constant 0 : i32
        %dma_start3A_29 = arith.constant 0 : i32
        %dma_start3A_30 = tpu.memref_slice %arg6[%run_scoped3A_27, %dma_start3A, %dma_start3A_29] : memref<2x64x128xf32, #tpu.memory_space<vmem>> -> memref<1x32x128xf32, #tpu.memory_space<vmem>>
        %dma_start3A_31 = tpu.memref_squeeze %dma_start3A_30 : memref<1x32x128xf32, #tpu.memory_space<vmem>> -> memref<32x128xf32, #tpu.memory_space<vmem>>
        %dma_start3A_32 = arith.constant 499968 : i32
        %dma_start3A_33 = arith.constant 0 : i32
        %dma_start3A_34 = tpu.memref_slice %arg4[%dma_start3A_32, %dma_start3A_33] : memref<500000x128xf32, #tpu.memory_space<hbm>> -> memref<32x128xf32, #tpu.memory_space<hbm>>
        %dma_start3A_35 = arith.constant 499968 : i32
        %dma_start3A_36 = arith.constant 0 : i32
        %dma_start3A_37 = tpu.memref_slice %arg4[%dma_start3A_35, %dma_start3A_36] : memref<500000x128xf32, #tpu.memory_space<hbm>> -> memref<32x128xf32, #tpu.memory_space<hbm>>
        %dma_start3A_38 = arith.constant 0 : i32
        %dma_start3A_39 = arith.constant 0 : i32
        %dma_start3A_40 = tpu.memref_slice %arg6[%run_scoped3A_27, %dma_start3A_38, %dma_start3A_39] : memref<2x64x128xf32, #tpu.memory_space<vmem>> -> memref<1x32x128xf32, #tpu.memory_space<vmem>>
        %dma_start3A_41 = tpu.memref_squeeze %dma_start3A_40 : memref<1x32x128xf32, #tpu.memory_space<vmem>> -> memref<32x128xf32, #tpu.memory_space<vmem>>
        tpu.enqueue_dma source(%dma_start3A_41 : memref<32x128xf32, #tpu.memory_space<vmem>>) target(%dma_start3A_37 : memref<32x128xf32, #tpu.memory_space<hbm>>) target_semaphore(%run_scoped3A_28 : memref<!tpu.dma_semaphore, #tpu.memory_space<semaphore_mem>>)
        %dma_wait3A = arith.constant 0 : i32
        %dma_wait3A_42 = arith.constant 0 : i32
        %dma_wait3A_43 = tpu.memref_slice %arg6[%run_scoped3A_27, %dma_wait3A, %dma_wait3A_42] : memref<2x64x128xf32, #tpu.memory_space<vmem>> -> memref<1x32x128xf32, #tpu.memory_space<vmem>>
        %dma_wait3A_44 = tpu.memref_squeeze %dma_wait3A_43 : memref<1x32x128xf32, #tpu.memory_space<vmem>> -> memref<32x128xf32, #tpu.memory_space<vmem>>
        %dma_wait3A_45 = arith.constant 499968 : i32
        %dma_wait3A_46 = arith.constant 0 : i32
        %dma_wait3A_47 = tpu.memref_slice %arg4[%dma_wait3A_45, %dma_wait3A_46] : memref<500000x128xf32, #tpu.memory_space<hbm>> -> memref<32x128xf32, #tpu.memory_space<hbm>>
        %dma_wait3A_48 = arith.constant 499968 : i32
        %dma_wait3A_49 = arith.constant 0 : i32
        %dma_wait3A_50 = tpu.memref_slice %arg4[%dma_wait3A_48, %dma_wait3A_49] : memref<500000x128xf32, #tpu.memory_space<hbm>> -> memref<32x128xf32, #tpu.memory_space<hbm>>
        %dma_wait3A_51 = arith.constant 0 : i32
        %dma_wait3A_52 = arith.constant 0 : i32
        %dma_wait3A_53 = tpu.memref_slice %arg6[%run_scoped3A_27, %dma_wait3A_51, %dma_wait3A_52] : memref<2x64x128xf32, #tpu.memory_space<vmem>> -> memref<1x32x128xf32, #tpu.memory_space<vmem>>
        %dma_wait3A_54 = tpu.memref_squeeze %dma_wait3A_53 : memref<1x32x128xf32, #tpu.memory_space<vmem>> -> memref<32x128xf32, #tpu.memory_space<vmem>>
        tpu.wait_dma2 semaphore(%run_scoped3A_28 : memref<!tpu.dma_semaphore, #tpu.memory_space<semaphore_mem>>) src(%dma_wait3A_54 : memref<32x128xf32, #tpu.memory_space<vmem>>) dst(%dma_wait3A_50 : memref<32x128xf32, #tpu.memory_space<hbm>>)
        tpu.yield
      }) : () -> ()
    } else {
    }
    return
  }
}

#map = affine_map<(d0, d1) -> (0, 0)>
#map1 = affine_map<(d0, d1) -> (0)>
module attributes {stable_mosaic.version = 14 : i64} {
  func.func @_gather_kernel(%arg0: i32, %arg1: i32, %arg2: memref<500000x128xf32, #tpu.memory_space<hbm>>, %arg3: memref<16384xi32, #tpu.memory_space<hbm>>, %arg4: memref<8192x128xf32, #tpu.memory_space<hbm>>, %arg5: memref<512xi32, #tpu.memory_space<vmem>>, %arg6: memref<512xi32, #tpu.memory_space<vmem>>, %arg7: memref<512xi32, #tpu.memory_space<vmem>>, %arg8: memref<512x128xf32, #tpu.memory_space<vmem>>, %arg9: memref<256x128xf32, #tpu.memory_space<vmem>>, %arg10: memref<!tpu.dma_semaphore, #tpu.memory_space<semaphore_mem>>) attributes {dimension_semantics = [#tpu.dimension_semantics<core_parallel>, #tpu.dimension_semantics<subcore_parallel>], iteration_bounds = array<i64: 2, 16>, scalar_prefetch = 0 : i64, scratch_operands = 6 : i64, tpu.core_type = #tpu.core_type<sc_vector_subcore>, window_params = [{transform_indices = #map}, {transform_indices = #map1}, {transform_indices = #map}]} {
    %mul3A = arith.constant 2 : i32
    %mul3A_0 = arith.muli %arg1, %mul3A : i32
    %add3A = arith.addi %mul3A_0, %arg0 : i32
    %mul3A_1 = arith.constant 512 : i32
    %mul3A_2 = arith.muli %add3A, %mul3A_1 : i32
    "tpu.region"() ({
      %run_scoped3A = tpu.sem_alloc : memref<!tpu.dma_semaphore, #tpu.memory_space<semaphore_mem>>
      %dma_start3A_20 = tpu.memref_slice %arg3[%mul3A_2] : memref<16384xi32, #tpu.memory_space<hbm>> -> memref<512xi32, #tpu.memory_space<hbm>>
      %dma_start3A_21 = tpu.memref_slice %arg3[%mul3A_2] : memref<16384xi32, #tpu.memory_space<hbm>> -> memref<512xi32, #tpu.memory_space<hbm>>
      tpu.enqueue_dma source(%dma_start3A_21 : memref<512xi32, #tpu.memory_space<hbm>>) target(%arg5 : memref<512xi32, #tpu.memory_space<vmem>>) target_semaphore(%run_scoped3A : memref<!tpu.dma_semaphore, #tpu.memory_space<semaphore_mem>>)
      %dma_wait3A_22 = tpu.memref_slice %arg3[%mul3A_2] : memref<16384xi32, #tpu.memory_space<hbm>> -> memref<512xi32, #tpu.memory_space<hbm>>
      %dma_wait3A_23 = tpu.memref_slice %arg3[%mul3A_2] : memref<16384xi32, #tpu.memory_space<hbm>> -> memref<512xi32, #tpu.memory_space<hbm>>
      tpu.wait_dma2 semaphore(%run_scoped3A : memref<!tpu.dma_semaphore, #tpu.memory_space<semaphore_mem>>) src(%dma_wait3A_23 : memref<512xi32, #tpu.memory_space<hbm>>) dst(%arg5 : memref<512xi32, #tpu.memory_space<vmem>>)
      tpu.yield
    }) : () -> ()
    %scan3A = arith.constant 0 : i32
    %scan3A_3 = arith.constant 0 : i32
    %scan3A_4 = arith.constant 32 : i32
    %scan3A_5 = arith.addi %scan3A_3, %scan3A_4 : i32
    %scan3A_6 = arith.constant 1 : i32
    scf.for %scan3A_20 = %scan3A_3 to %scan3A_5 step %scan3A_6  : i32 {
      %mul3A_21 = arith.constant 16 : i32
      %mul3A_22 = arith.muli %scan3A_20, %mul3A_21 : i32
      %get3A = arith.index_cast %mul3A_22 : i32 to index
      %get3A_23 = tpu.vector_load %arg5[%get3A] {strides = array<i32>} : memref<512xi32, #tpu.memory_space<vmem>>, vector<16xi32>,
      %shift_right_arithmetic3A = arith.constant 1 : i32
      %shift_right_arithmetic3A_24 = vector.broadcast %shift_right_arithmetic3A : i32 to vector<16xi32>
      %shift_right_arithmetic3A_25 = arith.shrsi %get3A_23, %shift_right_arithmetic3A_24 : vector<16xi32>
      %mul3A_26 = arith.constant 16 : i32
      %mul3A_27 = arith.muli %scan3A_20, %mul3A_26 : i32
      %swap3A = arith.index_cast %mul3A_27 : i32 to index
      %swap3A_28 = tpu.vector_load %arg6[%swap3A] {strides = array<i32>} : memref<512xi32, #tpu.memory_space<vmem>>, vector<16xi32>,
      tpu.vector_store %arg6[%swap3A], %shift_right_arithmetic3A_25 {strides = array<i32>} : memref<512xi32, #tpu.memory_space<vmem>>, vector<16xi32>,
      %and3A = arith.constant 1 : i32
      %and3A_29 = vector.broadcast %and3A : i32 to vector<16xi32>
      %and3A_30 = arith.andi %get3A_23, %and3A_29 : vector<16xi32>
      %mul3A_31 = arith.constant 64 : i32
      %mul3A_32 = vector.broadcast %mul3A_31 : i32 to vector<16xi32>
      %mul3A_33 = arith.muli %and3A_30, %mul3A_32 : vector<16xi32>
      %mul3A_34 = arith.constant 16 : i32
      %mul3A_35 = arith.muli %scan3A_20, %mul3A_34 : i32
      %swap3A_36 = arith.index_cast %mul3A_35 : i32 to index
      %swap3A_37 = tpu.vector_load %arg7[%swap3A_36] {strides = array<i32>} : memref<512xi32, #tpu.memory_space<vmem>>, vector<16xi32>,
      tpu.vector_store %arg7[%swap3A_36], %mul3A_33 {strides = array<i32>} : memref<512xi32, #tpu.memory_space<vmem>>, vector<16xi32>,
    }
    %scan3A_7 = arith.constant 32 : i32
    %dma_start3A = arith.constant 0 : i32
    %dma_start3A_8 = arith.constant 0 : i32
    %dma_start3A_9 = tpu.memref_slice %arg2[%dma_start3A, %dma_start3A_8] : memref<500000x128xf32, #tpu.memory_space<hbm>> -> memref<500000x128xf32, #tpu.memory_space<hbm>>
    tpu.enqueue_indirect_dma source(%dma_start3A_9 : memref<500000x128xf32, #tpu.memory_space<hbm>>) target(%arg8 : memref<512x128xf32, #tpu.memory_space<vmem>>) offsets(%arg6 : memref<512xi32, #tpu.memory_space<vmem>>) semaphore(%arg10 : memref<!tpu.dma_semaphore, #tpu.memory_space<semaphore_mem>>)
    %dma_wait3A = arith.constant 0 : i32
    %dma_wait3A_10 = arith.constant 0 : i32
    %dma_wait3A_11 = tpu.memref_slice %arg2[%dma_wait3A, %dma_wait3A_10] : memref<500000x128xf32, #tpu.memory_space<hbm>> -> memref<500000x128xf32, #tpu.memory_space<hbm>>
    tpu.wait_indirect_dma semaphore(%arg10 : memref<!tpu.dma_semaphore, #tpu.memory_space<semaphore_mem>>) src(%dma_wait3A_11 : memref<500000x128xf32, #tpu.memory_space<hbm>>) dst(%arg8 : memref<512x128xf32, #tpu.memory_space<vmem>>)
    %iota3A = tpu.iota {dimensions = array<i32: 0>} : vector<16xi32>
    %scan3A_12 = arith.constant 0 : i32
    %scan3A_13 = arith.constant 0 : i32
    %scan3A_14 = arith.constant 32 : i32
    %scan3A_15 = arith.addi %scan3A_13, %scan3A_14 : i32
    %scan3A_16 = arith.constant 1 : i32
    scf.for %scan3A_20 = %scan3A_13 to %scan3A_15 step %scan3A_16  : i32 {
      %mul3A_21 = arith.constant 16 : i32
      %mul3A_22 = arith.muli %scan3A_20, %mul3A_21 : i32
      %add3A_23 = vector.broadcast %mul3A_22 : i32 to vector<16xi32>
      %add3A_24 = arith.addi %iota3A, %add3A_23 : vector<16xi32>
      %mul3A_25 = arith.constant 16 : i32
      %mul3A_26 = arith.muli %scan3A_20, %mul3A_25 : i32
      %get3A = arith.index_cast %mul3A_26 : i32 to index
      %get3A_27 = tpu.vector_load %arg7[%get3A] {strides = array<i32>} : memref<512xi32, #tpu.memory_space<vmem>>, vector<16xi32>,
      %shift_right_arithmetic3A = arith.constant 1 : i32
      %shift_right_arithmetic3A_28 = vector.broadcast %shift_right_arithmetic3A : i32 to vector<16xi32>
      %shift_right_arithmetic3A_29 = arith.shrsi %add3A_24, %shift_right_arithmetic3A_28 : vector<16xi32>
      %and3A = arith.constant 1 : i32
      %and3A_30 = vector.broadcast %and3A : i32 to vector<16xi32>
      %and3A_31 = arith.andi %add3A_24, %and3A_30 : vector<16xi32>
      %mul3A_32 = arith.constant 64 : i32
      %mul3A_33 = vector.broadcast %mul3A_32 : i32 to vector<16xi32>
      %mul3A_34 = arith.muli %and3A_31, %mul3A_33 : vector<16xi32>
      %add3A_35 = arith.constant 0 : i32
      %add3A_36 = vector.broadcast %add3A_35 : i32 to vector<16xi32>
      %add3A_37 = arith.addi %get3A_27, %add3A_36 : vector<16xi32>
      %gather3A = tpu.vector_load_idx %arg8[%add3A_24, %add3A_37] : memref<512x128xf32, #tpu.memory_space<vmem>>[vector<16xi32>, vector<16xi32>], vector<16xf32>,
      %add3A_38 = arith.constant 0 : i32
      %add3A_39 = vector.broadcast %add3A_38 : i32 to vector<16xi32>
      %add3A_40 = arith.addi %mul3A_34, %add3A_39 : vector<16xi32>
      tpu.vector_store_idx %arg9[%shift_right_arithmetic3A_29, %add3A_40], %gather3A : memref<256x128xf32, #tpu.memory_space<vmem>>[vector<16xi32>, vector<16xi32>], vector<16xf32>,
      %add3A_41 = arith.constant 1 : i32
      %add3A_42 = vector.broadcast %add3A_41 : i32 to vector<16xi32>
      %add3A_43 = arith.addi %get3A_27, %add3A_42 : vector<16xi32>
      %gather3A_44 = tpu.vector_load_idx %arg8[%add3A_24, %add3A_43] : memref<512x128xf32, #tpu.memory_space<vmem>>[vector<16xi32>, vector<16xi32>], vector<16xf32>,
      %add3A_45 = arith.constant 1 : i32
      %add3A_46 = vector.broadcast %add3A_45 : i32 to vector<16xi32>
      %add3A_47 = arith.addi %mul3A_34, %add3A_46 : vector<16xi32>
      tpu.vector_store_idx %arg9[%shift_right_arithmetic3A_29, %add3A_47], %gather3A_44 : memref<256x128xf32, #tpu.memory_space<vmem>>[vector<16xi32>, vector<16xi32>], vector<16xf32>,
      %add3A_48 = arith.constant 2 : i32
      %add3A_49 = vector.broadcast %add3A_48 : i32 to vector<16xi32>
      %add3A_50 = arith.addi %get3A_27, %add3A_49 : vector<16xi32>
      %gather3A_51 = tpu.vector_load_idx %arg8[%add3A_24, %add3A_50] : memref<512x128xf32, #tpu.memory_space<vmem>>[vector<16xi32>, vector<16xi32>], vector<16xf32>,
      %add3A_52 = arith.constant 2 : i32
      %add3A_53 = vector.broadcast %add3A_52 : i32 to vector<16xi32>
      %add3A_54 = arith.addi %mul3A_34, %add3A_53 : vector<16xi32>
      tpu.vector_store_idx %arg9[%shift_right_arithmetic3A_29, %add3A_54], %gather3A_51 : memref<256x128xf32, #tpu.memory_space<vmem>>[vector<16xi32>, vector<16xi32>], vector<16xf32>,
      %add3A_55 = arith.constant 3 : i32
      %add3A_56 = vector.broadcast %add3A_55 : i32 to vector<16xi32>
      %add3A_57 = arith.addi %get3A_27, %add3A_56 : vector<16xi32>
      %gather3A_58 = tpu.vector_load_idx %arg8[%add3A_24, %add3A_57] : memref<512x128xf32, #tpu.memory_space<vmem>>[vector<16xi32>, vector<16xi32>], vector<16xf32>,
      %add3A_59 = arith.constant 3 : i32
      %add3A_60 = vector.broadcast %add3A_59 : i32 to vector<16xi32>
      %add3A_61 = arith.addi %mul3A_34, %add3A_60 : vector<16xi32>
      tpu.vector_store_idx %arg9[%shift_right_arithmetic3A_29, %add3A_61], %gather3A_58 : memref<256x128xf32, #tpu.memory_space<vmem>>[vector<16xi32>, vector<16xi32>], vector<16xf32>,
      %add3A_62 = arith.constant 4 : i32
      %add3A_63 = vector.broadcast %add3A_62 : i32 to vector<16xi32>
      %add3A_64 = arith.addi %get3A_27, %add3A_63 : vector<16xi32>
      %gather3A_65 = tpu.vector_load_idx %arg8[%add3A_24, %add3A_64] : memref<512x128xf32, #tpu.memory_space<vmem>>[vector<16xi32>, vector<16xi32>], vector<16xf32>,
      %add3A_66 = arith.constant 4 : i32
      %add3A_67 = vector.broadcast %add3A_66 : i32 to vector<16xi32>
      %add3A_68 = arith.addi %mul3A_34, %add3A_67 : vector<16xi32>
      tpu.vector_store_idx %arg9[%shift_right_arithmetic3A_29, %add3A_68], %gather3A_65 : memref<256x128xf32, #tpu.memory_space<vmem>>[vector<16xi32>, vector<16xi32>], vector<16xf32>,
      %add3A_69 = arith.constant 5 : i32
      %add3A_70 = vector.broadcast %add3A_69 : i32 to vector<16xi32>
      %add3A_71 = arith.addi %get3A_27, %add3A_70 : vector<16xi32>
      %gather3A_72 = tpu.vector_load_idx %arg8[%add3A_24, %add3A_71] : memref<512x128xf32, #tpu.memory_space<vmem>>[vector<16xi32>, vector<16xi32>], vector<16xf32>,
      %add3A_73 = arith.constant 5 : i32
      %add3A_74 = vector.broadcast %add3A_73 : i32 to vector<16xi32>
      %add3A_75 = arith.addi %mul3A_34, %add3A_74 : vector<16xi32>
      tpu.vector_store_idx %arg9[%shift_right_arithmetic3A_29, %add3A_75], %gather3A_72 : memref<256x128xf32, #tpu.memory_space<vmem>>[vector<16xi32>, vector<16xi32>], vector<16xf32>,
      %add3A_76 = arith.constant 6 : i32
      %add3A_77 = vector.broadcast %add3A_76 : i32 to vector<16xi32>
      %add3A_78 = arith.addi %get3A_27, %add3A_77 : vector<16xi32>
      %gather3A_79 = tpu.vector_load_idx %arg8[%add3A_24, %add3A_78] : memref<512x128xf32, #tpu.memory_space<vmem>>[vector<16xi32>, vector<16xi32>], vector<16xf32>,
      %add3A_80 = arith.constant 6 : i32
      %add3A_81 = vector.broadcast %add3A_80 : i32 to vector<16xi32>
      %add3A_82 = arith.addi %mul3A_34, %add3A_81 : vector<16xi32>
      tpu.vector_store_idx %arg9[%shift_right_arithmetic3A_29, %add3A_82], %gather3A_79 : memref<256x128xf32, #tpu.memory_space<vmem>>[vector<16xi32>, vector<16xi32>], vector<16xf32>,
      %add3A_83 = arith.constant 7 : i32
      %add3A_84 = vector.broadcast %add3A_83 : i32 to vector<16xi32>
      %add3A_85 = arith.addi %get3A_27, %add3A_84 : vector<16xi32>
      %gather3A_86 = tpu.vector_load_idx %arg8[%add3A_24, %add3A_85] : memref<512x128xf32, #tpu.memory_space<vmem>>[vector<16xi32>, vector<16xi32>], vector<16xf32>,
      %add3A_87 = arith.constant 7 : i32
      %add3A_88 = vector.broadcast %add3A_87 : i32 to vector<16xi32>
      %add3A_89 = arith.addi %mul3A_34, %add3A_88 : vector<16xi32>
      tpu.vector_store_idx %arg9[%shift_right_arithmetic3A_29, %add3A_89], %gather3A_86 : memref<256x128xf32, #tpu.memory_space<vmem>>[vector<16xi32>, vector<16xi32>], vector<16xf32>,
      %add3A_90 = arith.constant 8 : i32
      %add3A_91 = vector.broadcast %add3A_90 : i32 to vector<16xi32>
      %add3A_92 = arith.addi %get3A_27, %add3A_91 : vector<16xi32>
      %gather3A_93 = tpu.vector_load_idx %arg8[%add3A_24, %add3A_92] : memref<512x128xf32, #tpu.memory_space<vmem>>[vector<16xi32>, vector<16xi32>], vector<16xf32>,
      %add3A_94 = arith.constant 8 : i32
      %add3A_95 = vector.broadcast %add3A_94 : i32 to vector<16xi32>
      %add3A_96 = arith.addi %mul3A_34, %add3A_95 : vector<16xi32>
      tpu.vector_store_idx %arg9[%shift_right_arithmetic3A_29, %add3A_96], %gather3A_93 : memref<256x128xf32, #tpu.memory_space<vmem>>[vector<16xi32>, vector<16xi32>], vector<16xf32>,
      %add3A_97 = arith.constant 9 : i32
      %add3A_98 = vector.broadcast %add3A_97 : i32 to vector<16xi32>
      %add3A_99 = arith.addi %get3A_27, %add3A_98 : vector<16xi32>
      %gather3A_100 = tpu.vector_load_idx %arg8[%add3A_24, %add3A_99] : memref<512x128xf32, #tpu.memory_space<vmem>>[vector<16xi32>, vector<16xi32>], vector<16xf32>,
      %add3A_101 = arith.constant 9 : i32
      %add3A_102 = vector.broadcast %add3A_101 : i32 to vector<16xi32>
      %add3A_103 = arith.addi %mul3A_34, %add3A_102 : vector<16xi32>
      tpu.vector_store_idx %arg9[%shift_right_arithmetic3A_29, %add3A_103], %gather3A_100 : memref<256x128xf32, #tpu.memory_space<vmem>>[vector<16xi32>, vector<16xi32>], vector<16xf32>,
      %add3A_104 = arith.constant 10 : i32
      %add3A_105 = vector.broadcast %add3A_104 : i32 to vector<16xi32>
      %add3A_106 = arith.addi %get3A_27, %add3A_105 : vector<16xi32>
      %gather3A_107 = tpu.vector_load_idx %arg8[%add3A_24, %add3A_106] : memref<512x128xf32, #tpu.memory_space<vmem>>[vector<16xi32>, vector<16xi32>], vector<16xf32>,
      %add3A_108 = arith.constant 10 : i32
      %add3A_109 = vector.broadcast %add3A_108 : i32 to vector<16xi32>
      %add3A_110 = arith.addi %mul3A_34, %add3A_109 : vector<16xi32>
      tpu.vector_store_idx %arg9[%shift_right_arithmetic3A_29, %add3A_110], %gather3A_107 : memref<256x128xf32, #tpu.memory_space<vmem>>[vector<16xi32>, vector<16xi32>], vector<16xf32>,
      %add3A_111 = arith.constant 11 : i32
      %add3A_112 = vector.broadcast %add3A_111 : i32 to vector<16xi32>
      %add3A_113 = arith.addi %get3A_27, %add3A_112 : vector<16xi32>
      %gather3A_114 = tpu.vector_load_idx %arg8[%add3A_24, %add3A_113] : memref<512x128xf32, #tpu.memory_space<vmem>>[vector<16xi32>, vector<16xi32>], vector<16xf32>,
      %add3A_115 = arith.constant 11 : i32
      %add3A_116 = vector.broadcast %add3A_115 : i32 to vector<16xi32>
      %add3A_117 = arith.addi %mul3A_34, %add3A_116 : vector<16xi32>
      tpu.vector_store_idx %arg9[%shift_right_arithmetic3A_29, %add3A_117], %gather3A_114 : memref<256x128xf32, #tpu.memory_space<vmem>>[vector<16xi32>, vector<16xi32>], vector<16xf32>,
      %add3A_118 = arith.constant 12 : i32
      %add3A_119 = vector.broadcast %add3A_118 : i32 to vector<16xi32>
      %add3A_120 = arith.addi %get3A_27, %add3A_119 : vector<16xi32>
      %gather3A_121 = tpu.vector_load_idx %arg8[%add3A_24, %add3A_120] : memref<512x128xf32, #tpu.memory_space<vmem>>[vector<16xi32>, vector<16xi32>], vector<16xf32>,
      %add3A_122 = arith.constant 12 : i32
      %add3A_123 = vector.broadcast %add3A_122 : i32 to vector<16xi32>
      %add3A_124 = arith.addi %mul3A_34, %add3A_123 : vector<16xi32>
      tpu.vector_store_idx %arg9[%shift_right_arithmetic3A_29, %add3A_124], %gather3A_121 : memref<256x128xf32, #tpu.memory_space<vmem>>[vector<16xi32>, vector<16xi32>], vector<16xf32>,
      %add3A_125 = arith.constant 13 : i32
      %add3A_126 = vector.broadcast %add3A_125 : i32 to vector<16xi32>
      %add3A_127 = arith.addi %get3A_27, %add3A_126 : vector<16xi32>
      %gather3A_128 = tpu.vector_load_idx %arg8[%add3A_24, %add3A_127] : memref<512x128xf32, #tpu.memory_space<vmem>>[vector<16xi32>, vector<16xi32>], vector<16xf32>,
      %add3A_129 = arith.constant 13 : i32
      %add3A_130 = vector.broadcast %add3A_129 : i32 to vector<16xi32>
      %add3A_131 = arith.addi %mul3A_34, %add3A_130 : vector<16xi32>
      tpu.vector_store_idx %arg9[%shift_right_arithmetic3A_29, %add3A_131], %gather3A_128 : memref<256x128xf32, #tpu.memory_space<vmem>>[vector<16xi32>, vector<16xi32>], vector<16xf32>,
      %add3A_132 = arith.constant 14 : i32
      %add3A_133 = vector.broadcast %add3A_132 : i32 to vector<16xi32>
      %add3A_134 = arith.addi %get3A_27, %add3A_133 : vector<16xi32>
      %gather3A_135 = tpu.vector_load_idx %arg8[%add3A_24, %add3A_134] : memref<512x128xf32, #tpu.memory_space<vmem>>[vector<16xi32>, vector<16xi32>], vector<16xf32>,
      %add3A_136 = arith.constant 14 : i32
      %add3A_137 = vector.broadcast %add3A_136 : i32 to vector<16xi32>
      %add3A_138 = arith.addi %mul3A_34, %add3A_137 : vector<16xi32>
      tpu.vector_store_idx %arg9[%shift_right_arithmetic3A_29, %add3A_138], %gather3A_135 : memref<256x128xf32, #tpu.memory_space<vmem>>[vector<16xi32>, vector<16xi32>], vector<16xf32>,
      %add3A_139 = arith.constant 15 : i32
      %add3A_140 = vector.broadcast %add3A_139 : i32 to vector<16xi32>
      %add3A_141 = arith.addi %get3A_27, %add3A_140 : vector<16xi32>
      %gather3A_142 = tpu.vector_load_idx %arg8[%add3A_24, %add3A_141] : memref<512x128xf32, #tpu.memory_space<vmem>>[vector<16xi32>, vector<16xi32>], vector<16xf32>,
      %add3A_143 = arith.constant 15 : i32
      %add3A_144 = vector.broadcast %add3A_143 : i32 to vector<16xi32>
      %add3A_145 = arith.addi %mul3A_34, %add3A_144 : vector<16xi32>
      tpu.vector_store_idx %arg9[%shift_right_arithmetic3A_29, %add3A_145], %gather3A_142 : memref<256x128xf32, #tpu.memory_space<vmem>>[vector<16xi32>, vector<16xi32>], vector<16xf32>,
      %add3A_146 = arith.constant 16 : i32
      %add3A_147 = vector.broadcast %add3A_146 : i32 to vector<16xi32>
      %add3A_148 = arith.addi %get3A_27, %add3A_147 : vector<16xi32>
      %gather3A_149 = tpu.vector_load_idx %arg8[%add3A_24, %add3A_148] : memref<512x128xf32, #tpu.memory_space<vmem>>[vector<16xi32>, vector<16xi32>], vector<16xf32>,
      %add3A_150 = arith.constant 16 : i32
      %add3A_151 = vector.broadcast %add3A_150 : i32 to vector<16xi32>
      %add3A_152 = arith.addi %mul3A_34, %add3A_151 : vector<16xi32>
      tpu.vector_store_idx %arg9[%shift_right_arithmetic3A_29, %add3A_152], %gather3A_149 : memref<256x128xf32, #tpu.memory_space<vmem>>[vector<16xi32>, vector<16xi32>], vector<16xf32>,
      %add3A_153 = arith.constant 17 : i32
      %add3A_154 = vector.broadcast %add3A_153 : i32 to vector<16xi32>
      %add3A_155 = arith.addi %get3A_27, %add3A_154 : vector<16xi32>
      %gather3A_156 = tpu.vector_load_idx %arg8[%add3A_24, %add3A_155] : memref<512x128xf32, #tpu.memory_space<vmem>>[vector<16xi32>, vector<16xi32>], vector<16xf32>,
      %add3A_157 = arith.constant 17 : i32
      %add3A_158 = vector.broadcast %add3A_157 : i32 to vector<16xi32>
      %add3A_159 = arith.addi %mul3A_34, %add3A_158 : vector<16xi32>
      tpu.vector_store_idx %arg9[%shift_right_arithmetic3A_29, %add3A_159], %gather3A_156 : memref<256x128xf32, #tpu.memory_space<vmem>>[vector<16xi32>, vector<16xi32>], vector<16xf32>,
      %add3A_160 = arith.constant 18 : i32
      %add3A_161 = vector.broadcast %add3A_160 : i32 to vector<16xi32>
      %add3A_162 = arith.addi %get3A_27, %add3A_161 : vector<16xi32>
      %gather3A_163 = tpu.vector_load_idx %arg8[%add3A_24, %add3A_162] : memref<512x128xf32, #tpu.memory_space<vmem>>[vector<16xi32>, vector<16xi32>], vector<16xf32>,
      %add3A_164 = arith.constant 18 : i32
      %add3A_165 = vector.broadcast %add3A_164 : i32 to vector<16xi32>
      %add3A_166 = arith.addi %mul3A_34, %add3A_165 : vector<16xi32>
      tpu.vector_store_idx %arg9[%shift_right_arithmetic3A_29, %add3A_166], %gather3A_163 : memref<256x128xf32, #tpu.memory_space<vmem>>[vector<16xi32>, vector<16xi32>], vector<16xf32>,
      %add3A_167 = arith.constant 19 : i32
      %add3A_168 = vector.broadcast %add3A_167 : i32 to vector<16xi32>
      %add3A_169 = arith.addi %get3A_27, %add3A_168 : vector<16xi32>
      %gather3A_170 = tpu.vector_load_idx %arg8[%add3A_24, %add3A_169] : memref<512x128xf32, #tpu.memory_space<vmem>>[vector<16xi32>, vector<16xi32>], vector<16xf32>,
      %add3A_171 = arith.constant 19 : i32
      %add3A_172 = vector.broadcast %add3A_171 : i32 to vector<16xi32>
      %add3A_173 = arith.addi %mul3A_34, %add3A_172 : vector<16xi32>
      tpu.vector_store_idx %arg9[%shift_right_arithmetic3A_29, %add3A_173], %gather3A_170 : memref<256x128xf32, #tpu.memory_space<vmem>>[vector<16xi32>, vector<16xi32>], vector<16xf32>,
      %add3A_174 = arith.constant 20 : i32
      %add3A_175 = vector.broadcast %add3A_174 : i32 to vector<16xi32>
      %add3A_176 = arith.addi %get3A_27, %add3A_175 : vector<16xi32>
      %gather3A_177 = tpu.vector_load_idx %arg8[%add3A_24, %add3A_176] : memref<512x128xf32, #tpu.memory_space<vmem>>[vector<16xi32>, vector<16xi32>], vector<16xf32>,
      %add3A_178 = arith.constant 20 : i32
      %add3A_179 = vector.broadcast %add3A_178 : i32 to vector<16xi32>
      %add3A_180 = arith.addi %mul3A_34, %add3A_179 : vector<16xi32>
      tpu.vector_store_idx %arg9[%shift_right_arithmetic3A_29, %add3A_180], %gather3A_177 : memref<256x128xf32, #tpu.memory_space<vmem>>[vector<16xi32>, vector<16xi32>], vector<16xf32>,
      %add3A_181 = arith.constant 21 : i32
      %add3A_182 = vector.broadcast %add3A_181 : i32 to vector<16xi32>
      %add3A_183 = arith.addi %get3A_27, %add3A_182 : vector<16xi32>
      %gather3A_184 = tpu.vector_load_idx %arg8[%add3A_24, %add3A_183] : memref<512x128xf32, #tpu.memory_space<vmem>>[vector<16xi32>, vector<16xi32>], vector<16xf32>,
      %add3A_185 = arith.constant 21 : i32
      %add3A_186 = vector.broadcast %add3A_185 : i32 to vector<16xi32>
      %add3A_187 = arith.addi %mul3A_34, %add3A_186 : vector<16xi32>
      tpu.vector_store_idx %arg9[%shift_right_arithmetic3A_29, %add3A_187], %gather3A_184 : memref<256x128xf32, #tpu.memory_space<vmem>>[vector<16xi32>, vector<16xi32>], vector<16xf32>,
      %add3A_188 = arith.constant 22 : i32
      %add3A_189 = vector.broadcast %add3A_188 : i32 to vector<16xi32>
      %add3A_190 = arith.addi %get3A_27, %add3A_189 : vector<16xi32>
      %gather3A_191 = tpu.vector_load_idx %arg8[%add3A_24, %add3A_190] : memref<512x128xf32, #tpu.memory_space<vmem>>[vector<16xi32>, vector<16xi32>], vector<16xf32>,
      %add3A_192 = arith.constant 22 : i32
      %add3A_193 = vector.broadcast %add3A_192 : i32 to vector<16xi32>
      %add3A_194 = arith.addi %mul3A_34, %add3A_193 : vector<16xi32>
      tpu.vector_store_idx %arg9[%shift_right_arithmetic3A_29, %add3A_194], %gather3A_191 : memref<256x128xf32, #tpu.memory_space<vmem>>[vector<16xi32>, vector<16xi32>], vector<16xf32>,
      %add3A_195 = arith.constant 23 : i32
      %add3A_196 = vector.broadcast %add3A_195 : i32 to vector<16xi32>
      %add3A_197 = arith.addi %get3A_27, %add3A_196 : vector<16xi32>
      %gather3A_198 = tpu.vector_load_idx %arg8[%add3A_24, %add3A_197] : memref<512x128xf32, #tpu.memory_space<vmem>>[vector<16xi32>, vector<16xi32>], vector<16xf32>,
      %add3A_199 = arith.constant 23 : i32
      %add3A_200 = vector.broadcast %add3A_199 : i32 to vector<16xi32>
      %add3A_201 = arith.addi %mul3A_34, %add3A_200 : vector<16xi32>
      tpu.vector_store_idx %arg9[%shift_right_arithmetic3A_29, %add3A_201], %gather3A_198 : memref<256x128xf32, #tpu.memory_space<vmem>>[vector<16xi32>, vector<16xi32>], vector<16xf32>,
      %add3A_202 = arith.constant 24 : i32
      %add3A_203 = vector.broadcast %add3A_202 : i32 to vector<16xi32>
      %add3A_204 = arith.addi %get3A_27, %add3A_203 : vector<16xi32>
      %gather3A_205 = tpu.vector_load_idx %arg8[%add3A_24, %add3A_204] : memref<512x128xf32, #tpu.memory_space<vmem>>[vector<16xi32>, vector<16xi32>], vector<16xf32>,
      %add3A_206 = arith.constant 24 : i32
      %add3A_207 = vector.broadcast %add3A_206 : i32 to vector<16xi32>
      %add3A_208 = arith.addi %mul3A_34, %add3A_207 : vector<16xi32>
      tpu.vector_store_idx %arg9[%shift_right_arithmetic3A_29, %add3A_208], %gather3A_205 : memref<256x128xf32, #tpu.memory_space<vmem>>[vector<16xi32>, vector<16xi32>], vector<16xf32>,
      %add3A_209 = arith.constant 25 : i32
      %add3A_210 = vector.broadcast %add3A_209 : i32 to vector<16xi32>
      %add3A_211 = arith.addi %get3A_27, %add3A_210 : vector<16xi32>
      %gather3A_212 = tpu.vector_load_idx %arg8[%add3A_24, %add3A_211] : memref<512x128xf32, #tpu.memory_space<vmem>>[vector<16xi32>, vector<16xi32>], vector<16xf32>,
      %add3A_213 = arith.constant 25 : i32
      %add3A_214 = vector.broadcast %add3A_213 : i32 to vector<16xi32>
      %add3A_215 = arith.addi %mul3A_34, %add3A_214 : vector<16xi32>
      tpu.vector_store_idx %arg9[%shift_right_arithmetic3A_29, %add3A_215], %gather3A_212 : memref<256x128xf32, #tpu.memory_space<vmem>>[vector<16xi32>, vector<16xi32>], vector<16xf32>,
      %add3A_216 = arith.constant 26 : i32
      %add3A_217 = vector.broadcast %add3A_216 : i32 to vector<16xi32>
      %add3A_218 = arith.addi %get3A_27, %add3A_217 : vector<16xi32>
      %gather3A_219 = tpu.vector_load_idx %arg8[%add3A_24, %add3A_218] : memref<512x128xf32, #tpu.memory_space<vmem>>[vector<16xi32>, vector<16xi32>], vector<16xf32>,
      %add3A_220 = arith.constant 26 : i32
      %add3A_221 = vector.broadcast %add3A_220 : i32 to vector<16xi32>
      %add3A_222 = arith.addi %mul3A_34, %add3A_221 : vector<16xi32>
      tpu.vector_store_idx %arg9[%shift_right_arithmetic3A_29, %add3A_222], %gather3A_219 : memref<256x128xf32, #tpu.memory_space<vmem>>[vector<16xi32>, vector<16xi32>], vector<16xf32>,
      %add3A_223 = arith.constant 27 : i32
      %add3A_224 = vector.broadcast %add3A_223 : i32 to vector<16xi32>
      %add3A_225 = arith.addi %get3A_27, %add3A_224 : vector<16xi32>
      %gather3A_226 = tpu.vector_load_idx %arg8[%add3A_24, %add3A_225] : memref<512x128xf32, #tpu.memory_space<vmem>>[vector<16xi32>, vector<16xi32>], vector<16xf32>,
      %add3A_227 = arith.constant 27 : i32
      %add3A_228 = vector.broadcast %add3A_227 : i32 to vector<16xi32>
      %add3A_229 = arith.addi %mul3A_34, %add3A_228 : vector<16xi32>
      tpu.vector_store_idx %arg9[%shift_right_arithmetic3A_29, %add3A_229], %gather3A_226 : memref<256x128xf32, #tpu.memory_space<vmem>>[vector<16xi32>, vector<16xi32>], vector<16xf32>,
      %add3A_230 = arith.constant 28 : i32
      %add3A_231 = vector.broadcast %add3A_230 : i32 to vector<16xi32>
      %add3A_232 = arith.addi %get3A_27, %add3A_231 : vector<16xi32>
      %gather3A_233 = tpu.vector_load_idx %arg8[%add3A_24, %add3A_232] : memref<512x128xf32, #tpu.memory_space<vmem>>[vector<16xi32>, vector<16xi32>], vector<16xf32>,
      %add3A_234 = arith.constant 28 : i32
      %add3A_235 = vector.broadcast %add3A_234 : i32 to vector<16xi32>
      %add3A_236 = arith.addi %mul3A_34, %add3A_235 : vector<16xi32>
      tpu.vector_store_idx %arg9[%shift_right_arithmetic3A_29, %add3A_236], %gather3A_233 : memref<256x128xf32, #tpu.memory_space<vmem>>[vector<16xi32>, vector<16xi32>], vector<16xf32>,
      %add3A_237 = arith.constant 29 : i32
      %add3A_238 = vector.broadcast %add3A_237 : i32 to vector<16xi32>
      %add3A_239 = arith.addi %get3A_27, %add3A_238 : vector<16xi32>
      %gather3A_240 = tpu.vector_load_idx %arg8[%add3A_24, %add3A_239] : memref<512x128xf32, #tpu.memory_space<vmem>>[vector<16xi32>, vector<16xi32>], vector<16xf32>,
      %add3A_241 = arith.constant 29 : i32
      %add3A_242 = vector.broadcast %add3A_241 : i32 to vector<16xi32>
      %add3A_243 = arith.addi %mul3A_34, %add3A_242 : vector<16xi32>
      tpu.vector_store_idx %arg9[%shift_right_arithmetic3A_29, %add3A_243], %gather3A_240 : memref<256x128xf32, #tpu.memory_space<vmem>>[vector<16xi32>, vector<16xi32>], vector<16xf32>,
      %add3A_244 = arith.constant 30 : i32
      %add3A_245 = vector.broadcast %add3A_244 : i32 to vector<16xi32>
      %add3A_246 = arith.addi %get3A_27, %add3A_245 : vector<16xi32>
      %gather3A_247 = tpu.vector_load_idx %arg8[%add3A_24, %add3A_246] : memref<512x128xf32, #tpu.memory_space<vmem>>[vector<16xi32>, vector<16xi32>], vector<16xf32>,
      %add3A_248 = arith.constant 30 : i32
      %add3A_249 = vector.broadcast %add3A_248 : i32 to vector<16xi32>
      %add3A_250 = arith.addi %mul3A_34, %add3A_249 : vector<16xi32>
      tpu.vector_store_idx %arg9[%shift_right_arithmetic3A_29, %add3A_250], %gather3A_247 : memref<256x128xf32, #tpu.memory_space<vmem>>[vector<16xi32>, vector<16xi32>], vector<16xf32>,
      %add3A_251 = arith.constant 31 : i32
      %add3A_252 = vector.broadcast %add3A_251 : i32 to vector<16xi32>
      %add3A_253 = arith.addi %get3A_27, %add3A_252 : vector<16xi32>
      %gather3A_254 = tpu.vector_load_idx %arg8[%add3A_24, %add3A_253] : memref<512x128xf32, #tpu.memory_space<vmem>>[vector<16xi32>, vector<16xi32>], vector<16xf32>,
      %add3A_255 = arith.constant 31 : i32
      %add3A_256 = vector.broadcast %add3A_255 : i32 to vector<16xi32>
      %add3A_257 = arith.addi %mul3A_34, %add3A_256 : vector<16xi32>
      tpu.vector_store_idx %arg9[%shift_right_arithmetic3A_29, %add3A_257], %gather3A_254 : memref<256x128xf32, #tpu.memory_space<vmem>>[vector<16xi32>, vector<16xi32>], vector<16xf32>,
      %add3A_258 = arith.constant 32 : i32
      %add3A_259 = vector.broadcast %add3A_258 : i32 to vector<16xi32>
      %add3A_260 = arith.addi %get3A_27, %add3A_259 : vector<16xi32>
      %gather3A_261 = tpu.vector_load_idx %arg8[%add3A_24, %add3A_260] : memref<512x128xf32, #tpu.memory_space<vmem>>[vector<16xi32>, vector<16xi32>], vector<16xf32>,
      %add3A_262 = arith.constant 32 : i32
      %add3A_263 = vector.broadcast %add3A_262 : i32 to vector<16xi32>
      %add3A_264 = arith.addi %mul3A_34, %add3A_263 : vector<16xi32>
      tpu.vector_store_idx %arg9[%shift_right_arithmetic3A_29, %add3A_264], %gather3A_261 : memref<256x128xf32, #tpu.memory_space<vmem>>[vector<16xi32>, vector<16xi32>], vector<16xf32>,
      %add3A_265 = arith.constant 33 : i32
      %add3A_266 = vector.broadcast %add3A_265 : i32 to vector<16xi32>
      %add3A_267 = arith.addi %get3A_27, %add3A_266 : vector<16xi32>
      %gather3A_268 = tpu.vector_load_idx %arg8[%add3A_24, %add3A_267] : memref<512x128xf32, #tpu.memory_space<vmem>>[vector<16xi32>, vector<16xi32>], vector<16xf32>,
      %add3A_269 = arith.constant 33 : i32
      %add3A_270 = vector.broadcast %add3A_269 : i32 to vector<16xi32>
      %add3A_271 = arith.addi %mul3A_34, %add3A_270 : vector<16xi32>
      tpu.vector_store_idx %arg9[%shift_right_arithmetic3A_29, %add3A_271], %gather3A_268 : memref<256x128xf32, #tpu.memory_space<vmem>>[vector<16xi32>, vector<16xi32>], vector<16xf32>,
      %add3A_272 = arith.constant 34 : i32
      %add3A_273 = vector.broadcast %add3A_272 : i32 to vector<16xi32>
      %add3A_274 = arith.addi %get3A_27, %add3A_273 : vector<16xi32>
      %gather3A_275 = tpu.vector_load_idx %arg8[%add3A_24, %add3A_274] : memref<512x128xf32, #tpu.memory_space<vmem>>[vector<16xi32>, vector<16xi32>], vector<16xf32>,
      %add3A_276 = arith.constant 34 : i32
      %add3A_277 = vector.broadcast %add3A_276 : i32 to vector<16xi32>
      %add3A_278 = arith.addi %mul3A_34, %add3A_277 : vector<16xi32>
      tpu.vector_store_idx %arg9[%shift_right_arithmetic3A_29, %add3A_278], %gather3A_275 : memref<256x128xf32, #tpu.memory_space<vmem>>[vector<16xi32>, vector<16xi32>], vector<16xf32>,
      %add3A_279 = arith.constant 35 : i32
      %add3A_280 = vector.broadcast %add3A_279 : i32 to vector<16xi32>
      %add3A_281 = arith.addi %get3A_27, %add3A_280 : vector<16xi32>
      %gather3A_282 = tpu.vector_load_idx %arg8[%add3A_24, %add3A_281] : memref<512x128xf32, #tpu.memory_space<vmem>>[vector<16xi32>, vector<16xi32>], vector<16xf32>,
      %add3A_283 = arith.constant 35 : i32
      %add3A_284 = vector.broadcast %add3A_283 : i32 to vector<16xi32>
      %add3A_285 = arith.addi %mul3A_34, %add3A_284 : vector<16xi32>
      tpu.vector_store_idx %arg9[%shift_right_arithmetic3A_29, %add3A_285], %gather3A_282 : memref<256x128xf32, #tpu.memory_space<vmem>>[vector<16xi32>, vector<16xi32>], vector<16xf32>,
      %add3A_286 = arith.constant 36 : i32
      %add3A_287 = vector.broadcast %add3A_286 : i32 to vector<16xi32>
      %add3A_288 = arith.addi %get3A_27, %add3A_287 : vector<16xi32>
      %gather3A_289 = tpu.vector_load_idx %arg8[%add3A_24, %add3A_288] : memref<512x128xf32, #tpu.memory_space<vmem>>[vector<16xi32>, vector<16xi32>], vector<16xf32>,
      %add3A_290 = arith.constant 36 : i32
      %add3A_291 = vector.broadcast %add3A_290 : i32 to vector<16xi32>
      %add3A_292 = arith.addi %mul3A_34, %add3A_291 : vector<16xi32>
      tpu.vector_store_idx %arg9[%shift_right_arithmetic3A_29, %add3A_292], %gather3A_289 : memref<256x128xf32, #tpu.memory_space<vmem>>[vector<16xi32>, vector<16xi32>], vector<16xf32>,
      %add3A_293 = arith.constant 37 : i32
      %add3A_294 = vector.broadcast %add3A_293 : i32 to vector<16xi32>
      %add3A_295 = arith.addi %get3A_27, %add3A_294 : vector<16xi32>
      %gather3A_296 = tpu.vector_load_idx %arg8[%add3A_24, %add3A_295] : memref<512x128xf32, #tpu.memory_space<vmem>>[vector<16xi32>, vector<16xi32>], vector<16xf32>,
      %add3A_297 = arith.constant 37 : i32
      %add3A_298 = vector.broadcast %add3A_297 : i32 to vector<16xi32>
      %add3A_299 = arith.addi %mul3A_34, %add3A_298 : vector<16xi32>
      tpu.vector_store_idx %arg9[%shift_right_arithmetic3A_29, %add3A_299], %gather3A_296 : memref<256x128xf32, #tpu.memory_space<vmem>>[vector<16xi32>, vector<16xi32>], vector<16xf32>,
      %add3A_300 = arith.constant 38 : i32
      %add3A_301 = vector.broadcast %add3A_300 : i32 to vector<16xi32>
      %add3A_302 = arith.addi %get3A_27, %add3A_301 : vector<16xi32>
      %gather3A_303 = tpu.vector_load_idx %arg8[%add3A_24, %add3A_302] : memref<512x128xf32, #tpu.memory_space<vmem>>[vector<16xi32>, vector<16xi32>], vector<16xf32>,
      %add3A_304 = arith.constant 38 : i32
      %add3A_305 = vector.broadcast %add3A_304 : i32 to vector<16xi32>
      %add3A_306 = arith.addi %mul3A_34, %add3A_305 : vector<16xi32>
      tpu.vector_store_idx %arg9[%shift_right_arithmetic3A_29, %add3A_306], %gather3A_303 : memref<256x128xf32, #tpu.memory_space<vmem>>[vector<16xi32>, vector<16xi32>], vector<16xf32>,
      %add3A_307 = arith.constant 39 : i32
      %add3A_308 = vector.broadcast %add3A_307 : i32 to vector<16xi32>
      %add3A_309 = arith.addi %get3A_27, %add3A_308 : vector<16xi32>
      %gather3A_310 = tpu.vector_load_idx %arg8[%add3A_24, %add3A_309] : memref<512x128xf32, #tpu.memory_space<vmem>>[vector<16xi32>, vector<16xi32>], vector<16xf32>,
      %add3A_311 = arith.constant 39 : i32
      %add3A_312 = vector.broadcast %add3A_311 : i32 to vector<16xi32>
      %add3A_313 = arith.addi %mul3A_34, %add3A_312 : vector<16xi32>
      tpu.vector_store_idx %arg9[%shift_right_arithmetic3A_29, %add3A_313], %gather3A_310 : memref<256x128xf32, #tpu.memory_space<vmem>>[vector<16xi32>, vector<16xi32>], vector<16xf32>,
      %add3A_314 = arith.constant 40 : i32
      %add3A_315 = vector.broadcast %add3A_314 : i32 to vector<16xi32>
      %add3A_316 = arith.addi %get3A_27, %add3A_315 : vector<16xi32>
      %gather3A_317 = tpu.vector_load_idx %arg8[%add3A_24, %add3A_316] : memref<512x128xf32, #tpu.memory_space<vmem>>[vector<16xi32>, vector<16xi32>], vector<16xf32>,
      %add3A_318 = arith.constant 40 : i32
      %add3A_319 = vector.broadcast %add3A_318 : i32 to vector<16xi32>
      %add3A_320 = arith.addi %mul3A_34, %add3A_319 : vector<16xi32>
      tpu.vector_store_idx %arg9[%shift_right_arithmetic3A_29, %add3A_320], %gather3A_317 : memref<256x128xf32, #tpu.memory_space<vmem>>[vector<16xi32>, vector<16xi32>], vector<16xf32>,
      %add3A_321 = arith.constant 41 : i32
      %add3A_322 = vector.broadcast %add3A_321 : i32 to vector<16xi32>
      %add3A_323 = arith.addi %get3A_27, %add3A_322 : vector<16xi32>
      %gather3A_324 = tpu.vector_load_idx %arg8[%add3A_24, %add3A_323] : memref<512x128xf32, #tpu.memory_space<vmem>>[vector<16xi32>, vector<16xi32>], vector<16xf32>,
      %add3A_325 = arith.constant 41 : i32
      %add3A_326 = vector.broadcast %add3A_325 : i32 to vector<16xi32>
      %add3A_327 = arith.addi %mul3A_34, %add3A_326 : vector<16xi32>
      tpu.vector_store_idx %arg9[%shift_right_arithmetic3A_29, %add3A_327], %gather3A_324 : memref<256x128xf32, #tpu.memory_space<vmem>>[vector<16xi32>, vector<16xi32>], vector<16xf32>,
      %add3A_328 = arith.constant 42 : i32
      %add3A_329 = vector.broadcast %add3A_328 : i32 to vector<16xi32>
      %add3A_330 = arith.addi %get3A_27, %add3A_329 : vector<16xi32>
      %gather3A_331 = tpu.vector_load_idx %arg8[%add3A_24, %add3A_330] : memref<512x128xf32, #tpu.memory_space<vmem>>[vector<16xi32>, vector<16xi32>], vector<16xf32>,
      %add3A_332 = arith.constant 42 : i32
      %add3A_333 = vector.broadcast %add3A_332 : i32 to vector<16xi32>
      %add3A_334 = arith.addi %mul3A_34, %add3A_333 : vector<16xi32>
      tpu.vector_store_idx %arg9[%shift_right_arithmetic3A_29, %add3A_334], %gather3A_331 : memref<256x128xf32, #tpu.memory_space<vmem>>[vector<16xi32>, vector<16xi32>], vector<16xf32>,
      %add3A_335 = arith.constant 43 : i32
      %add3A_336 = vector.broadcast %add3A_335 : i32 to vector<16xi32>
      %add3A_337 = arith.addi %get3A_27, %add3A_336 : vector<16xi32>
      %gather3A_338 = tpu.vector_load_idx %arg8[%add3A_24, %add3A_337] : memref<512x128xf32, #tpu.memory_space<vmem>>[vector<16xi32>, vector<16xi32>], vector<16xf32>,
      %add3A_339 = arith.constant 43 : i32
      %add3A_340 = vector.broadcast %add3A_339 : i32 to vector<16xi32>
      %add3A_341 = arith.addi %mul3A_34, %add3A_340 : vector<16xi32>
      tpu.vector_store_idx %arg9[%shift_right_arithmetic3A_29, %add3A_341], %gather3A_338 : memref<256x128xf32, #tpu.memory_space<vmem>>[vector<16xi32>, vector<16xi32>], vector<16xf32>,
      %add3A_342 = arith.constant 44 : i32
      %add3A_343 = vector.broadcast %add3A_342 : i32 to vector<16xi32>
      %add3A_344 = arith.addi %get3A_27, %add3A_343 : vector<16xi32>
      %gather3A_345 = tpu.vector_load_idx %arg8[%add3A_24, %add3A_344] : memref<512x128xf32, #tpu.memory_space<vmem>>[vector<16xi32>, vector<16xi32>], vector<16xf32>,
      %add3A_346 = arith.constant 44 : i32
      %add3A_347 = vector.broadcast %add3A_346 : i32 to vector<16xi32>
      %add3A_348 = arith.addi %mul3A_34, %add3A_347 : vector<16xi32>
      tpu.vector_store_idx %arg9[%shift_right_arithmetic3A_29, %add3A_348], %gather3A_345 : memref<256x128xf32, #tpu.memory_space<vmem>>[vector<16xi32>, vector<16xi32>], vector<16xf32>,
      %add3A_349 = arith.constant 45 : i32
      %add3A_350 = vector.broadcast %add3A_349 : i32 to vector<16xi32>
      %add3A_351 = arith.addi %get3A_27, %add3A_350 : vector<16xi32>
      %gather3A_352 = tpu.vector_load_idx %arg8[%add3A_24, %add3A_351] : memref<512x128xf32, #tpu.memory_space<vmem>>[vector<16xi32>, vector<16xi32>], vector<16xf32>,
      %add3A_353 = arith.constant 45 : i32
      %add3A_354 = vector.broadcast %add3A_353 : i32 to vector<16xi32>
      %add3A_355 = arith.addi %mul3A_34, %add3A_354 : vector<16xi32>
      tpu.vector_store_idx %arg9[%shift_right_arithmetic3A_29, %add3A_355], %gather3A_352 : memref<256x128xf32, #tpu.memory_space<vmem>>[vector<16xi32>, vector<16xi32>], vector<16xf32>,
      %add3A_356 = arith.constant 46 : i32
      %add3A_357 = vector.broadcast %add3A_356 : i32 to vector<16xi32>
      %add3A_358 = arith.addi %get3A_27, %add3A_357 : vector<16xi32>
      %gather3A_359 = tpu.vector_load_idx %arg8[%add3A_24, %add3A_358] : memref<512x128xf32, #tpu.memory_space<vmem>>[vector<16xi32>, vector<16xi32>], vector<16xf32>,
      %add3A_360 = arith.constant 46 : i32
      %add3A_361 = vector.broadcast %add3A_360 : i32 to vector<16xi32>
      %add3A_362 = arith.addi %mul3A_34, %add3A_361 : vector<16xi32>
      tpu.vector_store_idx %arg9[%shift_right_arithmetic3A_29, %add3A_362], %gather3A_359 : memref<256x128xf32, #tpu.memory_space<vmem>>[vector<16xi32>, vector<16xi32>], vector<16xf32>,
      %add3A_363 = arith.constant 47 : i32
      %add3A_364 = vector.broadcast %add3A_363 : i32 to vector<16xi32>
      %add3A_365 = arith.addi %get3A_27, %add3A_364 : vector<16xi32>
      %gather3A_366 = tpu.vector_load_idx %arg8[%add3A_24, %add3A_365] : memref<512x128xf32, #tpu.memory_space<vmem>>[vector<16xi32>, vector<16xi32>], vector<16xf32>,
      %add3A_367 = arith.constant 47 : i32
      %add3A_368 = vector.broadcast %add3A_367 : i32 to vector<16xi32>
      %add3A_369 = arith.addi %mul3A_34, %add3A_368 : vector<16xi32>
      tpu.vector_store_idx %arg9[%shift_right_arithmetic3A_29, %add3A_369], %gather3A_366 : memref<256x128xf32, #tpu.memory_space<vmem>>[vector<16xi32>, vector<16xi32>], vector<16xf32>,
      %add3A_370 = arith.constant 48 : i32
      %add3A_371 = vector.broadcast %add3A_370 : i32 to vector<16xi32>
      %add3A_372 = arith.addi %get3A_27, %add3A_371 : vector<16xi32>
      %gather3A_373 = tpu.vector_load_idx %arg8[%add3A_24, %add3A_372] : memref<512x128xf32, #tpu.memory_space<vmem>>[vector<16xi32>, vector<16xi32>], vector<16xf32>,
      %add3A_374 = arith.constant 48 : i32
      %add3A_375 = vector.broadcast %add3A_374 : i32 to vector<16xi32>
      %add3A_376 = arith.addi %mul3A_34, %add3A_375 : vector<16xi32>
      tpu.vector_store_idx %arg9[%shift_right_arithmetic3A_29, %add3A_376], %gather3A_373 : memref<256x128xf32, #tpu.memory_space<vmem>>[vector<16xi32>, vector<16xi32>], vector<16xf32>,
      %add3A_377 = arith.constant 49 : i32
      %add3A_378 = vector.broadcast %add3A_377 : i32 to vector<16xi32>
      %add3A_379 = arith.addi %get3A_27, %add3A_378 : vector<16xi32>
      %gather3A_380 = tpu.vector_load_idx %arg8[%add3A_24, %add3A_379] : memref<512x128xf32, #tpu.memory_space<vmem>>[vector<16xi32>, vector<16xi32>], vector<16xf32>,
      %add3A_381 = arith.constant 49 : i32
      %add3A_382 = vector.broadcast %add3A_381 : i32 to vector<16xi32>
      %add3A_383 = arith.addi %mul3A_34, %add3A_382 : vector<16xi32>
      tpu.vector_store_idx %arg9[%shift_right_arithmetic3A_29, %add3A_383], %gather3A_380 : memref<256x128xf32, #tpu.memory_space<vmem>>[vector<16xi32>, vector<16xi32>], vector<16xf32>,
      %add3A_384 = arith.constant 50 : i32
      %add3A_385 = vector.broadcast %add3A_384 : i32 to vector<16xi32>
      %add3A_386 = arith.addi %get3A_27, %add3A_385 : vector<16xi32>
      %gather3A_387 = tpu.vector_load_idx %arg8[%add3A_24, %add3A_386] : memref<512x128xf32, #tpu.memory_space<vmem>>[vector<16xi32>, vector<16xi32>], vector<16xf32>,
      %add3A_388 = arith.constant 50 : i32
      %add3A_389 = vector.broadcast %add3A_388 : i32 to vector<16xi32>
      %add3A_390 = arith.addi %mul3A_34, %add3A_389 : vector<16xi32>
      tpu.vector_store_idx %arg9[%shift_right_arithmetic3A_29, %add3A_390], %gather3A_387 : memref<256x128xf32, #tpu.memory_space<vmem>>[vector<16xi32>, vector<16xi32>], vector<16xf32>,
      %add3A_391 = arith.constant 51 : i32
      %add3A_392 = vector.broadcast %add3A_391 : i32 to vector<16xi32>
      %add3A_393 = arith.addi %get3A_27, %add3A_392 : vector<16xi32>
      %gather3A_394 = tpu.vector_load_idx %arg8[%add3A_24, %add3A_393] : memref<512x128xf32, #tpu.memory_space<vmem>>[vector<16xi32>, vector<16xi32>], vector<16xf32>,
      %add3A_395 = arith.constant 51 : i32
      %add3A_396 = vector.broadcast %add3A_395 : i32 to vector<16xi32>
      %add3A_397 = arith.addi %mul3A_34, %add3A_396 : vector<16xi32>
      tpu.vector_store_idx %arg9[%shift_right_arithmetic3A_29, %add3A_397], %gather3A_394 : memref<256x128xf32, #tpu.memory_space<vmem>>[vector<16xi32>, vector<16xi32>], vector<16xf32>,
      %add3A_398 = arith.constant 52 : i32
      %add3A_399 = vector.broadcast %add3A_398 : i32 to vector<16xi32>
      %add3A_400 = arith.addi %get3A_27, %add3A_399 : vector<16xi32>
      %gather3A_401 = tpu.vector_load_idx %arg8[%add3A_24, %add3A_400] : memref<512x128xf32, #tpu.memory_space<vmem>>[vector<16xi32>, vector<16xi32>], vector<16xf32>,
      %add3A_402 = arith.constant 52 : i32
      %add3A_403 = vector.broadcast %add3A_402 : i32 to vector<16xi32>
      %add3A_404 = arith.addi %mul3A_34, %add3A_403 : vector<16xi32>
      tpu.vector_store_idx %arg9[%shift_right_arithmetic3A_29, %add3A_404], %gather3A_401 : memref<256x128xf32, #tpu.memory_space<vmem>>[vector<16xi32>, vector<16xi32>], vector<16xf32>,
      %add3A_405 = arith.constant 53 : i32
      %add3A_406 = vector.broadcast %add3A_405 : i32 to vector<16xi32>
      %add3A_407 = arith.addi %get3A_27, %add3A_406 : vector<16xi32>
      %gather3A_408 = tpu.vector_load_idx %arg8[%add3A_24, %add3A_407] : memref<512x128xf32, #tpu.memory_space<vmem>>[vector<16xi32>, vector<16xi32>], vector<16xf32>,
      %add3A_409 = arith.constant 53 : i32
      %add3A_410 = vector.broadcast %add3A_409 : i32 to vector<16xi32>
      %add3A_411 = arith.addi %mul3A_34, %add3A_410 : vector<16xi32>
      tpu.vector_store_idx %arg9[%shift_right_arithmetic3A_29, %add3A_411], %gather3A_408 : memref<256x128xf32, #tpu.memory_space<vmem>>[vector<16xi32>, vector<16xi32>], vector<16xf32>,
      %add3A_412 = arith.constant 54 : i32
      %add3A_413 = vector.broadcast %add3A_412 : i32 to vector<16xi32>
      %add3A_414 = arith.addi %get3A_27, %add3A_413 : vector<16xi32>
      %gather3A_415 = tpu.vector_load_idx %arg8[%add3A_24, %add3A_414] : memref<512x128xf32, #tpu.memory_space<vmem>>[vector<16xi32>, vector<16xi32>], vector<16xf32>,
      %add3A_416 = arith.constant 54 : i32
      %add3A_417 = vector.broadcast %add3A_416 : i32 to vector<16xi32>
      %add3A_418 = arith.addi %mul3A_34, %add3A_417 : vector<16xi32>
      tpu.vector_store_idx %arg9[%shift_right_arithmetic3A_29, %add3A_418], %gather3A_415 : memref<256x128xf32, #tpu.memory_space<vmem>>[vector<16xi32>, vector<16xi32>], vector<16xf32>,
      %add3A_419 = arith.constant 55 : i32
      %add3A_420 = vector.broadcast %add3A_419 : i32 to vector<16xi32>
      %add3A_421 = arith.addi %get3A_27, %add3A_420 : vector<16xi32>
      %gather3A_422 = tpu.vector_load_idx %arg8[%add3A_24, %add3A_421] : memref<512x128xf32, #tpu.memory_space<vmem>>[vector<16xi32>, vector<16xi32>], vector<16xf32>,
      %add3A_423 = arith.constant 55 : i32
      %add3A_424 = vector.broadcast %add3A_423 : i32 to vector<16xi32>
      %add3A_425 = arith.addi %mul3A_34, %add3A_424 : vector<16xi32>
      tpu.vector_store_idx %arg9[%shift_right_arithmetic3A_29, %add3A_425], %gather3A_422 : memref<256x128xf32, #tpu.memory_space<vmem>>[vector<16xi32>, vector<16xi32>], vector<16xf32>,
      %add3A_426 = arith.constant 56 : i32
      %add3A_427 = vector.broadcast %add3A_426 : i32 to vector<16xi32>
      %add3A_428 = arith.addi %get3A_27, %add3A_427 : vector<16xi32>
      %gather3A_429 = tpu.vector_load_idx %arg8[%add3A_24, %add3A_428] : memref<512x128xf32, #tpu.memory_space<vmem>>[vector<16xi32>, vector<16xi32>], vector<16xf32>,
      %add3A_430 = arith.constant 56 : i32
      %add3A_431 = vector.broadcast %add3A_430 : i32 to vector<16xi32>
      %add3A_432 = arith.addi %mul3A_34, %add3A_431 : vector<16xi32>
      tpu.vector_store_idx %arg9[%shift_right_arithmetic3A_29, %add3A_432], %gather3A_429 : memref<256x128xf32, #tpu.memory_space<vmem>>[vector<16xi32>, vector<16xi32>], vector<16xf32>,
      %add3A_433 = arith.constant 57 : i32
      %add3A_434 = vector.broadcast %add3A_433 : i32 to vector<16xi32>
      %add3A_435 = arith.addi %get3A_27, %add3A_434 : vector<16xi32>
      %gather3A_436 = tpu.vector_load_idx %arg8[%add3A_24, %add3A_435] : memref<512x128xf32, #tpu.memory_space<vmem>>[vector<16xi32>, vector<16xi32>], vector<16xf32>,
      %add3A_437 = arith.constant 57 : i32
      %add3A_438 = vector.broadcast %add3A_437 : i32 to vector<16xi32>
      %add3A_439 = arith.addi %mul3A_34, %add3A_438 : vector<16xi32>
      tpu.vector_store_idx %arg9[%shift_right_arithmetic3A_29, %add3A_439], %gather3A_436 : memref<256x128xf32, #tpu.memory_space<vmem>>[vector<16xi32>, vector<16xi32>], vector<16xf32>,
      %add3A_440 = arith.constant 58 : i32
      %add3A_441 = vector.broadcast %add3A_440 : i32 to vector<16xi32>
      %add3A_442 = arith.addi %get3A_27, %add3A_441 : vector<16xi32>
      %gather3A_443 = tpu.vector_load_idx %arg8[%add3A_24, %add3A_442] : memref<512x128xf32, #tpu.memory_space<vmem>>[vector<16xi32>, vector<16xi32>], vector<16xf32>,
      %add3A_444 = arith.constant 58 : i32
      %add3A_445 = vector.broadcast %add3A_444 : i32 to vector<16xi32>
      %add3A_446 = arith.addi %mul3A_34, %add3A_445 : vector<16xi32>
      tpu.vector_store_idx %arg9[%shift_right_arithmetic3A_29, %add3A_446], %gather3A_443 : memref<256x128xf32, #tpu.memory_space<vmem>>[vector<16xi32>, vector<16xi32>], vector<16xf32>,
      %add3A_447 = arith.constant 59 : i32
      %add3A_448 = vector.broadcast %add3A_447 : i32 to vector<16xi32>
      %add3A_449 = arith.addi %get3A_27, %add3A_448 : vector<16xi32>
      %gather3A_450 = tpu.vector_load_idx %arg8[%add3A_24, %add3A_449] : memref<512x128xf32, #tpu.memory_space<vmem>>[vector<16xi32>, vector<16xi32>], vector<16xf32>,
      %add3A_451 = arith.constant 59 : i32
      %add3A_452 = vector.broadcast %add3A_451 : i32 to vector<16xi32>
      %add3A_453 = arith.addi %mul3A_34, %add3A_452 : vector<16xi32>
      tpu.vector_store_idx %arg9[%shift_right_arithmetic3A_29, %add3A_453], %gather3A_450 : memref<256x128xf32, #tpu.memory_space<vmem>>[vector<16xi32>, vector<16xi32>], vector<16xf32>,
      %add3A_454 = arith.constant 60 : i32
      %add3A_455 = vector.broadcast %add3A_454 : i32 to vector<16xi32>
      %add3A_456 = arith.addi %get3A_27, %add3A_455 : vector<16xi32>
      %gather3A_457 = tpu.vector_load_idx %arg8[%add3A_24, %add3A_456] : memref<512x128xf32, #tpu.memory_space<vmem>>[vector<16xi32>, vector<16xi32>], vector<16xf32>,
      %add3A_458 = arith.constant 60 : i32
      %add3A_459 = vector.broadcast %add3A_458 : i32 to vector<16xi32>
      %add3A_460 = arith.addi %mul3A_34, %add3A_459 : vector<16xi32>
      tpu.vector_store_idx %arg9[%shift_right_arithmetic3A_29, %add3A_460], %gather3A_457 : memref<256x128xf32, #tpu.memory_space<vmem>>[vector<16xi32>, vector<16xi32>], vector<16xf32>,
      %add3A_461 = arith.constant 61 : i32
      %add3A_462 = vector.broadcast %add3A_461 : i32 to vector<16xi32>
      %add3A_463 = arith.addi %get3A_27, %add3A_462 : vector<16xi32>
      %gather3A_464 = tpu.vector_load_idx %arg8[%add3A_24, %add3A_463] : memref<512x128xf32, #tpu.memory_space<vmem>>[vector<16xi32>, vector<16xi32>], vector<16xf32>,
      %add3A_465 = arith.constant 61 : i32
      %add3A_466 = vector.broadcast %add3A_465 : i32 to vector<16xi32>
      %add3A_467 = arith.addi %mul3A_34, %add3A_466 : vector<16xi32>
      tpu.vector_store_idx %arg9[%shift_right_arithmetic3A_29, %add3A_467], %gather3A_464 : memref<256x128xf32, #tpu.memory_space<vmem>>[vector<16xi32>, vector<16xi32>], vector<16xf32>,
      %add3A_468 = arith.constant 62 : i32
      %add3A_469 = vector.broadcast %add3A_468 : i32 to vector<16xi32>
      %add3A_470 = arith.addi %get3A_27, %add3A_469 : vector<16xi32>
      %gather3A_471 = tpu.vector_load_idx %arg8[%add3A_24, %add3A_470] : memref<512x128xf32, #tpu.memory_space<vmem>>[vector<16xi32>, vector<16xi32>], vector<16xf32>,
      %add3A_472 = arith.constant 62 : i32
      %add3A_473 = vector.broadcast %add3A_472 : i32 to vector<16xi32>
      %add3A_474 = arith.addi %mul3A_34, %add3A_473 : vector<16xi32>
      tpu.vector_store_idx %arg9[%shift_right_arithmetic3A_29, %add3A_474], %gather3A_471 : memref<256x128xf32, #tpu.memory_space<vmem>>[vector<16xi32>, vector<16xi32>], vector<16xf32>,
      %add3A_475 = arith.constant 63 : i32
      %add3A_476 = vector.broadcast %add3A_475 : i32 to vector<16xi32>
      %add3A_477 = arith.addi %get3A_27, %add3A_476 : vector<16xi32>
      %gather3A_478 = tpu.vector_load_idx %arg8[%add3A_24, %add3A_477] : memref<512x128xf32, #tpu.memory_space<vmem>>[vector<16xi32>, vector<16xi32>], vector<16xf32>,
      %add3A_479 = arith.constant 63 : i32
      %add3A_480 = vector.broadcast %add3A_479 : i32 to vector<16xi32>
      %add3A_481 = arith.addi %mul3A_34, %add3A_480 : vector<16xi32>
      tpu.vector_store_idx %arg9[%shift_right_arithmetic3A_29, %add3A_481], %gather3A_478 : memref<256x128xf32, #tpu.memory_space<vmem>>[vector<16xi32>, vector<16xi32>], vector<16xf32>,
    }
    %scan3A_17 = arith.constant 32 : i32
    %mul3A_18 = arith.constant 256 : i32
    %mul3A_19 = arith.muli %add3A, %mul3A_18 : i32
    "tpu.region"() ({
      %run_scoped3A = tpu.sem_alloc : memref<!tpu.dma_semaphore, #tpu.memory_space<semaphore_mem>>
      %dma_start3A_20 = arith.constant 0 : i32
      %dma_start3A_21 = tpu.memref_slice %arg4[%mul3A_19, %dma_start3A_20] : memref<8192x128xf32, #tpu.memory_space<hbm>> -> memref<256x128xf32, #tpu.memory_space<hbm>>
      %dma_start3A_22 = arith.constant 0 : i32
      %dma_start3A_23 = tpu.memref_slice %arg4[%mul3A_19, %dma_start3A_22] : memref<8192x128xf32, #tpu.memory_space<hbm>> -> memref<256x128xf32, #tpu.memory_space<hbm>>
      tpu.enqueue_dma source(%arg9 : memref<256x128xf32, #tpu.memory_space<vmem>>) target(%dma_start3A_23 : memref<256x128xf32, #tpu.memory_space<hbm>>) target_semaphore(%run_scoped3A : memref<!tpu.dma_semaphore, #tpu.memory_space<semaphore_mem>>)
      %dma_wait3A_24 = arith.constant 0 : i32
      %dma_wait3A_25 = tpu.memref_slice %arg4[%mul3A_19, %dma_wait3A_24] : memref<8192x128xf32, #tpu.memory_space<hbm>> -> memref<256x128xf32, #tpu.memory_space<hbm>>
      %dma_wait3A_26 = arith.constant 0 : i32
      %dma_wait3A_27 = tpu.memref_slice %arg4[%mul3A_19, %dma_wait3A_26] : memref<8192x128xf32, #tpu.memory_space<hbm>> -> memref<256x128xf32, #tpu.memory_space<hbm>>
      tpu.wait_dma2 semaphore(%run_scoped3A : memref<!tpu.dma_semaphore, #tpu.memory_space<semaphore_mem>>) src(%arg9 : memref<256x128xf32, #tpu.memory_space<vmem>>) dst(%dma_wait3A_27 : memref<256x128xf32, #tpu.memory_space<hbm>>)
      tpu.yield
    }) : () -> ()
    return
  }
}

</mosaic_0001>

<sc_bundles>
// kernel: kernel.4.cloned.1.call-start
scs
__scs_entry_jumppad:
0x0: {  	(pc) =	sbr.rel $0x88, $3  }
0x1: {  	(tag) =	ssettag $0x0;
	lr =	simm.s32 $0x1  }
0x2: {  	[smem:$0x3F9F] =	sst lr;
	_ =	strace $0xD0000000  }
0x3: {  	_ = 	snop  }
0x4: {  	_ = 	snop  }
0x5: {  	_ = 	snop  }
0x6: {  	_ = 	snop  }
0x7: {  	_ = 	snop  }
__scs_overlays_trampoline_lowered:
0x8: {  	[smem:$0x3FAE] =	sst s0  }
0x9: {  	[smem:$0x3FAF] =	sst s1  }
0xa: {  	[smem:$0x3FB0] =	sst s2  }
0xb: {  	[smem:$0x3FB1] =	sst s3  }
0xc: {  	[smem:$0x3FB2] =	sst s4  }
0xd: {  	[smem:$0x3FB3] =	sst s5  }
0xe: {  	[smem:$0x3FB4] =	sst s6  }
0xf: {  	[smem:$0x3FB5] =	sst s7  }
0x10: {  	[smem:$0x3FB6] =	sst s8  }
0x11: {  	[smem:$0x3FB7] =	sst s9;
	s0 =	simm.s32 @!p0 $0x0  }
0x12: {  	s1 =	sld [smem:$0x3F9D];
	s0 =	simm.s32 @p0 $0x1  }
0x13: {  	[smem:$0x3FB8] =	sst s0;
	s0 =	simm.s32 @!p1 $0x0  }
0x14: {  	s2 =	sld [smem:$0x3F9C];
	s0 =	simm.s32 @p1 $0x1  }
0x15: {  	[smem:$0x3FB9] =	sst s0;
	s0 =	simm.s32 @!p2 $0x0  }
0x16: {  	s3 =	sld [smem:$0x3FDB];
	s0 =	simm.s32 @p2 $0x1  }
0x17: {  	s4 =	simm.s32 $0x1BF5;
	[smem:$0x3FBB] =	sst s0  }
0x18: {  	s0 =	sld [smem:$0x3F9E];
	_ =	swait.ge [sflag:s4], $0x0  }
0x19: {  	s7 =	sld [smem:$0x3F9F]  }
0x1a: {  	s8 =	sadd.s32 $0xFFFFE003, lr  }
0x1b: {  	s9 =	sadd.s32 $0xFFFFFEF7, lr;
	s5 =	simm.s32 $0xFFFFFFFF;
	p2 =	slt.u32 s8, $0xFFFFF086  }
0x1c: {  	p1 =	slt.u32 s9, $0xF7A;
	s5 =	simm.s32 @!p2 $0x0  }
0x1d: {  	s5 =	simm.s32 @p1 $0x1;
	p0 =	seq.s32 s7, s2  }
0x1e: {  	s7 =	smul.u32 @!p0 $0xF7A, s2;
	p2 =	seq.s32 @!p0 s5, $0x0  }
0x1f: {  	s9 =	smul.u32 $0xF7A, s1;
	s8 =	simm.s32 @!p0 $0x1BF5;
	p2 =	por !p2, p0  }
0x20: {  	[sflag:s8] =	ssyncset.s32 @!p0 $0xFFFFF086;
	s6 =	sadd.s32 @!p0 s3, s7;
	s7 =	simm.s32 @!p0 $0x108  }
0x21: {  	s3 =	sadd.s32 s3, s9;
	s6 =	sadd.s32 @!p0 $0x88, s6;
	s7 =	simm.s32 @p2 $0x1082  }
0x22: {  	[simem:s7], [sflag:s8] =	dma.local @!p0 [hbm:s6], $0xF7A  }
0x23: {  	s9 =	sor.u32 $0xD0000000, s2;
	s6 =	simm.s32 $0x108;
	_ =	swait.ge @!p0 [sflag:s8], $0x0  }
0x24: {  	s3 =	sadd.s32 $0x88, s3;
	s6 =	simm.s32 @!p1 $0x1082;
	[sflag:s4] =	ssyncset.s32 $0xFFFFF086  }
0x25: {  	[simem:s6], [sflag:s4] =	dma.local [hbm:s3], $0xF7A  }
0x26: {  	[smem:$0x3F9F] =	sst s1;
	(tag) =	ssettag s2;
	_ =	strace s9  }
0x27: {  	s1 =	sld [smem:$0x3FAF]  }
0x28: {  	s2 =	sld [smem:$0x3FB0]  }
0x29: {  	s4 =	sld [smem:$0x3FB2]  }
0x2a: {  	p0 =	seq.s32 s5, $0x0;
	s5 =	sld [smem:$0x3FB3]  }
0x2b: {  	s6 =	sld [smem:$0x3FB4]  }
0x2c: {  	s7 =	sld [smem:$0x3FB5]  }
0x2d: {  	s3 =	simm.s32 $0x108;
	s8 =	sld [smem:$0x3FB6]  }
0x2e: {  	s3 =	simm.s32 @!p0 $0x1082;
	s9 =	sld [smem:$0x3FB7]  }
0x2f: {  	lr =	sadd.s32 s0, s3;
	s0 =	sld [smem:$0x3FAE]  }
0x30: {  	s3 =	sld [smem:$0x3FB1]  }
0x31: {  	[smem:$0x3FBA] =	sst s10  }
0x32: {  	s10 =	sld [smem:$0x3FB8];
	_ =	sdelay $0x3  }
0x33: {  	p0 =	seq.s32 s10, $0x1;
	s10 =	sld [smem:$0x3FBA];
	_ =	sdelay $0x3  }
0x34: {  	[smem:$0x3FBA] =	sst s10  }
0x35: {  	s10 =	sld [smem:$0x3FB9];
	_ =	sdelay $0x3  }
0x36: {  	p1 =	seq.s32 s10, $0x1;
	s10 =	sld [smem:$0x3FBA];
	_ =	sdelay $0x3  }
0x37: {  	[smem:$0x3FBA] =	sst s10  }
0x38: {  	s10 =	sld [smem:$0x3FBB]  }
0x39: {  	_ = 	snop;
	(pc) =	sbr.ind lr, $3  }
0x3a: {  	_ = 	snop  }
0x3b: {  	_ = 	snop  }
0x3c: {  	p2 =	seq.s32 s10, $0x1;
	s10 =	sld [smem:$0x3FBA]  }
0x3d: {  	_ =	shalt  }
0x3e: {  	_ =	shalt  }
0x3f: {  	_ =	shalt  }
0x40: {  	_ =	shalt  }
0x41: {  	_ =	shalt  }
0x42: {  	_ =	shalt  }
0x43: {  	_ =	shalt  }
0x44: {  	_ =	shalt  }
0x45: {  	_ =	shalt  }
0x46: {  	_ =	shalt  }
0x47: {  	_ =	shalt  }
0x48: {  	_ =	shalt  }
0x49: {  	_ =	shalt  }
0x4a: {  	_ =	shalt  }
0x4b: {  	_ =	shalt  }
0x4c: {  	_ =	shalt  }
0x4d: {  	_ =	shalt  }
0x4e: {  	_ =	shalt  }
0x4f: {  	_ =	shalt  }
0x50: {  	_ =	shalt  }
0x51: {  	_ =	shalt  }
0x52: {  	_ =	shalt  }
0x53: {  	_ =	shalt  }
0x54: {  	_ =	shalt  }
0x55: {  	_ =	shalt  }
0x56: {  	_ =	shalt  }
0x57: {  	_ =	shalt  }
0x58: {  	_ =	shalt  }
0x59: {  	_ =	shalt  }
0x5a: {  	_ =	shalt  }
0x5b: {  	_ =	shalt  }
0x5c: {  	_ =	shalt  }
0x5d: {  	_ =	shalt  }
0x5e: {  	_ =	shalt  }
0x5f: {  	_ =	shalt  }
0x60: {  	_ =	shalt  }
0x61: {  	_ =	shalt  }
0x62: {  	_ =	shalt  }
0x63: {  	_ =	shalt  }
0x64: {  	_ =	shalt  }
0x65: {  	_ =	shalt  }
0x66: {  	_ =	shalt  }
0x67: {  	_ =	shalt  }
0x68: {  	_ =	shalt  }
0x69: {  	_ =	shalt  }
0x6a: {  	_ =	shalt  }
0x6b: {  	_ =	shalt  }
0x6c: {  	_ =	shalt  }
0x6d: {  	_ =	shalt  }
0x6e: {  	_ =	shalt  }
0x6f: {  	_ =	shalt  }
0x70: {  	_ =	shalt  }
0x71: {  	_ =	shalt  }
0x72: {  	_ =	shalt  }
0x73: {  	_ =	shalt  }
0x74: {  	_ =	shalt  }
0x75: {  	_ =	shalt  }
0x76: {  	_ =	shalt  }
0x77: {  	_ =	shalt  }
0x78: {  	_ =	shalt  }
0x79: {  	_ =	shalt  }
0x7a: {  	_ =	shalt  }
0x7b: {  	_ =	shalt  }
0x7c: {  	_ =	shalt  }
0x7d: {  	_ =	shalt  }
0x7e: {  	_ =	shalt  }
0x7f: {  	_ =	shalt  }
0x80: {  	_ =	shalt  }
0x81: {  	_ =	shalt  }
0x82: {  	_ =	shalt  }
0x83: {  	_ =	shalt  }
0x84: {  	_ =	shalt  }
0x85: {  	_ =	shalt  }
0x86: {  	_ =	shalt  }
0x87: {  	_ =	shalt  }
.Lfunc_end0:
.L_simem_size_0:
called_computation_lowered:
.L_overlay_start_0:
0x88: {  	s2 =	sld [smem:$0x3FD9]  }
0x89: {  	s3 =	sld [smem:$0x3FFE];
	_ =	sdelay $0x1  }
0x8a: {  	s1 =	srdreg.scid  }
0x8b: {  	s0 =	sand.u32 $0x1, s1  }
0x8c: {  	s17 =	sshll.u32 s0, $0xA;
	s2 =	sadd.s32 s3, s2  }
0x8d: {  	s2 =	sadd.s32 s2, s17  }
0x8e: {  	[smem:$0x3FC6] =	sst s2  }
0x8f: {  	_ = 	snop  }
0x90: {  	s2 =	sld [smem:$0x3FC8]  }
0x91: {  	s18 =	sld [smem:$0x3FD0];
	(tm) =	ssettm $0x1  }
0x92: {  	s4 =	sld [smem:$0x3FFB];
	_ =	sdelay $0x3  }
0x93: {  	_ =	strace s4  }
0x94: {  	s4 =	sld [smem:$0x3FFC];
	_ =	sdelay $0x3  }
0x95: {  	_ =	strace s4  }
0x96: {  	s4 =	sld [smem:$0x3FFD];
	_ =	sdelay $0x3  }
0x97: {  	_ =	strace s4  }
0x98: {  	_ =	strace $0x8FFFFFFF  }
0x99: {  	s19 =	sld [smem:$0x3FDB];
	_ =	sdelay $0x1  }
0x9a: {  	s5 =	simm.s32 $_scs_section_size  }
0x9b: {  	s6 =	simm.s32 $_size__tile_overlayer_lowered;
	s7 =	simm.s32 $_tile_overlayer_lowered  }
0x9c: {  	s22 =	simm.s32 $0x1BFF;
	s21 =	sshll.u32 s7, $0x1;
	s4 =	sadd.s32 s5, s19  }
0x9d: {  	s8 =	simm.s32 $0x0;
	s20 =	sshll.u32 s6, $0x1;
	s6 =	sadd.s32 s21, s4  }
0x9e: {  	[timem:s8], [sflag:s22] =	dma.local [hbm:s6], s20  }
0x9f: {  	_ =	swait.ge [sflag:s22], s20  }
0xa0: {  	s5 =	ssub.s32 $0x0, s20;
	[sflag:s22] =	ssyncset.done $0x0  }
0xa1: {  	[sflag:s22] =	ssyncadd.s32 s5;
	_ =	sdelay $0x1  }
0xa2: {  	s23 =	simm.s32 $0x1B8B  }
0xa3: {  	_ =	swait.ge [sflag:s23], $0x1  }
0xa4: {  	[sflag:s23] =	ssyncset.done $0x0  }
0xa5: {  	s25 =	simm.s32 $0x1B8E;
	s24 =	sld [smem:$0x3FFE];
	[sflag:s23] =	ssyncadd.s32 $0xFFFFFFFF  }
0xa6: {  	s26 =	simm.s32 $execute0_lowered;
	[smem:$0x3FD2] =	sst s25  }
0xa7: {  	s6 =	sshll.u32 s26, $0x1;
	_ =	strace $0x80000046;
	[dreg:$0x1] =	wrdreg $0xFFFFFFFF  }
0xa8: {  	s28 =	simm.s32 $_size_execute0_lowered;
	s4 =	sadd.s32 s4, s6;
	[dreg:$0x0] =	wrdreg $0x0  }
0xa9: {  	s6 =	sshll.u32 s28, $0x1;
	[dreg:$0x2] =	wrdreg s4  }
0xaa: {  	[dreg:$0x3] =	wrdreg s6  }
0xab: {  	[dreg:$0x4] =	wrdreg $0xC0  }
0xac: {  	_ =	task [dreg:s8], $0x5FFFF  }
0xad: {  	[dreg:$0x1] =	wrdreg $0xFFFFFFFF  }
0xae: {  	[dreg:$0x0] =	wrdreg $0x60  }
0xaf: {  	[dreg:$0x2] =	wrdreg s2  }
0xb0: {  	[dreg:$0x3] =	wrdreg s18  }
0xb1: {  	[dreg:$0x4] =	wrdreg s24  }
0xb2: {  	[dreg:$0x5] =	wrdreg $0x9  }
0xb3: {  	_ =	task.clear_ibuf [dreg:s8], $0x6FFFF;
	_ =	strace $0x90000046  }
0xb4: {  	s29 =	simm.s32 $0x9;
	_ =	strace $0x80000048  }
0xb5: {  	_ =	swait.ge [sflag:s29], $0x1  }
0xb6: {  	[sflag:s29] =	ssyncadd.s32 $0xFFFFFFFF  }
0xb7: {  	_ =	strace $0x90000048  }
0xb8: {  	_ =	sfence  }
0xb9: {  	s30 =	sld [smem:$0x0];
	_ =	sdelay $0x2  }
0xba: {  	s31 =	sshll.u32 s1, $0xD;
	s1 =	sshrl.u32 s1, $0x2  }
0xbb: {  	s3 =	sand.u32 $0x4000, s31;
	s1 =	sadd.s32 s1, s30  }
0xbc: {  	s0 =	sor.u32 s3, s0;
	s1 =	sshll.u32 s1, $0x11  }
0xbd: {  	s0 =	sor.u32 s1, s0  }
0xbe: {  	s0 =	sadd.s32 $0x8F2B, s0  }
0xbf: {  	[sflag:s0] =	ssyncadd.remote.s32 $0x1  }
0xc0: {  	_ =	sfence.sel $0xFFFF  }
0xc1: {  	[dreg:$0x0] =	wrdreg $0xFFFFFFFF;
	(pc) =	sbr.abs _section_cstart, $3  }
0xc2: {  	[dreg:$0x1] =	wrdreg $0xFFFFFFFF  }
0xc3: {  	_ =	task.clear_ibuf [dreg:s8], $0x2FFFF;
	_ =	strace $0x9FFFFFFF  }
0xc4: {  	(tm) =	ssettm $0x7FFFFFFF  }
0xc5: {  	_ =	shalt  }
tec
execute0_lowered:
.L_overlay_start_1:
0x0: {  	(tag) =	ssettag $0x1  }
0x1: {  	v0 =	vimm.s32 $0xB80;
	vm14 =	vcmask $0x300  }
0x2: {  	v1 =	vimm.s32 $0x1B80;
	vm13 =	vcmask $0x704;
	vm12 =	vcmask $0xB08  }
0x3: {  	vm11 =	vcmask $0xF0C;
	vm10 =	vcmask $0x1310;
	vm9 =	vcmask $0x1714  }
0x4: {  	vm8 =	vcmask $0x1B18;
	vm7 =	vcmask $0x1F1C;
	vm6 =	vcmask $0x2320  }
0x5: {  	vm5 =	vcmask $0x2724;
	vm4 =	vcmask $0x2B28;
	vm3 =	vcmask $0x2F2C  }
0x6: {  	vm2 =	vcmask $0x3330;
	vm1 =	vcmask $0x3734;
	vm0 =	vcmask $0x3B38  }
0x7: {  	v2 =	vimm.s32 $0x2B80;
	v3 =	vimm.s32 $0x3B80;
	v4 =	vimm.s32 $0xB81  }
0x8: {  	v5 =	vimm.s32 $0x1B81;
	v6 =	vimm.s32 $0x2B81;
	v7 =	vimm.s32 $0x3B81  }
0x9: {  	v0 =	vsel vm14, $0x0, v0;
	v1 =	vsel vm14, $0x1000, v1;
	v2 =	vsel vm14, $0x2000, v2  }
0xa: {  	v3 =	vsel vm14, $0x3000, v3;
	v4 =	vsel vm14, $0x1, v4;
	v5 =	vsel vm14, $0x1001, v5  }
0xb: {  	v6 =	vsel vm14, $0x2001, v6;
	v7 =	vsel vm14, $0x3001, v7;
	v0 =	vsel vm13, $0x80, v0  }
0xc: {  	v1 =	vsel vm13, $0x1080, v1;
	v2 =	vsel vm13, $0x2080, v2;
	v3 =	vsel vm13, $0x3080, v3  }
0xd: {  	v4 =	vsel vm13, $0x81, v4;
	v5 =	vsel vm13, $0x1081, v5;
	v6 =	vsel vm13, $0x2081, v6  }
0xe: {  	v7 =	vsel vm13, $0x3081, v7;
	v0 =	vsel vm12, $0x100, v0;
	v1 =	vsel vm12, $0x1100, v1  }
0xf: {  	v2 =	vsel vm12, $0x2100, v2;
	v3 =	vsel vm12, $0x3100, v3;
	v4 =	vsel vm12, $0x101, v4  }
0x10: {  	v5 =	vsel vm12, $0x1101, v5;
	v6 =	vsel vm12, $0x2101, v6;
	v7 =	vsel vm12, $0x3101, v7  }
0x11: {  	v0 =	vsel vm11, $0x180, v0;
	v1 =	vsel vm11, $0x1180, v1;
	v2 =	vsel vm11, $0x2180, v2  }
0x12: {  	v3 =	vsel vm11, $0x3180, v3;
	v4 =	vsel vm11, $0x181, v4;
	v5 =	vsel vm11, $0x1181, v5  }
0x13: {  	v6 =	vsel vm11, $0x2181, v6;
	v7 =	vsel vm11, $0x3181, v7;
	v0 =	vsel vm10, $0x200, v0  }
0x14: {  	v1 =	vsel vm10, $0x1200, v1;
	v2 =	vsel vm10, $0x2200, v2;
	v3 =	vsel vm10, $0x3200, v3  }
0x15: {  	v4 =	vsel vm10, $0x201, v4;
	v5 =	vsel vm10, $0x1201, v5;
	v6 =	vsel vm10, $0x2201, v6  }
0x16: {  	v7 =	vsel vm10, $0x3201, v7;
	v0 =	vsel vm9, $0x280, v0;
	v1 =	vsel vm9, $0x1280, v1  }
0x17: {  	v2 =	vsel vm9, $0x2280, v2;
	v3 =	vsel vm9, $0x3280, v3;
	v4 =	vsel vm9, $0x281, v4  }
0x18: {  	v5 =	vsel vm9, $0x1281, v5;
	v6 =	vsel vm9, $0x2281, v6;
	v7 =	vsel vm9, $0x3281, v7  }
0x19: {  	v0 =	vsel vm8, $0x300, v0;
	v1 =	vsel vm8, $0x1300, v1;
	v2 =	vsel vm8, $0x2300, v2  }
0x1a: {  	v3 =	vsel vm8, $0x3300, v3;
	v4 =	vsel vm8, $0x301, v4;
	v5 =	vsel vm8, $0x1301, v5  }
0x1b: {  	v6 =	vsel vm8, $0x2301, v6;
	v7 =	vsel vm8, $0x3301, v7;
	v0 =	vsel vm7, $0x380, v0  }
0x1c: {  	v1 =	vsel vm7, $0x1380, v1;
	v2 =	vsel vm7, $0x2380, v2;
	v3 =	vsel vm7, $0x3380, v3  }
0x1d: {  	s0 =	rddreg [dreg:$0x0];
	v4 =	vsel vm7, $0x381, v4;
	v5 =	vsel vm7, $0x1381, v5;
	v6 =	vsel vm7, $0x2381, v6  }
0x1e: {  	s21 =	rddreg [dreg:$0x1];
	v7 =	vsel vm7, $0x3381, v7;
	v0 =	vsel vm6, $0x800, v0;
	v1 =	vsel vm6, $0x1800, v1  }
0x1f: {  	s1 =	srdreg.scid;
	s4 =	stileid.u32;
	v2 =	vsel vm6, $0x2800, v2;
	v3 =	vsel vm6, $0x3800, v3;
	v4 =	vsel vm6, $0x801, v4  }
0x20: {  	s3 =	rddreg [dreg:$0x2];
	s28 =	simm.s32 $0x1;
	s29 =	simm.s32 $0x2;
	v5 =	vsel vm6, $0x1801, v5;
	v6 =	vsel vm6, $0x2801, v6;
	v7 =	vsel vm6, $0x3801, v7  }
0x21: {  	s31 =	simm.s32 $0x0;
	s2 =	sand.u32 $0x1, s1;
	s20 =	sshll.u32 s4, $0x1;
	v0 =	vsel vm5, $0x880, v0;
	v1 =	vsel vm5, $0x1880, v1;
	v2 =	vsel vm5, $0x2880, v2  }
0x22: {  	s4 =	simm.s32 $0x0;
	s6 =	sadd.s32 $0x800, s3;
	s3 =	sadd.s32 $0x7A1800, s3;
	v3 =	vsel vm5, $0x3880, v3;
	v4 =	vsel vm5, $0x881, v4;
	v5 =	vsel vm5, $0x1881, v5  }
0x23: {  	s22 =	sadd.s32 $0x80, s21;
	s23 =	sadd.s32 $0x100, s21;
	[smem:$0x7FF] =	sst s4;
	v6 =	vsel vm5, $0x2881, v6;
	v7 =	vsel vm5, $0x3881, v7;
	v0 =	vsel vm4, $0x900, v0  }
0x24: {  	s24 =	sadd.s32 $0x180, s21;
	_ =	strace $0x80000047;
	[dreg:$0x4] =	wrdreg s3;
	v1 =	vsel vm4, $0x1900, v1;
	v2 =	vsel vm4, $0x2900, v2;
	v3 =	vsel vm4, $0x3900, v3  }
0x25: {  	s25 =	sadd.s32 $0x200, s21;
	s26 =	sadd.s32 $0x280, s21;
	[dreg:$0x5] =	wrdreg s22;
	v4 =	vsel vm4, $0x901, v4;
	v5 =	vsel vm4, $0x1901, v5;
	v6 =	vsel vm4, $0x2901, v6  }
0x26: {  	s30 =	sadd.s32 $0x300, s21;
	s1 =	sor.u32 s2, s20;
	[dreg:$0x6] =	wrdreg s23;
	v7 =	vsel vm4, $0x3901, v7;
	v0 =	vsel vm3, $0x980, v0;
	v1 =	vsel vm3, $0x1980, v1  }
0x27: {  	s7 =	ssub.s32 $0x2, s2;
	p0 =	seq.s32 s2, $0x1;
	[dreg:$0x7] =	wrdreg s24;
	v2 =	vsel vm3, $0x2980, v2;
	v3 =	vsel vm3, $0x3980, v3;
	v4 =	vsel vm3, $0x981, v4  }
0x28: {  	s5 =	smul.u32 $0xF5, s1;
	s8 =	sshrl.u32 s7, $0x1;
	[dreg:$0x8] =	wrdreg s25;
	v5 =	vsel vm3, $0x1981, v5;
	v6 =	vsel vm3, $0x2981, v6;
	v7 =	vsel vm3, $0x3981, v7  }
0x29: {  	s10 =	smul.u32 $0x7A80, s1;
	[dreg:$0x9] =	wrdreg s26;
	p2 =	sne.s32 s1, $0x0;
	v0 =	vsel vm2, $0xA00, v0;
	v1 =	vsel vm2, $0x1A00, v1;
	v2 =	vsel vm2, $0x2A00, v2  }
0x2a: {  	[dreg:$0xa] =	wrdreg s30;
	s26 =	sadd.s32 $0x380, s21;
	s11 =	ssub.s32 s7, s8;
	v3 =	vsel vm2, $0x3A00, v3;
	v4 =	vsel vm2, $0xA01, v4;
	v5 =	vsel vm2, $0x1A01, v5  }
0x2b: {  	s8 =	sshll.u32 s2, $0xE;
	s2 =	simm.s32 $0x3;
	s9 =	smin.u32 s5, $0x1D8F;
	v6 =	vsel vm2, $0x2A01, v6;
	v7 =	vsel vm2, $0x3A01, v7;
	v0 =	vsel vm1, $0xA80, v0  }
.Ltmp0:
0x2c: {  	s12 =	smax.u32 s11, $0x1;
	s13 =	sor.u32 $0x800, s8;
	v1 =	vsel vm1, $0x1A80, v1;
	v2 =	vsel vm1, $0x2A80, v2;
	v3 =	vsel vm1, $0x3A80, v3;
	(pc) =	sbr.rel .LBB2_1-.Ltmp0, $4  }
0x2d: {  	s14 =	sor.u32 $0x1000, s8;
	s15 =	sor.u32 $0x1800, s8;
	s16 =	sor.u32 $0x2000, s8;
	v4 =	vsel vm1, $0xA81, v4;
	v5 =	vsel vm1, $0x1A81, v5;
	v6 =	vsel vm1, $0x2A81, v6  }
0x2e: {  	s17 =	sor.u32 $0x2800, s8;
	s18 =	sor.u32 $0x3000, s8;
	s7 =	sadd.s32 $0xF5, s9;
	v7 =	vsel vm1, $0x3A81, v7;
	v0 =	vsel vm0, $0xB00, v0;
	v1 =	vsel vm0, $0x1B00, v1  }
0x2f: {  	s19 =	sor.u32 $0x3800, s8;
	s9 =	sadd.s32 s0, s10;
	s20 =	ssub.s32 s7, s5;
	v2 =	vsel vm0, $0x2B00, v2;
	v3 =	vsel vm0, $0x3B00, v3;
	v4 =	vsel vm0, $0xB01, v4  }
0x30: {  	s10 =	sadd.s32 $0x2, s5;
	p3 =	sle.u32 s7, s5;
	p1 =	seq.s32 s20, $0x1;
	v5 =	vsel vm0, $0x1B01, v5;
	v6 =	vsel vm0, $0x2B01, v6;
	v7 =	vsel vm0, $0x3B01, v7  }
.LBB2_7:
.Ltmp1:
0x31: {  	(pc) =	sbr.rel @!p2 .LBB2_8-.Ltmp1, $1  }
0x32: {  	_ =	sdelay $0x3  }
.LBB2_11:
0x33: {  	s31 =	sadd.s32 $0x1, s31  }
0x34: {  	p4 =	sne.s32 s31, s12  }
.Ltmp2:
0x35: {  	_ = 	snop;
	(pc) =	sbr.rel @!p4 .LBB2_12-.Ltmp2, $1  }
0x36: {  	_ =	sdelay $0x3  }
.LBB2_1:
.Ltmp3:
0x37: {  	(pc) =	sbr.rel @p3 .LBB2_7-.Ltmp3, $1  }
0x38: {  	_ =	sdelay $0x3  }
0x39: {  	[tilespmem:s8], [sflag:$0x1] =	stream.linear.gather [hbm4b:s9+s4], $0x400, $0x38;
	[tilespmem:$0xC000] =	vst v63  }
0x3a: {  	s1 =	sadd.s32 $0xF4280, s9  }
0x3b: {  	[tilespmem:s13], [sflag:$0x1] =	stream.linear.gather [hbm4b:s1+s4], $0x400, $0x38;
	[tilespmem:$0xC000] =	vst v63  }
0x3c: {  	s21 =	sadd.s32 $0x1E8500, s9  }
0x3d: {  	[tilespmem:s14], [sflag:$0x1] =	stream.linear.gather [hbm4b:s21+s4], $0x400, $0x38;
	[tilespmem:$0xC000] =	vst v63  }
0x3e: {  	s22 =	sadd.s32 $0x2DC780, s9  }
0x3f: {  	[tilespmem:s15], [sflag:$0x1] =	stream.linear.gather [hbm4b:s22+s4], $0x400, $0x38;
	[tilespmem:$0xC000] =	vst v63  }
0x40: {  	s23 =	sadd.s32 $0x3D0A00, s9  }
0x41: {  	[tilespmem:s16], [sflag:$0x1] =	stream.linear.gather [hbm4b:s23+s4], $0x400, $0x38;
	[tilespmem:$0xC000] =	vst v63  }
0x42: {  	s24 =	sadd.s32 $0x4C4C80, s9  }
0x43: {  	[tilespmem:s17], [sflag:$0x1] =	stream.linear.gather [hbm4b:s24+s4], $0x400, $0x38;
	[tilespmem:$0xC000] =	vst v63  }
0x44: {  	s25 =	sadd.s32 $0x5B8F00, s9  }
0x45: {  	[tilespmem:s18], [sflag:$0x1] =	stream.linear.gather [hbm4b:s25+s4], $0x400, $0x38;
	[tilespmem:$0xC000] =	vst v63  }
0x46: {  	s30 =	sadd.s32 $0x6AD180, s9;
	p4 =	por p0, p0;
	s3 =	smov.u32 s5  }
0x47: {  	[tilespmem:s19], [sflag:$0x1] =	stream.linear.gather [hbm4b:s30+s4], $0x400, $0x38;
	[tilespmem:$0xC000] =	vst v63  }
.LBB2_3:
0x48: {  	s30 =	sadd.s32 $0x1, s3  }
0x49: {  	p5 =	sge.u32 s30, s7  }
0x4a: {  	s1 =	sshll.u32 @!p5 s30, $0x7  }
0x4b: {  	s11 =	sshll.u32 @!p5 s30, $0xE;
	s1 =	sand.u32 @!p5 $0x1FFFFF80, s1  }
0x4c: {  	s20 =	simm.s32 @!p5 $0x0;
	s11 =	sand.u32 @!p5 $0x4000, s11;
	s1 =	sadd.s32 @!p5 s0, s1  }
0x4d: {  	[tilespmem:s11], [sflag:$0x1] =	stream.linear.gather @!p5 [hbm4b:s1+s20], $0x400, $0x38;
	[tilespmem:$0xC000] =	vst v63  }
0x4e: {  	s22 =	sor.u32 @!p5 $0x800, s11;
	s21 =	sadd.s32 @!p5 $0xF4280, s1  }
0x4f: {  	[tilespmem:s22], [sflag:$0x1] =	stream.linear.gather @!p5 [hbm4b:s21+s20], $0x400, $0x38;
	[tilespmem:$0xC000] =	vst v63  }
0x50: {  	s21 =	sadd.s32 @!p5 $0x1E8500, s1;
	s22 =	sor.u32 @!p5 $0x1000, s11  }
0x51: {  	[tilespmem:s22], [sflag:$0x1] =	stream.linear.gather @!p5 [hbm4b:s21+s20], $0x400, $0x38;
	[tilespmem:$0xC000] =	vst v63  }
0x52: {  	s21 =	sadd.s32 @!p5 $0x2DC780, s1;
	s22 =	sor.u32 @!p5 $0x1800, s11  }
0x53: {  	[tilespmem:s22], [sflag:$0x1] =	stream.linear.gather @!p5 [hbm4b:s21+s20], $0x400, $0x38;
	[tilespmem:$0xC000] =	vst v63  }
0x54: {  	s21 =	sadd.s32 @!p5 $0x3D0A00, s1;
	s22 =	sor.u32 @!p5 $0x2000, s11  }
0x55: {  	[tilespmem:s22], [sflag:$0x1] =	stream.linear.gather @!p5 [hbm4b:s21+s20], $0x400, $0x38;
	[tilespmem:$0xC000] =	vst v63  }
0x56: {  	s21 =	sadd.s32 @!p5 $0x4C4C80, s1;
	s22 =	sor.u32 @!p5 $0x2800, s11  }
0x57: {  	[tilespmem:s22], [sflag:$0x1] =	stream.linear.gather @!p5 [hbm4b:s21+s20], $0x400, $0x38;
	[tilespmem:$0xC000] =	vst v63  }
0x58: {  	s21 =	sadd.s32 @!p5 $0x5B8F00, s1;
	s22 =	sor.u32 @!p5 $0x3000, s11  }
0x59: {  	[tilespmem:s22], [sflag:$0x1] =	stream.linear.gather @!p5 [hbm4b:s21+s20], $0x400, $0x38;
	[tilespmem:$0xC000] =	vst v63  }
0x5a: {  	s1 =	sadd.s32 @!p5 $0x6AD180, s1;
	s11 =	sor.u32 @!p5 $0x3800, s11  }
0x5b: {  	[tilespmem:s11], [sflag:$0x1] =	stream.linear.gather @!p5 [hbm4b:s1+s20], $0x400, $0x38;
	[tilespmem:$0xC000] =	vst v63  }
0x5c: {  	s23 =	simm.s32 $0x6;
	_ =	swait.ge [sflag:s28], $0x2000  }
0x5d: {  	v8 =	vor.u32 s23, v0;
	p5 =	slt.u32 s3, s10;
	[sflag:s28] =	ssyncset.done $0x0  }
0x5e: {  	v9 =	vor.u32 s23, v7;
	s1 =	simm.s32 @!p5 $0x2;
	[sflag:s28] =	ssyncadd.s32 $0xFFFFE000  }
0x5f: {  	v10 =	vor.u32 s23, v1;
	_ =	swait.ge @!p5 [sflag:s1], $0x2000  }
0x60: {  	v11 =	vor.u32 s23, v2;
	s20 =	sand.u32 $0x1, s3;
	[sflag:s1] =	ssyncset.done @!p5 $0x0  }
0x61: {  	v12 =	vor.u32 s23, v3;
	[sflag:s1] =	ssyncadd.s32 @!p5 $0xFFFFE000;
	s1 =	sshll.u32 s20, $0xE  }
0x62: {  	v13 =	vor.u32 s23, v4;
	v8 =	vld.idx.msk [tilespmem:v8+s1+$0x0], $0xffff  }
0x63: {  	v14 =	vor.u32 s23, v5;
	v9 =	vld.idx.msk [tilespmem:v9+s1+$0x0], $0xffff  }
0x64: {  	s24 =	simm.s32 $0x2;
	v15 =	vor.u32 s23, v6;
	v10 =	vld.idx.msk [tilespmem:v10+s1+$0x0], $0xffff  }
0x65: {  	v16 =	vor.u32 s24, v0;
	v11 =	vld.idx.msk [tilespmem:v11+s1+$0x0], $0xffff  }
0x66: {  	v17 =	vor.u32 s24, v1;
	s11 =	simm.s32 $0x1;
	v12 =	vld.idx.msk [tilespmem:v12+s1+$0x0], $0xffff  }
0x67: {  	v18 =	vor.u32 s24, v2;
	s11 =	simm.s32 @!p4 $0x0;
	v13 =	vld.idx.msk [tilespmem:v13+s1+$0x0], $0xffff  }
0x68: {  	v19 =	vor.u32 s24, v3;
	s11 =	sshll.u32 s11, $0xD;
	v14 =	vld.idx.msk [tilespmem:v14+s1+$0x0], $0xffff  }
0x69: {  	v20 =	vor.u32 s24, v4;
	s11 =	sor.u32 $0x8100, s11;
	v15 =	vld.idx.msk [tilespmem:v15+s1+$0x0], $0xffff  }
0x6a: {  	v21 =	vor.u32 s24, v5;
	[tilespmem:s11+$0xF0] =	vst v9;
	v9 =	vld.idx.msk [tilespmem:v16+s1+$0x0], $0xffff  }
0x6b: {  	v16 =	vor.u32 s24, v6;
	[tilespmem:s11+$0x80] =	vst v8;
	v8 =	vld.idx.msk [tilespmem:v17+s1+$0x0], $0xffff  }
0x6c: {  	s25 =	simm.s32 $0x4;
	v17 =	vor.u32 s24, v7;
	[tilespmem:s11+$0x90] =	vst v10;
	v10 =	vld.idx.msk [tilespmem:v18+s1+$0x0], $0xffff  }
0x6d: {  	v18 =	vor.u32 s25, v0;
	[tilespmem:s11+$0xA0] =	vst v11;
	v11 =	vld.idx.msk [tilespmem:v19+s1+$0x0], $0xffff  }
0x6e: {  	v19 =	vor.u32 s25, v1;
	[tilespmem:s11+$0xB0] =	vst v12;
	v12 =	vld.idx.msk [tilespmem:v20+s1+$0x0], $0xffff  }
0x6f: {  	v20 =	vor.u32 s25, v2;
	[tilespmem:s11+$0xC0] =	vst v13;
	v13 =	vld.idx.msk [tilespmem:v21+s1+$0x0], $0xffff  }
0x70: {  	v21 =	vor.u32 s25, v3;
	[tilespmem:s11+$0xD0] =	vst v14;
	v14 =	vld.idx.msk [tilespmem:v16+s1+$0x0], $0xffff  }
0x71: {  	[tilespmem:s11+$0xE0] =	vst v15;
	v16 =	vor.u32 s25, v4;
	v15 =	vld.idx.msk [tilespmem:v17+s1+$0x0], $0xffff  }
0x72: {  	v17 =	vor.u32 s25, v5;
	[tilespmem:s11+$0xFFFFFF80] =	vst v9;
	v22 =	vld.idx.msk [tilespmem:v18+s1+$0x0], $0xffff  }
0x73: {  	[tilespmem:s11+$0xFFFFFF90] =	vst v8;
	v23 =	vld.idx.msk [tilespmem:v19+s1+$0x0], $0xffff;
	v8 =	vor.u32 s25, v7  }
0x74: {  	s23 =	simm.s32 $0x0;
	v9 =	vor.u32 s25, v6;
	[tilespmem:s11+$0xFFFFFFA0] =	vst v10;
	v10 =	vld.idx.msk [tilespmem:v20+s1+$0x0], $0xffff  }
0x75: {  	v24 =	vor.u32 s23, v1;
	[tilespmem:s11+$0xFFFFFFB0] =	vst v11;
	v21 =	vld.idx.msk [tilespmem:v21+s1+$0x0], $0xffff  }
0x76: {  	v11 =	vor.u32 s23, v0;
	[tilespmem:s11+$0xFFFFFFC0] =	vst v12;
	v20 =	vld.idx.msk [tilespmem:v16+s1+$0x0], $0xffff  }
0x77: {  	v25 =	vor.u32 s23, v2;
	[tilespmem:s11+$0xFFFFFFD0] =	vst v13;
	v19 =	vld.idx.msk [tilespmem:v17+s1+$0x0], $0xffff  }
0x78: {  	[tilespmem:s11+$0xFFFFFFE0] =	vst v14;
	v16 =	vld.idx.msk [tilespmem:v8+s1+$0x0], $0xffff;
	v8 =	vor.u32 s23, v3  }
0x79: {  	v18 =	vld.idx.msk [tilespmem:v9+s1+$0x0], $0xffff;
	[tilespmem:s11+$0xFFFFFFF0] =	vst v15;
	v14 =	vor.u32 s23, v4  }
0x7a: {  	v13 =	vor.u32 s23, v5;
	v9 =	vld.idx.msk [tilespmem:v24+s1+$0x0], $0xffff;
	[tilespmem:s11+$0x0] =	vst v22  }
0x7b: {  	s20 =	sshll.u32 s20, $0xD;
	v12 =	vor.u32 s23, v6;
	v17 =	vld.idx.msk [tilespmem:v11+s1+$0x0], $0xffff;
	[tilespmem:s11+$0x10] =	vst v23  }
0x7c: {  	s21 =	simm.s32 $0x0;
	s22 =	simm.s32 $0x8;
	s20 =	sor.u32 $0x8000, s20;
	v11 =	vor.u32 s23, v7;
	v15 =	vld.idx.msk [tilespmem:v25+s1+$0x0], $0xffff;
	[tilespmem:s11+$0x20] =	vst v10  }
.LBB2_4:
0x7d: {  	v22 =	vor.u32 s22, v1;
	v10 =	vor.u32 s22, v2;
	s23 =	sadd.s32 $0x2, s22;
	s24 =	sadd.s32 $0x4, s22;
	s25 =	sadd.s32 $0x6, s22;
	v23 =	vld.idx.msk [tilespmem:v8+s1+$0x0], $0xffff;
	v8 =	vor.u32 s22, v3;
	[tilespmem:s11+$0x30] =	vst v21  }
0x7e: {  	s21 =	sadd.s32 $0x4, s21;
	v21 =	vor.u32 s23, v0;
	v24 =	vor.u32 s23, v1;
	v25 =	vor.u32 s25, v0;
	v26 =	vld.idx.msk [tilespmem:v14+s1+$0x0], $0xffff;
	[tilespmem:s11+$0x40] =	vst v20  }
0x7f: {  	v20 =	vor.u32 s23, v2;
	v27 =	vor.u32 s23, v3;
	v14 =	vor.u32 s25, v7;
	p5 =	slt.u32 s21, $0x3C;
	v28 =	vld.idx.msk [tilespmem:v13+s1+$0x0], $0xffff;
	[tilespmem:s11+$0x50] =	vst v19  }
0x80: {  	v29 =	vor.u32 s23, v5;
	v19 =	vor.u32 s23, v4;
	v13 =	vor.u32 s25, v1;
	v30 =	vld.idx.msk [tilespmem:v12+s1+$0x0], $0xffff;
	[tilespmem:s11+$0x60] =	vst v18  }
0x81: {  	v31 =	vor.u32 s23, v7;
	v32 =	vor.u32 s25, v2;
	v18 =	vor.u32 s23, v6;
	v33 =	vld.idx.msk [tilespmem:v11+s1+$0x0], $0xffff;
	[tilespmem:s11+$0x70] =	vst v16  }
0x82: {  	v34 =	vor.u32 s24, v1;
	v35 =	vor.u32 s25, v3;
	v16 =	vld.idx.msk [tilespmem:v22+s1+$0x0], $0xffff;
	v22 =	vor.u32 s24, v0;
	[tilespmem:s11+$0xFFFFFF00] =	vst v17  }
0x83: {  	v36 =	vor.u32 s24, v3;
	v37 =	vor.u32 s25, v4;
	v17 =	vor.u32 s24, v2;
	v25 =	vld.idx.msk [tilespmem:v25+s1+$0x0], $0xffff;
	[tilespmem:s11+$0xFFFFFF10] =	vst v9  }
0x84: {  	v38 =	vor.u32 s24, v4;
	v39 =	vor.u32 s24, v5;
	v40 =	vor.u32 s25, v5;
	v41 =	vld.idx.msk [tilespmem:v14+s1+$0x0], $0xffff;
	[tilespmem:s11+$0xFFFFFF20] =	vst v15  }
0x85: {  	v42 =	vor.u32 s24, v7;
	v44 =	vor.u32 s25, v6;
	v15 =	vor.u32 s24, v6;
	v43 =	vld.idx.msk [tilespmem:v13+s1+$0x0], $0xffff;
	[tilespmem:s11+$0xFFFFFF30] =	vst v23  }
0x86: {  	v12 =	vor.u32 s22, v6;
	v14 =	vor.u32 s22, v4;
	v13 =	vor.u32 s22, v5;
	v23 =	vld.idx.msk [tilespmem:v32+s1+$0x0], $0xffff;
	[tilespmem:s11+$0xFFFFFF40] =	vst v26  }
0x87: {  	v11 =	vor.u32 s22, v7;
	v26 =	vor.u32 s22, v0;
	v32 =	vld.idx.msk [tilespmem:v35+s1+$0x0], $0xffff;
	[tilespmem:s11+$0xFFFFFF50] =	vst v28  }
0x88: {  	v9 =	vmov v16;
	v28 =	vld.idx.msk [tilespmem:v37+s1+$0x0], $0xffff;
	[tilespmem:s11+$0xFFFFFF60] =	vst v30  }
0x89: {  	v16 =	vld.idx.msk [tilespmem:v40+s1+$0x0], $0xffff;
	[tilespmem:s11+$0xFFFFFF70] =	vst v33;
	s11 =	sadd.s32 $0x200, s11  }
0x8a: {  	v30 =	vld.idx.msk [tilespmem:v44+s1+$0x0], $0xffff;
	[tilespmem:s11+$0xF0] =	vst v41  }
0x8b: {  	v21 =	vld.idx.msk [tilespmem:v21+s1+$0x0], $0xffff;
	[tilespmem:s11+$0x80] =	vst v25  }
0x8c: {  	v24 =	vld.idx.msk [tilespmem:v24+s1+$0x0], $0xffff;
	[tilespmem:s11+$0x90] =	vst v43  }
0x8d: {  	v20 =	vld.idx.msk [tilespmem:v20+s1+$0x0], $0xffff;
	[tilespmem:s11+$0xA0] =	vst v23  }
0x8e: {  	v23 =	vld.idx.msk [tilespmem:v27+s1+$0x0], $0xffff;
	[tilespmem:s11+$0xB0] =	vst v32  }
0x8f: {  	v19 =	vld.idx.msk [tilespmem:v19+s1+$0x0], $0xffff;
	[tilespmem:s11+$0xC0] =	vst v28  }
0x90: {  	v25 =	vld.idx.msk [tilespmem:v29+s1+$0x0], $0xffff;
	[tilespmem:s11+$0xD0] =	vst v16  }
0x91: {  	v16 =	vld.idx.msk [tilespmem:v18+s1+$0x0], $0xffff;
	[tilespmem:s11+$0xE0] =	vst v30  }
0x92: {  	v18 =	vld.idx.msk [tilespmem:v31+s1+$0x0], $0xffff;
	[tilespmem:s11+$0xFFFFFF80] =	vst v21  }
0x93: {  	[tilespmem:s11+$0xFFFFFF90] =	vst v24;
	v22 =	vld.idx.msk [tilespmem:v22+s1+$0x0], $0xffff  }
0x94: {  	[tilespmem:s11+$0xFFFFFFA0] =	vst v20;
	v24 =	vld.idx.msk [tilespmem:v34+s1+$0x0], $0xffff  }
0x95: {  	[tilespmem:s11+$0xFFFFFFB0] =	vst v23;
	v23 =	vld.idx.msk [tilespmem:v17+s1+$0x0], $0xffff  }
0x96: {  	[tilespmem:s11+$0xFFFFFFC0] =	vst v19;
	v21 =	vld.idx.msk [tilespmem:v36+s1+$0x0], $0xffff  }
0x97: {  	[tilespmem:s11+$0xFFFFFFD0] =	vst v25;
	v20 =	vld.idx.msk [tilespmem:v38+s1+$0x0], $0xffff  }
.Ltmp4:
0x98: {  	[tilespmem:s11+$0xFFFFFFE0] =	vst v16;
	v19 =	vld.idx.msk [tilespmem:v39+s1+$0x0], $0xffff;
	(pc) =	sbr.rel @p5 .LBB2_4-.Ltmp4, $4  }
0x99: {  	[tilespmem:s11+$0xFFFFFFF0] =	vst v18;
	v18 =	vld.idx.msk [tilespmem:v15+s1+$0x0], $0xffff  }
0x9a: {  	v16 =	vld.idx.msk [tilespmem:v42+s1+$0x0], $0xffff;
	[tilespmem:s11+$0x0] =	vst v22  }
0x9b: {  	v17 =	vld.idx.msk [tilespmem:v26+s1+$0x0], $0xffff;
	[tilespmem:s11+$0x10] =	vst v24  }
0x9c: {  	s22 =	sadd.s32 $0x8, s22;
	v15 =	vld.idx.msk [tilespmem:v10+s1+$0x0], $0xffff;
	[tilespmem:s11+$0x20] =	vst v23  }
0x9d: {  	_ =	sdelay $0x3  }
0x9e: {  	v8 =	vld.idx.msk [tilespmem:v8+s1+$0x0], $0xffff  }
0x9f: {  	[tilespmem:s11+$0x30] =	vst v21;
	v10 =	vld.idx.msk [tilespmem:v14+s1+$0x0], $0xffff  }
0xa0: {  	[tilespmem:s11+$0x40] =	vst v20;
	v13 =	vld.idx.msk [tilespmem:v13+s1+$0x0], $0xffff  }
0xa1: {  	[tilespmem:s11+$0x50] =	vst v19;
	v12 =	vld.idx.msk [tilespmem:v12+s1+$0x0], $0xffff  }
0xa2: {  	v11 =	vld.idx.msk [tilespmem:v11+s1+$0x0], $0xffff;
	[tilespmem:s11+$0xFFFFFF10] =	vst v9  }
0xa3: {  	[tilespmem:s11+$0x60] =	vst v18  }
0xa4: {  	[tilespmem:s11+$0x70] =	vst v16  }
0xa5: {  	[tilespmem:s11+$0xFFFFFF00] =	vst v17  }
0xa6: {  	[tilespmem:s11+$0xFFFFFF20] =	vst v15  }
0xa7: {  	p5 =	slt.u32 s30, s7;
	[tilespmem:s11+$0xFFFFFF30] =	vst v8  }
.Ltmp5:
0xa8: {  	[tilespmem:s11+$0xFFFFFF40] =	vst v10;
	(pc) =	sbr.rel @p5 .LBB2_3-.Ltmp5, $4  }
0xa9: {  	[tilespmem:s11+$0xFFFFFF50] =	vst v13  }
0xaa: {  	s25 =	sshll.u32 s3, $0xA;
	[tilespmem:s11+$0xFFFFFF60] =	vst v12  }
0xab: {  	p4 =	por !p4, !p4;
	s3 =	smov.u32 s30;
	s1 =	sadd.s32 s6, s25;
	[tilespmem:s11+$0xFFFFFF70] =	vst v11  }
0xac: {  	[hbm4b:s1+s4] =	stream.linear.scatter [tilespmem:s20], [sflag:$0x2], $0x2000, $0x38;
	[tilespmem:$0xC000] =	vst v63  }
0xad: {  	_ =	swait.ge [sflag:s29], $0x2000  }
.Ltmp6:
0xae: {  	[sflag:s29] =	ssyncset.done $0x0;
	(pc) =	sbr.rel .LBB2_7-.Ltmp6, $4  }
0xaf: {  	s1 =	simm.s32 @!p1 $0x2;
	[sflag:s29] =	ssyncadd.s32 $0xFFFFE000  }
0xb0: {  	_ =	swait.ge @!p1 [sflag:s1], $0x2000  }
0xb1: {  	[sflag:s1] =	ssyncset.done @!p1 $0x0  }
0xb2: {  	[sflag:s1] =	ssyncadd.s32 @!p1 $0xFFFFE000  }
.LBB2_8:
0xb3: {  	s11 =	simm.s32 $0x0;
	s1 =	rddreg [dreg:$0x1]  }
0xb4: {  	[tilespmem:s11], [sflag:$0x3] =	stream.linear.gather [hbm4b:s1+s11], $0x400, $0x38;
	[tilespmem:$0xC000] =	vst v63  }
0xb5: {  	s20 =	rddreg [dreg:$0x5];
	s3 =	simm.s32 $0x800  }
0xb6: {  	[tilespmem:s3], [sflag:$0x3] =	stream.linear.gather [hbm4b:s20+s11], $0x400, $0x38;
	[tilespmem:$0xC000] =	vst v63  }
0xb7: {  	s21 =	rddreg [dreg:$0x6];
	s22 =	simm.s32 $0x1000  }
0xb8: {  	[tilespmem:s22], [sflag:$0x3] =	stream.linear.gather [hbm4b:s21+s11], $0x400, $0x38;
	[tilespmem:$0xC000] =	vst v63  }
0xb9: {  	s23 =	rddreg [dreg:$0x7];
	s24 =	simm.s32 $0x1800  }
0xba: {  	[tilespmem:s24], [sflag:$0x3] =	stream.linear.gather [hbm4b:s23+s11], $0x400, $0x38;
	[tilespmem:$0xC000] =	vst v63  }
0xbb: {  	s25 =	rddreg [dreg:$0x8];
	s30 =	simm.s32 $0x2000  }
0xbc: {  	[tilespmem:s30], [sflag:$0x3] =	stream.linear.gather [hbm4b:s25+s11], $0x400, $0x38;
	[tilespmem:$0xC000] =	vst v63  }
0xbd: {  	s20 =	rddreg [dreg:$0x9];
	s21 =	simm.s32 $0x2800  }
0xbe: {  	[tilespmem:s21], [sflag:$0x3] =	stream.linear.gather [hbm4b:s20+s11], $0x400, $0x38;
	[tilespmem:$0xC000] =	vst v63  }
0xbf: {  	s22 =	rddreg [dreg:$0xa];
	s23 =	simm.s32 $0x3000;
	s24 =	simm.s32 $0x6  }
0xc0: {  	[tilespmem:s23], [sflag:$0x3] =	stream.linear.gather [hbm4b:s22+s11], $0x400, $0x38;
	[tilespmem:$0xC000] =	vst v63  }
0xc1: {  	v8 =	vor.u32 s24, v0;
	s25 =	simm.s32 $0x3800  }
0xc2: {  	v9 =	vor.u32 s24, v7;
	[tilespmem:s25], [sflag:$0x3] =	stream.linear.gather [hbm4b:s26+s11], $0x400, $0x38;
	[tilespmem:$0xC000] =	vst v63  }
0xc3: {  	v10 =	vor.u32 s24, v1;
	_ =	swait.ge [sflag:s2], $0x2000  }
0xc4: {  	v11 =	vor.u32 s24, v2;
	[sflag:s2] =	ssyncset.done $0x0  }
0xc5: {  	v12 =	vor.u32 s24, v3;
	[sflag:s2] =	ssyncadd.s32 $0xFFFFE000  }
0xc6: {  	v13 =	vor.u32 s24, v4;
	v8 =	vld.idx.msk [tilespmem:v8+s4+$0x0], $0xffff  }
0xc7: {  	v14 =	vor.u32 s24, v5;
	v9 =	vld.idx.msk [tilespmem:v9+s4+$0x0], $0xffff  }
0xc8: {  	v15 =	vor.u32 s24, v6;
	s30 =	simm.s32 $0x2;
	v10 =	vld.idx.msk [tilespmem:v10+s4+$0x0], $0xffff  }
0xc9: {  	v16 =	vor.u32 s30, v0;
	v11 =	vld.idx.msk [tilespmem:v11+s4+$0x0], $0xffff  }
0xca: {  	v17 =	vor.u32 s30, v1;
	v12 =	vld.idx.msk [tilespmem:v12+s4+$0x0], $0xffff  }
0xcb: {  	v18 =	vor.u32 s30, v2;
	v13 =	vld.idx.msk [tilespmem:v13+s4+$0x0], $0xffff  }
0xcc: {  	v19 =	vor.u32 s30, v3;
	v14 =	vld.idx.msk [tilespmem:v14+s4+$0x0], $0xffff  }
0xcd: {  	s1 =	simm.s32 $0x8100;
	v20 =	vor.u32 s30, v4;
	v15 =	vld.idx.msk [tilespmem:v15+s4+$0x0], $0xffff  }
0xce: {  	v21 =	vor.u32 s30, v5;
	[tilespmem:s1+$0xF0] =	vst v9;
	v9 =	vld.idx.msk [tilespmem:v16+s4+$0x0], $0xffff  }
0xcf: {  	v16 =	vor.u32 s30, v6;
	[tilespmem:s1+$0x80] =	vst v8;
	v8 =	vld.idx.msk [tilespmem:v17+s4+$0x0], $0xffff  }
0xd0: {  	s20 =	simm.s32 $0x4;
	v17 =	vor.u32 s30, v7;
	[tilespmem:s1+$0x90] =	vst v10;
	v10 =	vld.idx.msk [tilespmem:v18+s4+$0x0], $0xffff  }
0xd1: {  	v18 =	vor.u32 s20, v0;
	[tilespmem:s1+$0xA0] =	vst v11;
	v11 =	vld.idx.msk [tilespmem:v19+s4+$0x0], $0xffff  }
0xd2: {  	v19 =	vor.u32 s20, v1;
	[tilespmem:s1+$0xB0] =	vst v12;
	v12 =	vld.idx.msk [tilespmem:v20+s4+$0x0], $0xffff  }
0xd3: {  	v20 =	vor.u32 s20, v2;
	[tilespmem:s1+$0xC0] =	vst v13;
	v13 =	vld.idx.msk [tilespmem:v21+s4+$0x0], $0xffff  }
0xd4: {  	v21 =	vor.u32 s20, v3;
	[tilespmem:s1+$0xD0] =	vst v14;
	v14 =	vld.idx.msk [tilespmem:v16+s4+$0x0], $0xffff  }
0xd5: {  	[tilespmem:s1+$0xE0] =	vst v15;
	v16 =	vor.u32 s20, v4;
	v15 =	vld.idx.msk [tilespmem:v17+s4+$0x0], $0xffff  }
0xd6: {  	v17 =	vor.u32 s20, v5;
	[tilespmem:s1+$0xFFFFFF80] =	vst v9;
	v22 =	vld.idx.msk [tilespmem:v18+s4+$0x0], $0xffff  }
0xd7: {  	[tilespmem:s1+$0xFFFFFF90] =	vst v8;
	v23 =	vld.idx.msk [tilespmem:v19+s4+$0x0], $0xffff;
	v8 =	vor.u32 s20, v7  }
0xd8: {  	v9 =	vor.u32 s20, v6;
	[tilespmem:s1+$0xFFFFFFA0] =	vst v10;
	v10 =	vld.idx.msk [tilespmem:v20+s4+$0x0], $0xffff  }
0xd9: {  	v24 =	vor.u32 s11, v1;
	[tilespmem:s1+$0xFFFFFFB0] =	vst v11;
	v21 =	vld.idx.msk [tilespmem:v21+s4+$0x0], $0xffff  }
0xda: {  	v11 =	vor.u32 s11, v0;
	[tilespmem:s1+$0xFFFFFFC0] =	vst v12;
	v20 =	vld.idx.msk [tilespmem:v16+s4+$0x0], $0xffff  }
0xdb: {  	v25 =	vor.u32 s11, v2;
	[tilespmem:s1+$0xFFFFFFD0] =	vst v13;
	v19 =	vld.idx.msk [tilespmem:v17+s4+$0x0], $0xffff  }
0xdc: {  	[tilespmem:s1+$0xFFFFFFE0] =	vst v14;
	v16 =	vld.idx.msk [tilespmem:v8+s4+$0x0], $0xffff;
	v8 =	vor.u32 s11, v3  }
0xdd: {  	v18 =	vld.idx.msk [tilespmem:v9+s4+$0x0], $0xffff;
	[tilespmem:s1+$0xFFFFFFF0] =	vst v15;
	v14 =	vor.u32 s11, v4  }
0xde: {  	v13 =	vor.u32 s11, v5;
	v9 =	vld.idx.msk [tilespmem:v24+s4+$0x0], $0xffff;
	[tilespmem:s1+$0x0] =	vst v22  }
0xdf: {  	v12 =	vor.u32 s11, v6;
	v17 =	vld.idx.msk [tilespmem:v11+s4+$0x0], $0xffff;
	[tilespmem:s1+$0x10] =	vst v23  }
0xe0: {  	s3 =	simm.s32 $0x0;
	v11 =	vor.u32 s11, v7;
	v15 =	vld.idx.msk [tilespmem:v25+s4+$0x0], $0xffff;
	[tilespmem:s1+$0x20] =	vst v10;
	s11 =	simm.s32 $0x8  }
.LBB2_9:
0xe1: {  	v22 =	vor.u32 s11, v1;
	v10 =	vor.u32 s11, v2;
	s20 =	sadd.s32 $0x2, s11;
	s21 =	sadd.s32 $0x4, s11;
	s22 =	sadd.s32 $0x6, s11;
	v23 =	vld.idx.msk [tilespmem:v8+s4+$0x0], $0xffff;
	v8 =	vor.u32 s11, v3;
	[tilespmem:s1+$0x30] =	vst v21  }
0xe2: {  	s3 =	sadd.s32 $0x4, s3;
	v21 =	vor.u32 s20, v0;
	v24 =	vor.u32 s20, v1;
	v25 =	vor.u32 s22, v0;
	v26 =	vld.idx.msk [tilespmem:v14+s4+$0x0], $0xffff;
	[tilespmem:s1+$0x40] =	vst v20  }
0xe3: {  	v20 =	vor.u32 s20, v2;
	v27 =	vor.u32 s20, v3;
	v14 =	vor.u32 s22, v7;
	p4 =	slt.u32 s3, $0x1C;
	v28 =	vld.idx.msk [tilespmem:v13+s4+$0x0], $0xffff;
	[tilespmem:s1+$0x50] =	vst v19  }
0xe4: {  	v29 =	vor.u32 s20, v5;
	v19 =	vor.u32 s20, v4;
	v13 =	vor.u32 s22, v1;
	v30 =	vld.idx.msk [tilespmem:v12+s4+$0x0], $0xffff;
	[tilespmem:s1+$0x60] =	vst v18  }
0xe5: {  	v31 =	vor.u32 s20, v7;
	v32 =	vor.u32 s22, v2;
	v18 =	vor.u32 s20, v6;
	v33 =	vld.idx.msk [tilespmem:v11+s4+$0x0], $0xffff;
	[tilespmem:s1+$0x70] =	vst v16  }
0xe6: {  	v34 =	vor.u32 s21, v1;
	v35 =	vor.u32 s22, v3;
	v16 =	vld.idx.msk [tilespmem:v22+s4+$0x0], $0xffff;
	v22 =	vor.u32 s21, v0;
	[tilespmem:s1+$0xFFFFFF00] =	vst v17  }
0xe7: {  	v36 =	vor.u32 s21, v3;
	v37 =	vor.u32 s22, v4;
	v17 =	vor.u32 s21, v2;
	v25 =	vld.idx.msk [tilespmem:v25+s4+$0x0], $0xffff;
	[tilespmem:s1+$0xFFFFFF10] =	vst v9  }
0xe8: {  	v38 =	vor.u32 s21, v4;
	v39 =	vor.u32 s21, v5;
	v40 =	vor.u32 s22, v5;
	v41 =	vld.idx.msk [tilespmem:v14+s4+$0x0], $0xffff;
	[tilespmem:s1+$0xFFFFFF20] =	vst v15  }
0xe9: {  	v42 =	vor.u32 s21, v7;
	v44 =	vor.u32 s22, v6;
	v15 =	vor.u32 s21, v6;
	v43 =	vld.idx.msk [tilespmem:v13+s4+$0x0], $0xffff;
	[tilespmem:s1+$0xFFFFFF30] =	vst v23  }
0xea: {  	v12 =	vor.u32 s11, v6;
	v14 =	vor.u32 s11, v4;
	v13 =	vor.u32 s11, v5;
	v23 =	vld.idx.msk [tilespmem:v32+s4+$0x0], $0xffff;
	[tilespmem:s1+$0xFFFFFF40] =	vst v26  }
0xeb: {  	v11 =	vor.u32 s11, v7;
	v26 =	vor.u32 s11, v0;
	v32 =	vld.idx.msk [tilespmem:v35+s4+$0x0], $0xffff;
	[tilespmem:s1+$0xFFFFFF50] =	vst v28  }
0xec: {  	v9 =	vmov v16;
	v28 =	vld.idx.msk [tilespmem:v37+s4+$0x0], $0xffff;
	[tilespmem:s1+$0xFFFFFF60] =	vst v30  }
0xed: {  	v16 =	vld.idx.msk [tilespmem:v40+s4+$0x0], $0xffff;
	[tilespmem:s1+$0xFFFFFF70] =	vst v33;
	s1 =	sadd.s32 $0x200, s1  }
0xee: {  	v30 =	vld.idx.msk [tilespmem:v44+s4+$0x0], $0xffff;
	[tilespmem:s1+$0xF0] =	vst v41  }
0xef: {  	v21 =	vld.idx.msk [tilespmem:v21+s4+$0x0], $0xffff;
	[tilespmem:s1+$0x80] =	vst v25  }
0xf0: {  	v24 =	vld.idx.msk [tilespmem:v24+s4+$0x0], $0xffff;
	[tilespmem:s1+$0x90] =	vst v43  }
0xf1: {  	v20 =	vld.idx.msk [tilespmem:v20+s4+$0x0], $0xffff;
	[tilespmem:s1+$0xA0] =	vst v23  }
0xf2: {  	v23 =	vld.idx.msk [tilespmem:v27+s4+$0x0], $0xffff;
	[tilespmem:s1+$0xB0] =	vst v32  }
0xf3: {  	v19 =	vld.idx.msk [tilespmem:v19+s4+$0x0], $0xffff;
	[tilespmem:s1+$0xC0] =	vst v28  }
0xf4: {  	v25 =	vld.idx.msk [tilespmem:v29+s4+$0x0], $0xffff;
	[tilespmem:s1+$0xD0] =	vst v16  }
0xf5: {  	v16 =	vld.idx.msk [tilespmem:v18+s4+$0x0], $0xffff;
	[tilespmem:s1+$0xE0] =	vst v30  }
0xf6: {  	v18 =	vld.idx.msk [tilespmem:v31+s4+$0x0], $0xffff;
	[tilespmem:s1+$0xFFFFFF80] =	vst v21  }
0xf7: {  	[tilespmem:s1+$0xFFFFFF90] =	vst v24;
	v22 =	vld.idx.msk [tilespmem:v22+s4+$0x0], $0xffff  }
0xf8: {  	[tilespmem:s1+$0xFFFFFFA0] =	vst v20;
	v24 =	vld.idx.msk [tilespmem:v34+s4+$0x0], $0xffff  }
0xf9: {  	[tilespmem:s1+$0xFFFFFFB0] =	vst v23;
	v23 =	vld.idx.msk [tilespmem:v17+s4+$0x0], $0xffff  }
0xfa: {  	[tilespmem:s1+$0xFFFFFFC0] =	vst v19;
	v21 =	vld.idx.msk [tilespmem:v36+s4+$0x0], $0xffff  }
0xfb: {  	[tilespmem:s1+$0xFFFFFFD0] =	vst v25;
	v20 =	vld.idx.msk [tilespmem:v38+s4+$0x0], $0xffff  }
.Ltmp7:
0xfc: {  	[tilespmem:s1+$0xFFFFFFE0] =	vst v16;
	v19 =	vld.idx.msk [tilespmem:v39+s4+$0x0], $0xffff;
	(pc) =	sbr.rel @p4 .LBB2_9-.Ltmp7, $4  }
0xfd: {  	[tilespmem:s1+$0xFFFFFFF0] =	vst v18;
	v18 =	vld.idx.msk [tilespmem:v15+s4+$0x0], $0xffff  }
0xfe: {  	v16 =	vld.idx.msk [tilespmem:v42+s4+$0x0], $0xffff;
	[tilespmem:s1+$0x0] =	vst v22  }
0xff: {  	v17 =	vld.idx.msk [tilespmem:v26+s4+$0x0], $0xffff;
	[tilespmem:s1+$0x10] =	vst v24  }
0x100: {  	s11 =	sadd.s32 $0x8, s11;
	v15 =	vld.idx.msk [tilespmem:v10+s4+$0x0], $0xffff;
	[tilespmem:s1+$0x20] =	vst v23  }
0x101: {  	_ =	sdelay $0x3  }
0x102: {  	v8 =	vld.idx.msk [tilespmem:v8+s4+$0x0], $0xffff  }
0x103: {  	[tilespmem:s1+$0x30] =	vst v21;
	v10 =	vld.idx.msk [tilespmem:v14+s4+$0x0], $0xffff  }
0x104: {  	[tilespmem:s1+$0x40] =	vst v20;
	v13 =	vld.idx.msk [tilespmem:v13+s4+$0x0], $0xffff  }
0x105: {  	[tilespmem:s1+$0x50] =	vst v19;
	v12 =	vld.idx.msk [tilespmem:v12+s4+$0x0], $0xffff  }
0x106: {  	v11 =	vld.idx.msk [tilespmem:v11+s4+$0x0], $0xffff;
	[tilespmem:s1+$0xFFFFFF10] =	vst v9  }
0x107: {  	[tilespmem:s1+$0x60] =	vst v18  }
0x108: {  	[tilespmem:s1+$0x70] =	vst v16  }
0x109: {  	[tilespmem:s1+$0xFFFFFF00] =	vst v17  }
0x10a: {  	[tilespmem:s1+$0xFFFFFF20] =	vst v15  }
0x10b: {  	[tilespmem:s1+$0xFFFFFF30] =	vst v8  }
0x10c: {  	[tilespmem:s1+$0xFFFFFF40] =	vst v10  }
0x10d: {  	[tilespmem:s1+$0xFFFFFF50] =	vst v13  }
0x10e: {  	[tilespmem:s1+$0xFFFFFF60] =	vst v12  }
0x10f: {  	[tilespmem:s1+$0xFFFFFF70] =	vst v11  }
.Ltmp8:
0x110: {  	s3 =	simm.s32 $0x8000;
	s1 =	rddreg [dreg:$0x4];
	(pc) =	sbr.rel .LBB2_11-.Ltmp8, $4  }
0x111: {  	[hbm4b:s1+s4] =	stream.linear.scatter [tilespmem:s3], [sflag:$0x3], $0x1000, $0x38;
	[tilespmem:$0xC000] =	vst v63  }
0x112: {  	_ =	swait.ge [sflag:s2], $0x1000  }
0x113: {  	[sflag:s2] =	ssyncset.done $0x0  }
0x114: {  	[sflag:s2] =	ssyncadd.s32 $0xFFFFF000  }
.LBB2_12:
0x115: {  	_ =	sfence.sel $0x180000  }
0x116: {  	[bflag:$0x0] =	sbarrier.arrive $0xFFFF  }
0x117: {  	_ =	strace $0x90000047  }
0x118: {  	s0 =	stileid.u32;
	[bflag:$0x2] =	sbarrier.arrive $0xFFFF  }
0x119: {  	p0 =	sne.s32 s0, $0x0;
	s0 =	rddreg [dreg:$0x3]  }
0x11a: {  	s0 =	sadd.s32 @!p0 $0x100000, s0  }
0x11b: {  	[sflag:s0] =	ssyncadd.tile.s32 @!p0 $0x1;
	_ =	shalt  }
.Lfunc_end2:
_tile_overlayer_lowered:
.L_overlay_start_2:
0x11c: {  	(tag) =	ssettag $0x2  }
0x11d: {  	s0 =	rddreg [dreg:$0x0];
	s2 =	stileid.u32  }
0x11e: {  	s1 =	rddreg [dreg:$0x1];
	p0 =	sne.s32 s2, $0x0  }
0x11f: {  	s3 =	rddreg [dreg:$0x2];
	[bflag:$0x3] =	sbarrier.arrive $0xFFFF;
	s2 =	simm.s32 @!p0 $0x1C03  }
0x120: {  	[timem:s3], [sflag:s2] =	dma.local @!p0 [hbm:s0], s1  }
0x121: {  	s0 =	simm.s32 @!p0 $0x3  }
0x122: {  	_ =	swait.ge @!p0 [sflag:s0], s1  }
0x123: {  	s1 =	ssub.s32 @!p0 $0x0, s1;
	[sflag:s0] =	ssyncset.done @!p0 $0x0  }
0x124: {  	[sflag:s0] =	ssyncadd.s32 @!p0 s1  }
0x125: {  	[bflag:$0x3] =	sbarrier.arrive $0xFFFF  }
0x126: {  	_ =	shalt  }

// kernel: kernel.7.cloned.1.call-start
scs
__scs_entry_jumppad:
0x0: {  	(pc) =	sbr.rel $0x88, $3  }
0x1: {  	(tag) =	ssettag $0x0;
	lr =	simm.s32 $0x1  }
0x2: {  	[smem:$0x3F9F] =	sst lr;
	_ =	strace $0xD0000000  }
0x3: {  	_ = 	snop  }
0x4: {  	_ = 	snop  }
0x5: {  	_ = 	snop  }
0x6: {  	_ = 	snop  }
0x7: {  	_ = 	snop  }
__scs_overlays_trampoline_lowered:
0x8: {  	[smem:$0x3FAE] =	sst s0  }
0x9: {  	[smem:$0x3FAF] =	sst s1  }
0xa: {  	[smem:$0x3FB0] =	sst s2  }
0xb: {  	[smem:$0x3FB1] =	sst s3  }
0xc: {  	[smem:$0x3FB2] =	sst s4  }
0xd: {  	[smem:$0x3FB3] =	sst s5  }
0xe: {  	[smem:$0x3FB4] =	sst s6  }
0xf: {  	[smem:$0x3FB5] =	sst s7  }
0x10: {  	[smem:$0x3FB6] =	sst s8  }
0x11: {  	[smem:$0x3FB7] =	sst s9;
	s0 =	simm.s32 @!p0 $0x0  }
0x12: {  	s1 =	sld [smem:$0x3F9D];
	s0 =	simm.s32 @p0 $0x1  }
0x13: {  	[smem:$0x3FB8] =	sst s0;
	s0 =	simm.s32 @!p1 $0x0  }
0x14: {  	s2 =	sld [smem:$0x3F9C];
	s0 =	simm.s32 @p1 $0x1  }
0x15: {  	[smem:$0x3FB9] =	sst s0;
	s0 =	simm.s32 @!p2 $0x0  }
0x16: {  	s3 =	sld [smem:$0x3FDB];
	s0 =	simm.s32 @p2 $0x1  }
0x17: {  	s4 =	simm.s32 $0x1BF5;
	[smem:$0x3FBB] =	sst s0  }
0x18: {  	s0 =	sld [smem:$0x3F9E];
	_ =	swait.ge [sflag:s4], $0x0  }
0x19: {  	s7 =	sld [smem:$0x3F9F]  }
0x1a: {  	s8 =	sadd.s32 $0xFFFFE003, lr  }
0x1b: {  	s9 =	sadd.s32 $0xFFFFFEF7, lr;
	s5 =	simm.s32 $0xFFFFFFFF;
	p2 =	slt.u32 s8, $0xFFFFF086  }
0x1c: {  	p1 =	slt.u32 s9, $0xF7A;
	s5 =	simm.s32 @!p2 $0x0  }
0x1d: {  	s5 =	simm.s32 @p1 $0x1;
	p0 =	seq.s32 s7, s2  }
0x1e: {  	s7 =	smul.u32 @!p0 $0xF7A, s2;
	p2 =	seq.s32 @!p0 s5, $0x0  }
0x1f: {  	s9 =	smul.u32 $0xF7A, s1;
	s8 =	simm.s32 @!p0 $0x1BF5;
	p2 =	por !p2, p0  }
0x20: {  	[sflag:s8] =	ssyncset.s32 @!p0 $0xFFFFF086;
	s6 =	sadd.s32 @!p0 s3, s7;
	s7 =	simm.s32 @!p0 $0x108  }
0x21: {  	s3 =	sadd.s32 s3, s9;
	s6 =	sadd.s32 @!p0 $0x88, s6;
	s7 =	simm.s32 @p2 $0x1082  }
0x22: {  	[simem:s7], [sflag:s8] =	dma.local @!p0 [hbm:s6], $0xF7A  }
0x23: {  	s9 =	sor.u32 $0xD0000000, s2;
	s6 =	simm.s32 $0x108;
	_ =	swait.ge @!p0 [sflag:s8], $0x0  }
0x24: {  	s3 =	sadd.s32 $0x88, s3;
	s6 =	simm.s32 @!p1 $0x1082;
	[sflag:s4] =	ssyncset.s32 $0xFFFFF086  }
0x25: {  	[simem:s6], [sflag:s4] =	dma.local [hbm:s3], $0xF7A  }
0x26: {  	[smem:$0x3F9F] =	sst s1;
	(tag) =	ssettag s2;
	_ =	strace s9  }
0x27: {  	s1 =	sld [smem:$0x3FAF]  }
0x28: {  	s2 =	sld [smem:$0x3FB0]  }
0x29: {  	s4 =	sld [smem:$0x3FB2]  }
0x2a: {  	p0 =	seq.s32 s5, $0x0;
	s5 =	sld [smem:$0x3FB3]  }
0x2b: {  	s6 =	sld [smem:$0x3FB4]  }
0x2c: {  	s7 =	sld [smem:$0x3FB5]  }
0x2d: {  	s3 =	simm.s32 $0x108;
	s8 =	sld [smem:$0x3FB6]  }
0x2e: {  	s3 =	simm.s32 @!p0 $0x1082;
	s9 =	sld [smem:$0x3FB7]  }
0x2f: {  	lr =	sadd.s32 s0, s3;
	s0 =	sld [smem:$0x3FAE]  }
0x30: {  	s3 =	sld [smem:$0x3FB1]  }
0x31: {  	[smem:$0x3FBA] =	sst s10  }
0x32: {  	s10 =	sld [smem:$0x3FB8];
	_ =	sdelay $0x3  }
0x33: {  	p0 =	seq.s32 s10, $0x1;
	s10 =	sld [smem:$0x3FBA];
	_ =	sdelay $0x3  }
0x34: {  	[smem:$0x3FBA] =	sst s10  }
0x35: {  	s10 =	sld [smem:$0x3FB9];
	_ =	sdelay $0x3  }
0x36: {  	p1 =	seq.s32 s10, $0x1;
	s10 =	sld [smem:$0x3FBA];
	_ =	sdelay $0x3  }
0x37: {  	[smem:$0x3FBA] =	sst s10  }
0x38: {  	s10 =	sld [smem:$0x3FBB]  }
0x39: {  	_ = 	snop;
	(pc) =	sbr.ind lr, $3  }
0x3a: {  	_ = 	snop  }
0x3b: {  	_ = 	snop  }
0x3c: {  	p2 =	seq.s32 s10, $0x1;
	s10 =	sld [smem:$0x3FBA]  }
0x3d: {  	_ =	shalt  }
0x3e: {  	_ =	shalt  }
0x3f: {  	_ =	shalt  }
0x40: {  	_ =	shalt  }
0x41: {  	_ =	shalt  }
0x42: {  	_ =	shalt  }
0x43: {  	_ =	shalt  }
0x44: {  	_ =	shalt  }
0x45: {  	_ =	shalt  }
0x46: {  	_ =	shalt  }
0x47: {  	_ =	shalt  }
0x48: {  	_ =	shalt  }
0x49: {  	_ =	shalt  }
0x4a: {  	_ =	shalt  }
0x4b: {  	_ =	shalt  }
0x4c: {  	_ =	shalt  }
0x4d: {  	_ =	shalt  }
0x4e: {  	_ =	shalt  }
0x4f: {  	_ =	shalt  }
0x50: {  	_ =	shalt  }
0x51: {  	_ =	shalt  }
0x52: {  	_ =	shalt  }
0x53: {  	_ =	shalt  }
0x54: {  	_ =	shalt  }
0x55: {  	_ =	shalt  }
0x56: {  	_ =	shalt  }
0x57: {  	_ =	shalt  }
0x58: {  	_ =	shalt  }
0x59: {  	_ =	shalt  }
0x5a: {  	_ =	shalt  }
0x5b: {  	_ =	shalt  }
0x5c: {  	_ =	shalt  }
0x5d: {  	_ =	shalt  }
0x5e: {  	_ =	shalt  }
0x5f: {  	_ =	shalt  }
0x60: {  	_ =	shalt  }
0x61: {  	_ =	shalt  }
0x62: {  	_ =	shalt  }
0x63: {  	_ =	shalt  }
0x64: {  	_ =	shalt  }
0x65: {  	_ =	shalt  }
0x66: {  	_ =	shalt  }
0x67: {  	_ =	shalt  }
0x68: {  	_ =	shalt  }
0x69: {  	_ =	shalt  }
0x6a: {  	_ =	shalt  }
0x6b: {  	_ =	shalt  }
0x6c: {  	_ =	shalt  }
0x6d: {  	_ =	shalt  }
0x6e: {  	_ =	shalt  }
0x6f: {  	_ =	shalt  }
0x70: {  	_ =	shalt  }
0x71: {  	_ =	shalt  }
0x72: {  	_ =	shalt  }
0x73: {  	_ =	shalt  }
0x74: {  	_ =	shalt  }
0x75: {  	_ =	shalt  }
0x76: {  	_ =	shalt  }
0x77: {  	_ =	shalt  }
0x78: {  	_ =	shalt  }
0x79: {  	_ =	shalt  }
0x7a: {  	_ =	shalt  }
0x7b: {  	_ =	shalt  }
0x7c: {  	_ =	shalt  }
0x7d: {  	_ =	shalt  }
0x7e: {  	_ =	shalt  }
0x7f: {  	_ =	shalt  }
0x80: {  	_ =	shalt  }
0x81: {  	_ =	shalt  }
0x82: {  	_ =	shalt  }
0x83: {  	_ =	shalt  }
0x84: {  	_ =	shalt  }
0x85: {  	_ =	shalt  }
0x86: {  	_ =	shalt  }
0x87: {  	_ =	shalt  }
.Lfunc_end0:
.L_simem_size_0:
called_computation.1_lowered:
.L_overlay_start_0:
0x88: {  	s2 =	sld [smem:$0x3FD9]  }
0x89: {  	s3 =	sld [smem:$0x3FFE];
	_ =	sdelay $0x1  }
0x8a: {  	s1 =	srdreg.scid  }
0x8b: {  	s0 =	sand.u32 $0x1, s1  }
0x8c: {  	s17 =	sshll.u32 s0, $0xA;
	s2 =	sadd.s32 s3, s2  }
0x8d: {  	s2 =	sadd.s32 s2, s17  }
0x8e: {  	[smem:$0x3FC6] =	sst s2  }
0x8f: {  	_ = 	snop  }
0x90: {  	s2 =	sld [smem:$0x3FC9]  }
0x91: {  	s18 =	sld [smem:$0x3FD0];
	(tm) =	ssettm $0x1  }
0x92: {  	s4 =	sld [smem:$0x3FFB];
	_ =	sdelay $0x3  }
0x93: {  	_ =	strace s4  }
0x94: {  	s4 =	sld [smem:$0x3FFC];
	_ =	sdelay $0x3  }
0x95: {  	_ =	strace s4  }
0x96: {  	s4 =	sld [smem:$0x3FFD];
	_ =	sdelay $0x3  }
0x97: {  	_ =	strace s4  }
0x98: {  	_ =	strace $0x8FFFFFFF  }
0x99: {  	s19 =	sld [smem:$0x3FDB];
	_ =	sdelay $0x1  }
0x9a: {  	s5 =	simm.s32 $_scs_section_size  }
0x9b: {  	s6 =	simm.s32 $_size__tile_overlayer_lowered;
	s7 =	simm.s32 $_tile_overlayer_lowered  }
0x9c: {  	s22 =	simm.s32 $0x1BFF;
	s21 =	sshll.u32 s7, $0x1;
	s4 =	sadd.s32 s5, s19  }
0x9d: {  	s8 =	simm.s32 $0x0;
	s20 =	sshll.u32 s6, $0x1;
	s6 =	sadd.s32 s21, s4  }
0x9e: {  	[timem:s8], [sflag:s22] =	dma.local [hbm:s6], s20  }
0x9f: {  	_ =	swait.ge [sflag:s22], s20  }
0xa0: {  	s5 =	ssub.s32 $0x0, s20;
	[sflag:s22] =	ssyncset.done $0x0  }
0xa1: {  	[sflag:s22] =	ssyncadd.s32 s5;
	_ =	sdelay $0x1  }
0xa2: {  	s23 =	simm.s32 $0x1B8B  }
0xa3: {  	_ =	swait.ge [sflag:s23], $0x1  }
0xa4: {  	[sflag:s23] =	ssyncset.done $0x0  }
0xa5: {  	s25 =	simm.s32 $0x1B8E;
	s24 =	sld [smem:$0x3FFE];
	[sflag:s23] =	ssyncadd.s32 $0xFFFFFFFF  }
0xa6: {  	s26 =	simm.s32 $execute0_lowered;
	[smem:$0x3FD2] =	sst s25  }
0xa7: {  	s6 =	sshll.u32 s26, $0x1;
	_ =	strace $0x80000049;
	[dreg:$0x1] =	wrdreg $0xFFFFFFFF  }
0xa8: {  	s28 =	simm.s32 $_size_execute0_lowered;
	s4 =	sadd.s32 s4, s6;
	[dreg:$0x0] =	wrdreg $0x0  }
0xa9: {  	s6 =	sshll.u32 s28, $0x1;
	[dreg:$0x2] =	wrdreg s4  }
0xaa: {  	[dreg:$0x3] =	wrdreg s6  }
0xab: {  	[dreg:$0x4] =	wrdreg $0xC0  }
0xac: {  	_ =	task [dreg:s8], $0x5FFFF  }
0xad: {  	[dreg:$0x1] =	wrdreg $0xFFFFFFFF  }
0xae: {  	[dreg:$0x0] =	wrdreg $0x60  }
0xaf: {  	[dreg:$0x2] =	wrdreg s24  }
0xb0: {  	[dreg:$0x3] =	wrdreg s2  }
0xb1: {  	[dreg:$0x4] =	wrdreg s18  }
0xb2: {  	[dreg:$0x5] =	wrdreg $0x9  }
0xb3: {  	_ =	task.clear_ibuf [dreg:s8], $0x6FFFF;
	_ =	strace $0x90000049  }
0xb4: {  	s29 =	simm.s32 $0x9;
	_ =	strace $0x8000004B  }
0xb5: {  	_ =	swait.ge [sflag:s29], $0x1  }
0xb6: {  	[sflag:s29] =	ssyncadd.s32 $0xFFFFFFFF  }
0xb7: {  	_ =	strace $0x9000004B  }
0xb8: {  	_ =	sfence  }
0xb9: {  	s30 =	sld [smem:$0x0];
	_ =	sdelay $0x2  }
0xba: {  	s31 =	sshll.u32 s1, $0xD;
	s1 =	sshrl.u32 s1, $0x2  }
0xbb: {  	s3 =	sand.u32 $0x4000, s31;
	s1 =	sadd.s32 s1, s30  }
0xbc: {  	s0 =	sor.u32 s3, s0;
	s1 =	sshll.u32 s1, $0x11  }
0xbd: {  	s0 =	sor.u32 s1, s0  }
0xbe: {  	s0 =	sadd.s32 $0x8F2B, s0  }
0xbf: {  	[sflag:s0] =	ssyncadd.remote.s32 $0x1  }
0xc0: {  	_ =	sfence.sel $0xFFFF  }
0xc1: {  	[dreg:$0x0] =	wrdreg $0xFFFFFFFF;
	(pc) =	sbr.abs _section_cstart, $3  }
0xc2: {  	[dreg:$0x1] =	wrdreg $0xFFFFFFFF  }
0xc3: {  	_ =	task.clear_ibuf [dreg:s8], $0x2FFFF;
	_ =	strace $0x9FFFFFFF  }
0xc4: {  	(tm) =	ssettm $0x7FFFFFFF  }
0xc5: {  	_ =	shalt  }
tec
execute0_lowered:
.L_overlay_start_1:
0x0: {  	(tag) =	ssettag $0x1  }
0x1: {  	v3 =	vlaneseq.u32  }
0x2: {  	v0 =	vand.u32 $0x1, v3  }
0x3: {  	v1 =	vmul.u32 $0x40, v0;
	_ =	sdelay $0x1  }
0x4: {  	v0 =	vor.u32 $0x1, v1  }
0x5: {  	[tilespmem:$0x1FC30] =	vst v0;
	v0 =	vor.u32 $0x2, v1  }
0x6: {  	[tilespmem:$0x1FC40] =	vst v0;
	v0 =	vor.u32 $0x3, v1  }
0x7: {  	[tilespmem:$0x1FC50] =	vst v0;
	v0 =	vor.u32 $0x4, v1  }
0x8: {  	[tilespmem:$0x1FC60] =	vst v0;
	v0 =	vor.u32 $0x5, v1  }
0x9: {  	[tilespmem:$0x1FC70] =	vst v0;
	v0 =	vor.u32 $0x6, v1  }
0xa: {  	[tilespmem:$0x1FC80] =	vst v0;
	v0 =	vor.u32 $0x7, v1  }
0xb: {  	[tilespmem:$0x1FC90] =	vst v0;
	v0 =	vor.u32 $0x8, v1  }
0xc: {  	[tilespmem:$0x1FCA0] =	vst v0;
	v0 =	vor.u32 $0x9, v1  }
0xd: {  	[tilespmem:$0x1FCB0] =	vst v0;
	v0 =	vor.u32 $0xA, v1  }
0xe: {  	[tilespmem:$0x1FCC0] =	vst v0;
	v0 =	vor.u32 $0xB, v1  }
0xf: {  	[tilespmem:$0x1FCD0] =	vst v0;
	v0 =	vor.u32 $0xC, v1  }
0x10: {  	[tilespmem:$0x1FCE0] =	vst v0;
	v0 =	vor.u32 $0xD, v1  }
0x11: {  	[tilespmem:$0x1FCF0] =	vst v0;
	v0 =	vor.u32 $0xE, v1  }
0x12: {  	[tilespmem:$0x1FD00] =	vst v0;
	v0 =	vor.u32 $0xF, v1  }
0x13: {  	[tilespmem:$0x1FD10] =	vst v0;
	v0 =	vor.u32 $0x10, v1  }
0x14: {  	[tilespmem:$0x1FD20] =	vst v0;
	v0 =	vor.u32 $0x11, v1  }
0x15: {  	[tilespmem:$0x1FD30] =	vst v0;
	v0 =	vor.u32 $0x12, v1  }
0x16: {  	[tilespmem:$0x1FD40] =	vst v0;
	v0 =	vor.u32 $0x13, v1  }
0x17: {  	[tilespmem:$0x1FD50] =	vst v0;
	v0 =	vor.u32 $0x14, v1  }
0x18: {  	[tilespmem:$0x1FD60] =	vst v0;
	v0 =	vor.u32 $0x15, v1  }
0x19: {  	[tilespmem:$0x1FD70] =	vst v0;
	v0 =	vor.u32 $0x16, v1  }
0x1a: {  	[tilespmem:$0x1FD80] =	vst v0;
	v0 =	vor.u32 $0x17, v1  }
0x1b: {  	[tilespmem:$0x1FD90] =	vst v0;
	v0 =	vor.u32 $0x18, v1  }
0x1c: {  	[tilespmem:$0x1FDA0] =	vst v0;
	v0 =	vor.u32 $0x19, v1  }
0x1d: {  	[tilespmem:$0x1FDB0] =	vst v0;
	v0 =	vor.u32 $0x1A, v1  }
0x1e: {  	[tilespmem:$0x1FDC0] =	vst v0;
	v0 =	vor.u32 $0x1B, v1  }
0x1f: {  	[tilespmem:$0x1FDD0] =	vst v0;
	v0 =	vor.u32 $0x1C, v1  }
0x20: {  	[tilespmem:$0x1FDE0] =	vst v0;
	v0 =	vor.u32 $0x1D, v1  }
0x21: {  	[tilespmem:$0x1FDF0] =	vst v0;
	v0 =	vor.u32 $0x1E, v1  }
0x22: {  	[tilespmem:$0x1FE00] =	vst v0;
	v0 =	vor.u32 $0x1F, v1  }
0x23: {  	[tilespmem:$0x1FE10] =	vst v0;
	v0 =	vor.u32 $0x20, v1  }
0x24: {  	[tilespmem:$0x1FE20] =	vst v0;
	v0 =	vor.u32 $0x21, v1  }
0x25: {  	[tilespmem:$0x1FE30] =	vst v0;
	v0 =	vor.u32 $0x22, v1  }
0x26: {  	[tilespmem:$0x1FE40] =	vst v0;
	v0 =	vor.u32 $0x23, v1  }
0x27: {  	[tilespmem:$0x1FE50] =	vst v0;
	v0 =	vor.u32 $0x24, v1  }
0x28: {  	[tilespmem:$0x1FE60] =	vst v0;
	v0 =	vor.u32 $0x25, v1  }
0x29: {  	[tilespmem:$0x1FE70] =	vst v0;
	v0 =	vor.u32 $0x26, v1  }
0x2a: {  	[tilespmem:$0x1FE80] =	vst v0;
	v0 =	vor.u32 $0x27, v1  }
0x2b: {  	[tilespmem:$0x1FE90] =	vst v0;
	v0 =	vor.u32 $0x28, v1  }
0x2c: {  	s3 =	rddreg [dreg:$0x0];
	[tilespmem:$0x1FEA0] =	vst v0;
	v0 =	vor.u32 $0x29, v1  }
0x2d: {  	s4 =	rddreg [dreg:$0x1];
	[tilespmem:$0x1FEB0] =	vst v0;
	v0 =	vor.u32 $0x2A, v1  }
0x2e: {  	s5 =	rddreg [dreg:$0x2];
	s1 =	simm.s32 $0x0;
	[tilespmem:$0x1FEC0] =	vst v0;
	v0 =	vor.u32 $0x2B, v1  }
0x2f: {  	[smem:$0x7FF] =	sst s1;
	[tilespmem:$0x1FED0] =	vst v0;
	v0 =	vor.u32 $0x2C, v1  }
0x30: {  	s0 =	rddreg [dreg:$0x3];
	_ =	strace $0x8000004A;
	[tilespmem:$0x1FEE0] =	vst v0;
	v0 =	vor.u32 $0x2D, v1  }
0x31: {  	[tilespmem:$0x1FEF0] =	vst v0;
	v0 =	vor.u32 $0x2E, v1  }
0x32: {  	[tilespmem:$0x1FF00] =	vst v0;
	v0 =	vor.u32 $0x2F, v1  }
0x33: {  	[tilespmem:$0x1FF10] =	vst v0;
	v0 =	vor.u32 $0x30, v1  }
0x34: {  	[tilespmem:$0x1FF20] =	vst v0;
	v0 =	vor.u32 $0x31, v1  }
0x35: {  	[tilespmem:$0x1FF30] =	vst v0;
	v0 =	vor.u32 $0x32, v1  }
0x36: {  	[tilespmem:$0x1FF40] =	vst v0;
	v0 =	vor.u32 $0x33, v1  }
0x37: {  	[tilespmem:$0x1FF50] =	vst v0;
	v0 =	vor.u32 $0x34, v1  }
0x38: {  	[tilespmem:$0x1FF60] =	vst v0;
	v0 =	vor.u32 $0x35, v1  }
0x39: {  	[tilespmem:$0x1FF70] =	vst v0;
	v0 =	vor.u32 $0x36, v1  }
0x3a: {  	[tilespmem:$0x1FF80] =	vst v0;
	v0 =	vor.u32 $0x37, v1  }
0x3b: {  	s6 =	srdreg.scid;
	s2 =	stileid.u32;
	[tilespmem:$0x1FF90] =	vst v0;
	v0 =	vor.u32 $0x38, v1  }
0x3c: {  	s10 =	simm.s32 $0x1;
	s11 =	simm.s32 $0x10600;
	s6 =	sand.u32 $0x1, s6;
	[tilespmem:$0x1FFA0] =	vst v0;
	v0 =	vor.u32 $0x39, v1  }
0x3d: {  	s12 =	simm.s32 $0x0;
	s8 =	sshll.u32 s2, $0x1;
	s7 =	ssub.s32 $0x2, s6;
	[tilespmem:$0x1FFB0] =	vst v0;
	v0 =	vor.u32 $0x3A, v1  }
0x3e: {  	s3 =	sadd.s32 $0x800, s3;
	s6 =	sor.u32 s6, s8;
	s9 =	sshrl.u32 s7, $0x1;
	[tilespmem:$0x1FFC0] =	vst v0;
	v0 =	vor.u32 $0x3B, v1  }
0x3f: {  	s8 =	sshll.u32 s6, $0x6;
	s6 =	sshll.u32 s6, $0xC;
	s7 =	ssub.s32 s7, s9;
	[tilespmem:$0x1FFD0] =	vst v0;
	v0 =	vor.u32 $0x3C, v1  }
0x40: {  	s4 =	sadd.s32 s4, s8;
	s5 =	sadd.s32 s5, s6;
	s8 =	simm.s32 $0x200;
	[tilespmem:$0x1FFE0] =	vst v0;
	v0 =	vor.u32 $0x3D, v1  }
0x41: {  	s9 =	simm.s32 $0x600;
	s6 =	smax.u32 s7, $0x1;
	s7 =	simm.s32 $0x2;
	[tilespmem:$0x1FFF0] =	vst v0  }
.LBB2_1:
0x42: {  	[tilespmem:s1], [sflag:$0x2] =	stream.linear.gather [hbm4b:s4+s1], $0x200, $0x38;
	[tilespmem:$0x18600] =	vst v63  }
0x43: {  	_ =	swait.ge [sflag:s7], $0x200  }
0x44: {  	[sflag:s7] =	ssyncset.done $0x0  }
0x45: {  	s13 =	simm.s32 $0x0;
	[sflag:s7] =	ssyncadd.s32 $0xFFFFFE00  }
0x46: {  	v0 =	vld [tilespmem:s13+$0x0]  }
0x47: {  	s14 =	simm.s32 $0x40  }
.LBB2_2:
0x48: {  	p0 =	sne.s32 s14, $0x7C0  }
.Ltmp0:
0x49: {  	_ = 	snop;
	(pc) =	sbr.rel @p0 .LBB2_2-.Ltmp0, $4  }
0x4a: {  	_ = 	snop  }
0x4b: {  	s15 =	sshra.s32 s14, $0x2;
	s14 =	sadd.s32 $0x40, s14;
	v2 =	vshra.s32 v0, $0x1;
	v63 =	vshll.u32 v0, $0x6  }
0x4c: {  	v0 =	vld [tilespmem:s15+$0x0];
	[tilespmem:s13+$0x200] =	vst v2;
	v2 =	vand.u32 $0x40, v63  }
0x4d: {  	[tilespmem:s13+$0x400] =	vst v2;
	s13 =	smov.u32 s15  }
0x4e: {  	_ =	sdelay $0x2  }
0x4f: {  	v2 =	vshra.s32 v0, $0x1;
	v0 =	vshll.u32 v0, $0x6  }
0x50: {  	[tilespmem:s13+$0x200] =	vst v2;
	v0 =	vand.u32 $0x40, v0  }
0x51: {  	[tilespmem:s13+$0x400] =	vst v0  }
0x52: {  	[tilespmem:s9], [sflag:$0x1] =	stream.indirect.gather [hbm4b:s3+s8], $0x80, s8, s8, $0xb8;
	[tilespmem:$0x18600] =	vst v63  }
0x53: {  	_ =	swait.ge [sflag:s10], $0x10000  }
0x54: {  	v12 =	vld [tilespmem:$0x1FC80]  }
0x55: {  	v13 =	vld [tilespmem:$0x1FC90]  }
0x56: {  	v14 =	vld [tilespmem:$0x1FCA0]  }
0x57: {  	v15 =	vld [tilespmem:$0x1FCB0]  }
0x58: {  	v16 =	vld [tilespmem:$0x1FCC0]  }
0x59: {  	v17 =	vld [tilespmem:$0x1FCD0]  }
0x5a: {  	v18 =	vld [tilespmem:$0x1FCE0]  }
0x5b: {  	v19 =	vld [tilespmem:$0x1FCF0]  }
0x5c: {  	v20 =	vld [tilespmem:$0x1FD00]  }
0x5d: {  	v21 =	vld [tilespmem:$0x1FD10]  }
0x5e: {  	v22 =	vld [tilespmem:$0x1FD20]  }
0x5f: {  	v23 =	vld [tilespmem:$0x1FD30]  }
0x60: {  	v24 =	vld [tilespmem:$0x1FD40]  }
0x61: {  	v25 =	vld [tilespmem:$0x1FD50]  }
0x62: {  	v26 =	vld [tilespmem:$0x1FD60]  }
0x63: {  	v27 =	vld [tilespmem:$0x1FD70]  }
0x64: {  	v28 =	vld [tilespmem:$0x1FD80]  }
0x65: {  	v29 =	vld [tilespmem:$0x1FD90]  }
0x66: {  	v30 =	vld [tilespmem:$0x1FDA0]  }
0x67: {  	v31 =	vld [tilespmem:$0x1FDB0]  }
0x68: {  	v32 =	vld [tilespmem:$0x1FDC0]  }
0x69: {  	v33 =	vld [tilespmem:$0x1FDD0]  }
0x6a: {  	v34 =	vld [tilespmem:$0x1FDE0]  }
0x6b: {  	v35 =	vld [tilespmem:$0x1FDF0]  }
0x6c: {  	v36 =	vld [tilespmem:$0x1FE00]  }
0x6d: {  	v37 =	vld [tilespmem:$0x1FE10]  }
0x6e: {  	v38 =	vld [tilespmem:$0x1FE20]  }
0x6f: {  	v39 =	vld [tilespmem:$0x1FE30]  }
0x70: {  	v40 =	vld [tilespmem:$0x1FE40]  }
0x71: {  	v41 =	vld [tilespmem:$0x1FE50]  }
0x72: {  	v42 =	vld [tilespmem:$0x1FE60]  }
0x73: {  	v43 =	vld [tilespmem:$0x1FE70]  }
0x74: {  	v44 =	vld [tilespmem:$0x1FE80]  }
0x75: {  	v45 =	vld [tilespmem:$0x1FE90]  }
0x76: {  	v46 =	vld [tilespmem:$0x1FEA0]  }
0x77: {  	v47 =	vld [tilespmem:$0x1FEB0]  }
0x78: {  	v48 =	vld [tilespmem:$0x1FEC0]  }
0x79: {  	v49 =	vld [tilespmem:$0x1FED0]  }
0x7a: {  	v50 =	vld [tilespmem:$0x1FEE0]  }
0x7b: {  	v51 =	vld [tilespmem:$0x1FEF0]  }
0x7c: {  	v52 =	vld [tilespmem:$0x1FF00]  }
0x7d: {  	v53 =	vld [tilespmem:$0x1FF10]  }
0x7e: {  	v54 =	vld [tilespmem:$0x1FF20]  }
0x7f: {  	v55 =	vld [tilespmem:$0x1FF30]  }
0x80: {  	v56 =	vld [tilespmem:$0x1FF40]  }
0x81: {  	v57 =	vld [tilespmem:$0x1FF50]  }
0x82: {  	v58 =	vld [tilespmem:$0x1FF60]  }
0x83: {  	v59 =	vld [tilespmem:$0x1FF70]  }
0x84: {  	v60 =	vld [tilespmem:$0x1FF80]  }
0x85: {  	v61 =	vld [tilespmem:$0x1FF90]  }
0x86: {  	v62 =	vld [tilespmem:$0x1FFA0]  }
0x87: {  	v7 =	vld [tilespmem:$0x1FFB0]  }
0x88: {  	v8 =	vld [tilespmem:$0x1FFC0]  }
0x89: {  	v9 =	vld [tilespmem:$0x1FFD0]  }
0x8a: {  	[sflag:s10] =	ssyncset.done $0x0;
	v10 =	vld [tilespmem:$0x1FFE0]  }
0x8b: {  	s14 =	simm.s32 $0x400;
	s13 =	simm.s32 $0x0;
	v11 =	vld [tilespmem:$0x1FFF0];
	[sflag:s10] =	ssyncadd.s32 $0xFFFF0000  }
.LBB2_4:
0x8c: {  	v2 =	vld [tilespmem:s14+$0x0];
	_ =	sdelay $0x3  }
0x8d: {  	v63 =	vor.u32 s13, v3  }
0x8e: {  	v0 =	vshll.u32 v63, $0x7;
	v3 =	vand.u32 $0xFFFFFF80, v2  }
0x8f: {  	v4 =	vand.u32 $0x7F, v2;
	v3 =	vadd.s32 v0, v3  }
0x90: {  	v3 =	vor.u32 v4, v3;
	_ =	sdelay $0x2  }
0x91: {  	v4 =	vshll.u32 v63, $0x6  }
0x92: {  	v63 =	vand.u32 $0x7F80, v4  }
0x93: {  	v6 =	vor.u32 v1, v63;
	v3 =	vld.idx.msk [tilespmem:v3+s9+$0x0], $0xffff;
	_ =	sdelay $0x1  }
0x94: {  	v5 =	vadd.s32 $0x1, v2  }
0x95: {  	v4 =	vand.u32 $0xFFFFFF80, v5  }
0x96: {  	v5 =	vand.u32 $0x7F, v5;
	v4 =	vadd.s32 v0, v4  }
0x97: {  	v4 =	vor.u32 v5, v4;
	[tilespmem:v6+s11+$0x0] =	vst.idx.msk $0xffff, v3;
	v6 =	vld [tilespmem:$0x1FC30];
	_ =	sdelay $0x4  }
0x98: {  	v4 =	vld.idx.msk [tilespmem:v4+s9+$0x0], $0xffff;
	v6 =	vor.u32 v6, v63;
	_ =	sdelay $0x1  }
0x99: {  	v5 =	vadd.s32 $0x2, v2  }
0x9a: {  	v3 =	vand.u32 $0xFFFFFF80, v5  }
0x9b: {  	v5 =	vand.u32 $0x7F, v5;
	v3 =	vadd.s32 v0, v3  }
0x9c: {  	v3 =	vor.u32 v5, v3;
	[tilespmem:v6+s11+$0x0] =	vst.idx.msk $0xffff, v4;
	v6 =	vld [tilespmem:$0x1FC40];
	_ =	sdelay $0x4  }
0x9d: {  	v3 =	vld.idx.msk [tilespmem:v3+s9+$0x0], $0xffff;
	v6 =	vor.u32 v6, v63;
	_ =	sdelay $0x1  }
0x9e: {  	v5 =	vadd.s32 $0x3, v2  }
0x9f: {  	v4 =	vand.u32 $0xFFFFFF80, v5  }
0xa0: {  	v5 =	vand.u32 $0x7F, v5;
	v4 =	vadd.s32 v0, v4  }
0xa1: {  	v4 =	vor.u32 v5, v4;
	[tilespmem:v6+s11+$0x0] =	vst.idx.msk $0xffff, v3;
	v6 =	vld [tilespmem:$0x1FC50];
	_ =	sdelay $0x4  }
0xa2: {  	v4 =	vld.idx.msk [tilespmem:v4+s9+$0x0], $0xffff;
	v6 =	vor.u32 v6, v63;
	_ =	sdelay $0x1  }
0xa3: {  	v5 =	vadd.s32 $0x4, v2  }
0xa4: {  	v3 =	vand.u32 $0xFFFFFF80, v5  }
0xa5: {  	v5 =	vand.u32 $0x7F, v5;
	v3 =	vadd.s32 v0, v3  }
0xa6: {  	v3 =	vor.u32 v5, v3;
	[tilespmem:v6+s11+$0x0] =	vst.idx.msk $0xffff, v4;
	v6 =	vld [tilespmem:$0x1FC60];
	_ =	sdelay $0x4  }
0xa7: {  	v3 =	vld.idx.msk [tilespmem:v3+s9+$0x0], $0xffff;
	v6 =	vor.u32 v6, v63;
	_ =	sdelay $0x1  }
0xa8: {  	v5 =	vadd.s32 $0x5, v2  }
0xa9: {  	v4 =	vand.u32 $0xFFFFFF80, v5  }
0xaa: {  	v5 =	vand.u32 $0x7F, v5;
	v4 =	vadd.s32 v0, v4  }
0xab: {  	v4 =	vor.u32 v5, v4;
	[tilespmem:v6+s11+$0x0] =	vst.idx.msk $0xffff, v3;
	v6 =	vld [tilespmem:$0x1FC70];
	_ =	sdelay $0x2  }
0xac: {  	v5 =	vadd.s32 $0x6, v2  }
0xad: {  	v3 =	vand.u32 $0xFFFFFF80, v5  }
0xae: {  	v5 =	vand.u32 $0x7F, v5;
	v4 =	vld.idx.msk [tilespmem:v4+s9+$0x0], $0xffff;
	v3 =	vadd.s32 v0, v3;
	v6 =	vor.u32 v6, v63  }
0xaf: {  	v3 =	vor.u32 v5, v3;
	_ =	sdelay $0x2  }
0xb0: {  	v5 =	vadd.s32 $0x7, v2  }
0xb1: {  	[tilespmem:v6+s11+$0x0] =	vst.idx.msk $0xffff, v4;
	v4 =	vand.u32 $0xFFFFFF80, v5  }
0xb2: {  	v6 =	vor.u32 v12, v63;
	v5 =	vand.u32 $0x7F, v5;
	v3 =	vld.idx.msk [tilespmem:v3+s9+$0x0], $0xffff;
	v4 =	vadd.s32 v0, v4  }
0xb3: {  	v4 =	vor.u32 v5, v4;
	_ =	sdelay $0x2  }
0xb4: {  	v5 =	vadd.s32 $0x8, v2  }
0xb5: {  	[tilespmem:v6+s11+$0x0] =	vst.idx.msk $0xffff, v3;
	v3 =	vand.u32 $0xFFFFFF80, v5  }
0xb6: {  	v6 =	vor.u32 v13, v63;
	v5 =	vand.u32 $0x7F, v5;
	v4 =	vld.idx.msk [tilespmem:v4+s9+$0x0], $0xffff;
	v3 =	vadd.s32 v0, v3  }
0xb7: {  	v3 =	vor.u32 v5, v3;
	_ =	sdelay $0x2  }
0xb8: {  	v5 =	vadd.s32 $0x9, v2  }
0xb9: {  	[tilespmem:v6+s11+$0x0] =	vst.idx.msk $0xffff, v4;
	v4 =	vand.u32 $0xFFFFFF80, v5  }
0xba: {  	v6 =	vor.u32 v14, v63;
	v5 =	vand.u32 $0x7F, v5;
	v3 =	vld.idx.msk [tilespmem:v3+s9+$0x0], $0xffff;
	v4 =	vadd.s32 v0, v4  }
0xbb: {  	v4 =	vor.u32 v5, v4;
	_ =	sdelay $0x2  }
0xbc: {  	v5 =	vadd.s32 $0xA, v2  }
0xbd: {  	[tilespmem:v6+s11+$0x0] =	vst.idx.msk $0xffff, v3;
	v3 =	vand.u32 $0xFFFFFF80, v5  }
0xbe: {  	v6 =	vor.u32 v15, v63;
	v5 =	vand.u32 $0x7F, v5;
	v4 =	vld.idx.msk [tilespmem:v4+s9+$0x0], $0xffff;
	v3 =	vadd.s32 v0, v3  }
0xbf: {  	v3 =	vor.u32 v5, v3;
	_ =	sdelay $0x2  }
0xc0: {  	v5 =	vadd.s32 $0xB, v2  }
0xc1: {  	[tilespmem:v6+s11+$0x0] =	vst.idx.msk $0xffff, v4;
	v4 =	vand.u32 $0xFFFFFF80, v5  }
0xc2: {  	v6 =	vor.u32 v16, v63;
	v5 =	vand.u32 $0x7F, v5;
	v3 =	vld.idx.msk [tilespmem:v3+s9+$0x0], $0xffff;
	v4 =	vadd.s32 v0, v4  }
0xc3: {  	v4 =	vor.u32 v5, v4;
	_ =	sdelay $0x2  }
0xc4: {  	v5 =	vadd.s32 $0xC, v2  }
0xc5: {  	[tilespmem:v6+s11+$0x0] =	vst.idx.msk $0xffff, v3;
	v3 =	vand.u32 $0xFFFFFF80, v5  }
0xc6: {  	v6 =	vor.u32 v17, v63;
	v5 =	vand.u32 $0x7F, v5;
	v4 =	vld.idx.msk [tilespmem:v4+s9+$0x0], $0xffff;
	v3 =	vadd.s32 v0, v3  }
0xc7: {  	v3 =	vor.u32 v5, v3;
	_ =	sdelay $0x2  }
0xc8: {  	v5 =	vadd.s32 $0xD, v2  }
0xc9: {  	[tilespmem:v6+s11+$0x0] =	vst.idx.msk $0xffff, v4;
	v4 =	vand.u32 $0xFFFFFF80, v5  }
0xca: {  	v6 =	vor.u32 v18, v63;
	v5 =	vand.u32 $0x7F, v5;
	v3 =	vld.idx.msk [tilespmem:v3+s9+$0x0], $0xffff;
	v4 =	vadd.s32 v0, v4  }
0xcb: {  	v4 =	vor.u32 v5, v4;
	_ =	sdelay $0x2  }
0xcc: {  	v5 =	vadd.s32 $0xE, v2  }
0xcd: {  	[tilespmem:v6+s11+$0x0] =	vst.idx.msk $0xffff, v3;
	v3 =	vand.u32 $0xFFFFFF80, v5  }
0xce: {  	v6 =	vor.u32 v19, v63;
	v5 =	vand.u32 $0x7F, v5;
	v4 =	vld.idx.msk [tilespmem:v4+s9+$0x0], $0xffff;
	v3 =	vadd.s32 v0, v3  }
0xcf: {  	v3 =	vor.u32 v5, v3;
	_ =	sdelay $0x2  }
0xd0: {  	v5 =	vadd.s32 $0xF, v2  }
0xd1: {  	[tilespmem:v6+s11+$0x0] =	vst.idx.msk $0xffff, v4;
	v4 =	vand.u32 $0xFFFFFF80, v5  }
0xd2: {  	v6 =	vor.u32 v20, v63;
	v5 =	vand.u32 $0x7F, v5;
	v3 =	vld.idx.msk [tilespmem:v3+s9+$0x0], $0xffff;
	v4 =	vadd.s32 v0, v4  }
0xd3: {  	v4 =	vor.u32 v5, v4;
	_ =	sdelay $0x2  }
0xd4: {  	v5 =	vadd.s32 $0x10, v2  }
0xd5: {  	[tilespmem:v6+s11+$0x0] =	vst.idx.msk $0xffff, v3;
	v3 =	vand.u32 $0xFFFFFF80, v5  }
0xd6: {  	v6 =	vor.u32 v21, v63;
	v5 =	vand.u32 $0x7F, v5;
	v4 =	vld.idx.msk [tilespmem:v4+s9+$0x0], $0xffff;
	v3 =	vadd.s32 v0, v3  }
0xd7: {  	v3 =	vor.u32 v5, v3;
	_ =	sdelay $0x2  }
0xd8: {  	v5 =	vadd.s32 $0x11, v2  }
0xd9: {  	[tilespmem:v6+s11+$0x0] =	vst.idx.msk $0xffff, v4;
	v4 =	vand.u32 $0xFFFFFF80, v5  }
0xda: {  	v6 =	vor.u32 v22, v63;
	v5 =	vand.u32 $0x7F, v5;
	v3 =	vld.idx.msk [tilespmem:v3+s9+$0x0], $0xffff;
	v4 =	vadd.s32 v0, v4  }
0xdb: {  	v4 =	vor.u32 v5, v4;
	_ =	sdelay $0x2  }
0xdc: {  	v5 =	vadd.s32 $0x12, v2  }
0xdd: {  	[tilespmem:v6+s11+$0x0] =	vst.idx.msk $0xffff, v3;
	v3 =	vand.u32 $0xFFFFFF80, v5  }
0xde: {  	v6 =	vor.u32 v23, v63;
	v5 =	vand.u32 $0x7F, v5;
	v4 =	vld.idx.msk [tilespmem:v4+s9+$0x0], $0xffff;
	v3 =	vadd.s32 v0, v3  }
0xdf: {  	v3 =	vor.u32 v5, v3;
	_ =	sdelay $0x2  }
0xe0: {  	v5 =	vadd.s32 $0x13, v2  }
0xe1: {  	[tilespmem:v6+s11+$0x0] =	vst.idx.msk $0xffff, v4;
	v4 =	vand.u32 $0xFFFFFF80, v5  }
0xe2: {  	v6 =	vor.u32 v24, v63;
	v5 =	vand.u32 $0x7F, v5;
	v3 =	vld.idx.msk [tilespmem:v3+s9+$0x0], $0xffff;
	v4 =	vadd.s32 v0, v4  }
0xe3: {  	v4 =	vor.u32 v5, v4;
	_ =	sdelay $0x2  }
0xe4: {  	v5 =	vadd.s32 $0x14, v2  }
0xe5: {  	[tilespmem:v6+s11+$0x0] =	vst.idx.msk $0xffff, v3;
	v3 =	vand.u32 $0xFFFFFF80, v5  }
0xe6: {  	v6 =	vor.u32 v25, v63;
	v5 =	vand.u32 $0x7F, v5;
	v4 =	vld.idx.msk [tilespmem:v4+s9+$0x0], $0xffff;
	v3 =	vadd.s32 v0, v3  }
0xe7: {  	v3 =	vor.u32 v5, v3;
	_ =	sdelay $0x2  }
0xe8: {  	v5 =	vadd.s32 $0x15, v2  }
0xe9: {  	[tilespmem:v6+s11+$0x0] =	vst.idx.msk $0xffff, v4;
	v4 =	vand.u32 $0xFFFFFF80, v5  }
0xea: {  	v6 =	vor.u32 v26, v63;
	v5 =	vand.u32 $0x7F, v5;
	v3 =	vld.idx.msk [tilespmem:v3+s9+$0x0], $0xffff;
	v4 =	vadd.s32 v0, v4  }
0xeb: {  	v4 =	vor.u32 v5, v4;
	_ =	sdelay $0x2  }
0xec: {  	v5 =	vadd.s32 $0x16, v2  }
0xed: {  	[tilespmem:v6+s11+$0x0] =	vst.idx.msk $0xffff, v3;
	v3 =	vand.u32 $0xFFFFFF80, v5  }
0xee: {  	v6 =	vor.u32 v27, v63;
	v5 =	vand.u32 $0x7F, v5;
	v4 =	vld.idx.msk [tilespmem:v4+s9+$0x0], $0xffff;
	v3 =	vadd.s32 v0, v3  }
0xef: {  	v3 =	vor.u32 v5, v3;
	_ =	sdelay $0x2  }
0xf0: {  	v5 =	vadd.s32 $0x17, v2  }
0xf1: {  	[tilespmem:v6+s11+$0x0] =	vst.idx.msk $0xffff, v4;
	v4 =	vand.u32 $0xFFFFFF80, v5  }
0xf2: {  	v6 =	vor.u32 v28, v63;
	v5 =	vand.u32 $0x7F, v5;
	v3 =	vld.idx.msk [tilespmem:v3+s9+$0x0], $0xffff;
	v4 =	vadd.s32 v0, v4  }
0xf3: {  	v4 =	vor.u32 v5, v4;
	_ =	sdelay $0x2  }
0xf4: {  	v5 =	vadd.s32 $0x18, v2  }
0xf5: {  	[tilespmem:v6+s11+$0x0] =	vst.idx.msk $0xffff, v3;
	v3 =	vand.u32 $0xFFFFFF80, v5  }
0xf6: {  	v6 =	vor.u32 v29, v63;
	v5 =	vand.u32 $0x7F, v5;
	v4 =	vld.idx.msk [tilespmem:v4+s9+$0x0], $0xffff;
	v3 =	vadd.s32 v0, v3  }
0xf7: {  	v3 =	vor.u32 v5, v3;
	_ =	sdelay $0x2  }
0xf8: {  	v5 =	vadd.s32 $0x19, v2  }
0xf9: {  	[tilespmem:v6+s11+$0x0] =	vst.idx.msk $0xffff, v4;
	v4 =	vand.u32 $0xFFFFFF80, v5  }
0xfa: {  	v6 =	vor.u32 v30, v63;
	v5 =	vand.u32 $0x7F, v5;
	v3 =	vld.idx.msk [tilespmem:v3+s9+$0x0], $0xffff;
	v4 =	vadd.s32 v0, v4  }
0xfb: {  	v4 =	vor.u32 v5, v4;
	_ =	sdelay $0x2  }
0xfc: {  	v5 =	vadd.s32 $0x1A, v2  }
0xfd: {  	[tilespmem:v6+s11+$0x0] =	vst.idx.msk $0xffff, v3;
	v3 =	vand.u32 $0xFFFFFF80, v5  }
0xfe: {  	v6 =	vor.u32 v31, v63;
	v5 =	vand.u32 $0x7F, v5;
	v4 =	vld.idx.msk [tilespmem:v4+s9+$0x0], $0xffff;
	v3 =	vadd.s32 v0, v3  }
0xff: {  	v3 =	vor.u32 v5, v3;
	_ =	sdelay $0x2  }
0x100: {  	v5 =	vadd.s32 $0x1B, v2  }
0x101: {  	[tilespmem:v6+s11+$0x0] =	vst.idx.msk $0xffff, v4;
	v4 =	vand.u32 $0xFFFFFF80, v5  }
0x102: {  	v6 =	vor.u32 v32, v63;
	v5 =	vand.u32 $0x7F, v5;
	v3 =	vld.idx.msk [tilespmem:v3+s9+$0x0], $0xffff;
	v4 =	vadd.s32 v0, v4  }
0x103: {  	v4 =	vor.u32 v5, v4;
	_ =	sdelay $0x2  }
0x104: {  	v5 =	vadd.s32 $0x1C, v2  }
0x105: {  	[tilespmem:v6+s11+$0x0] =	vst.idx.msk $0xffff, v3;
	v3 =	vand.u32 $0xFFFFFF80, v5  }
0x106: {  	v6 =	vor.u32 v33, v63;
	v5 =	vand.u32 $0x7F, v5;
	v4 =	vld.idx.msk [tilespmem:v4+s9+$0x0], $0xffff;
	v3 =	vadd.s32 v0, v3  }
0x107: {  	v3 =	vor.u32 v5, v3;
	_ =	sdelay $0x2  }
0x108: {  	v5 =	vadd.s32 $0x1D, v2  }
0x109: {  	[tilespmem:v6+s11+$0x0] =	vst.idx.msk $0xffff, v4;
	v4 =	vand.u32 $0xFFFFFF80, v5  }
0x10a: {  	v6 =	vor.u32 v34, v63;
	v5 =	vand.u32 $0x7F, v5;
	v3 =	vld.idx.msk [tilespmem:v3+s9+$0x0], $0xffff;
	v4 =	vadd.s32 v0, v4  }
0x10b: {  	v4 =	vor.u32 v5, v4;
	_ =	sdelay $0x2  }
0x10c: {  	v5 =	vadd.s32 $0x1E, v2  }
0x10d: {  	[tilespmem:v6+s11+$0x0] =	vst.idx.msk $0xffff, v3;
	v3 =	vand.u32 $0xFFFFFF80, v5  }
0x10e: {  	v6 =	vor.u32 v35, v63;
	v5 =	vand.u32 $0x7F, v5;
	v4 =	vld.idx.msk [tilespmem:v4+s9+$0x0], $0xffff;
	v3 =	vadd.s32 v0, v3  }
0x10f: {  	v3 =	vor.u32 v5, v3;
	_ =	sdelay $0x2  }
0x110: {  	v5 =	vadd.s32 $0x1F, v2  }
0x111: {  	[tilespmem:v6+s11+$0x0] =	vst.idx.msk $0xffff, v4;
	v4 =	vand.u32 $0xFFFFFF80, v5  }
0x112: {  	v6 =	vor.u32 v36, v63;
	v5 =	vand.u32 $0x7F, v5;
	v3 =	vld.idx.msk [tilespmem:v3+s9+$0x0], $0xffff;
	v4 =	vadd.s32 v0, v4  }
0x113: {  	v4 =	vor.u32 v5, v4;
	_ =	sdelay $0x2  }
0x114: {  	v5 =	vadd.s32 $0x20, v2  }
0x115: {  	[tilespmem:v6+s11+$0x0] =	vst.idx.msk $0xffff, v3;
	v3 =	vand.u32 $0xFFFFFF80, v5  }
0x116: {  	v6 =	vor.u32 v37, v63;
	v5 =	vand.u32 $0x7F, v5;
	v4 =	vld.idx.msk [tilespmem:v4+s9+$0x0], $0xffff;
	v3 =	vadd.s32 v0, v3  }
0x117: {  	v3 =	vor.u32 v5, v3;
	_ =	sdelay $0x2  }
0x118: {  	v5 =	vadd.s32 $0x21, v2  }
0x119: {  	[tilespmem:v6+s11+$0x0] =	vst.idx.msk $0xffff, v4;
	v4 =	vand.u32 $0xFFFFFF80, v5  }
0x11a: {  	v6 =	vor.u32 v38, v63;
	v5 =	vand.u32 $0x7F, v5;
	v3 =	vld.idx.msk [tilespmem:v3+s9+$0x0], $0xffff;
	v4 =	vadd.s32 v0, v4  }
0x11b: {  	v4 =	vor.u32 v5, v4;
	_ =	sdelay $0x2  }
0x11c: {  	v5 =	vadd.s32 $0x22, v2  }
0x11d: {  	[tilespmem:v6+s11+$0x0] =	vst.idx.msk $0xffff, v3;
	v3 =	vand.u32 $0xFFFFFF80, v5  }
0x11e: {  	v6 =	vor.u32 v39, v63;
	v5 =	vand.u32 $0x7F, v5;
	v4 =	vld.idx.msk [tilespmem:v4+s9+$0x0], $0xffff;
	v3 =	vadd.s32 v0, v3  }
0x11f: {  	v3 =	vor.u32 v5, v3;
	_ =	sdelay $0x2  }
0x120: {  	v5 =	vadd.s32 $0x23, v2  }
0x121: {  	[tilespmem:v6+s11+$0x0] =	vst.idx.msk $0xffff, v4;
	v4 =	vand.u32 $0xFFFFFF80, v5  }
0x122: {  	v6 =	vor.u32 v40, v63;
	v5 =	vand.u32 $0x7F, v5;
	v3 =	vld.idx.msk [tilespmem:v3+s9+$0x0], $0xffff;
	v4 =	vadd.s32 v0, v4  }
0x123: {  	v4 =	vor.u32 v5, v4;
	_ =	sdelay $0x2  }
0x124: {  	v5 =	vadd.s32 $0x24, v2  }
0x125: {  	[tilespmem:v6+s11+$0x0] =	vst.idx.msk $0xffff, v3;
	v3 =	vand.u32 $0xFFFFFF80, v5  }
0x126: {  	v6 =	vor.u32 v41, v63;
	v5 =	vand.u32 $0x7F, v5;
	v4 =	vld.idx.msk [tilespmem:v4+s9+$0x0], $0xffff;
	v3 =	vadd.s32 v0, v3  }
0x127: {  	v3 =	vor.u32 v5, v3;
	_ =	sdelay $0x2  }
0x128: {  	v5 =	vadd.s32 $0x25, v2  }
0x129: {  	[tilespmem:v6+s11+$0x0] =	vst.idx.msk $0xffff, v4;
	v4 =	vand.u32 $0xFFFFFF80, v5  }
0x12a: {  	v6 =	vor.u32 v42, v63;
	v5 =	vand.u32 $0x7F, v5;
	v3 =	vld.idx.msk [tilespmem:v3+s9+$0x0], $0xffff;
	v4 =	vadd.s32 v0, v4  }
0x12b: {  	v4 =	vor.u32 v5, v4;
	_ =	sdelay $0x2  }
0x12c: {  	v5 =	vadd.s32 $0x26, v2  }
0x12d: {  	[tilespmem:v6+s11+$0x0] =	vst.idx.msk $0xffff, v3;
	v3 =	vand.u32 $0xFFFFFF80, v5  }
0x12e: {  	v6 =	vor.u32 v43, v63;
	v5 =	vand.u32 $0x7F, v5;
	v4 =	vld.idx.msk [tilespmem:v4+s9+$0x0], $0xffff;
	v3 =	vadd.s32 v0, v3  }
0x12f: {  	v3 =	vor.u32 v5, v3;
	_ =	sdelay $0x2  }
0x130: {  	v5 =	vadd.s32 $0x27, v2  }
0x131: {  	[tilespmem:v6+s11+$0x0] =	vst.idx.msk $0xffff, v4;
	v4 =	vand.u32 $0xFFFFFF80, v5  }
0x132: {  	v6 =	vor.u32 v44, v63;
	v5 =	vand.u32 $0x7F, v5;
	v3 =	vld.idx.msk [tilespmem:v3+s9+$0x0], $0xffff;
	v4 =	vadd.s32 v0, v4  }
0x133: {  	v4 =	vor.u32 v5, v4;
	_ =	sdelay $0x2  }
0x134: {  	v5 =	vadd.s32 $0x28, v2  }
0x135: {  	[tilespmem:v6+s11+$0x0] =	vst.idx.msk $0xffff, v3;
	v3 =	vand.u32 $0xFFFFFF80, v5  }
0x136: {  	v6 =	vor.u32 v45, v63;
	v5 =	vand.u32 $0x7F, v5;
	v4 =	vld.idx.msk [tilespmem:v4+s9+$0x0], $0xffff;
	v3 =	vadd.s32 v0, v3  }
0x137: {  	v3 =	vor.u32 v5, v3;
	_ =	sdelay $0x2  }
0x138: {  	v5 =	vadd.s32 $0x29, v2  }
0x139: {  	[tilespmem:v6+s11+$0x0] =	vst.idx.msk $0xffff, v4;
	v4 =	vand.u32 $0xFFFFFF80, v5  }
0x13a: {  	v6 =	vor.u32 v46, v63;
	v5 =	vand.u32 $0x7F, v5;
	v3 =	vld.idx.msk [tilespmem:v3+s9+$0x0], $0xffff;
	v4 =	vadd.s32 v0, v4  }
0x13b: {  	v4 =	vor.u32 v5, v4;
	_ =	sdelay $0x2  }
0x13c: {  	v5 =	vadd.s32 $0x2A, v2  }
0x13d: {  	[tilespmem:v6+s11+$0x0] =	vst.idx.msk $0xffff, v3;
	v3 =	vand.u32 $0xFFFFFF80, v5  }
0x13e: {  	v6 =	vor.u32 v47, v63;
	v5 =	vand.u32 $0x7F, v5;
	v4 =	vld.idx.msk [tilespmem:v4+s9+$0x0], $0xffff;
	v3 =	vadd.s32 v0, v3  }
0x13f: {  	v3 =	vor.u32 v5, v3;
	_ =	sdelay $0x2  }
0x140: {  	v5 =	vadd.s32 $0x2B, v2  }
0x141: {  	[tilespmem:v6+s11+$0x0] =	vst.idx.msk $0xffff, v4;
	v4 =	vand.u32 $0xFFFFFF80, v5  }
0x142: {  	v6 =	vor.u32 v48, v63;
	v5 =	vand.u32 $0x7F, v5;
	v3 =	vld.idx.msk [tilespmem:v3+s9+$0x0], $0xffff;
	v4 =	vadd.s32 v0, v4  }
0x143: {  	v4 =	vor.u32 v5, v4;
	_ =	sdelay $0x2  }
0x144: {  	v5 =	vadd.s32 $0x2C, v2  }
0x145: {  	[tilespmem:v6+s11+$0x0] =	vst.idx.msk $0xffff, v3;
	v3 =	vand.u32 $0xFFFFFF80, v5  }
0x146: {  	v6 =	vor.u32 v49, v63;
	v5 =	vand.u32 $0x7F, v5;
	v4 =	vld.idx.msk [tilespmem:v4+s9+$0x0], $0xffff;
	v3 =	vadd.s32 v0, v3  }
0x147: {  	v3 =	vor.u32 v5, v3;
	_ =	sdelay $0x2  }
0x148: {  	v5 =	vadd.s32 $0x2D, v2  }
0x149: {  	[tilespmem:v6+s11+$0x0] =	vst.idx.msk $0xffff, v4;
	v4 =	vand.u32 $0xFFFFFF80, v5  }
0x14a: {  	v6 =	vor.u32 v50, v63;
	v5 =	vand.u32 $0x7F, v5;
	v3 =	vld.idx.msk [tilespmem:v3+s9+$0x0], $0xffff;
	v4 =	vadd.s32 v0, v4  }
0x14b: {  	v4 =	vor.u32 v5, v4;
	_ =	sdelay $0x2  }
0x14c: {  	v5 =	vadd.s32 $0x2E, v2  }
0x14d: {  	[tilespmem:v6+s11+$0x0] =	vst.idx.msk $0xffff, v3;
	v3 =	vand.u32 $0xFFFFFF80, v5  }
0x14e: {  	v6 =	vor.u32 v51, v63;
	v5 =	vand.u32 $0x7F, v5;
	v4 =	vld.idx.msk [tilespmem:v4+s9+$0x0], $0xffff;
	v3 =	vadd.s32 v0, v3  }
0x14f: {  	v3 =	vor.u32 v5, v3;
	_ =	sdelay $0x2  }
0x150: {  	v5 =	vadd.s32 $0x2F, v2  }
0x151: {  	[tilespmem:v6+s11+$0x0] =	vst.idx.msk $0xffff, v4;
	v4 =	vand.u32 $0xFFFFFF80, v5  }
0x152: {  	v6 =	vor.u32 v52, v63;
	v5 =	vand.u32 $0x7F, v5;
	v3 =	vld.idx.msk [tilespmem:v3+s9+$0x0], $0xffff;
	v4 =	vadd.s32 v0, v4  }
0x153: {  	v4 =	vor.u32 v5, v4;
	_ =	sdelay $0x2  }
0x154: {  	v5 =	vadd.s32 $0x30, v2  }
0x155: {  	[tilespmem:v6+s11+$0x0] =	vst.idx.msk $0xffff, v3;
	v3 =	vand.u32 $0xFFFFFF80, v5  }
0x156: {  	v6 =	vor.u32 v53, v63;
	v5 =	vand.u32 $0x7F, v5;
	v4 =	vld.idx.msk [tilespmem:v4+s9+$0x0], $0xffff;
	v3 =	vadd.s32 v0, v3  }
0x157: {  	v3 =	vor.u32 v5, v3;
	_ =	sdelay $0x2  }
0x158: {  	v5 =	vadd.s32 $0x31, v2  }
0x159: {  	[tilespmem:v6+s11+$0x0] =	vst.idx.msk $0xffff, v4;
	v4 =	vand.u32 $0xFFFFFF80, v5  }
0x15a: {  	v6 =	vor.u32 v54, v63;
	v5 =	vand.u32 $0x7F, v5;
	v3 =	vld.idx.msk [tilespmem:v3+s9+$0x0], $0xffff;
	v4 =	vadd.s32 v0, v4  }
0x15b: {  	v4 =	vor.u32 v5, v4;
	_ =	sdelay $0x2  }
0x15c: {  	v5 =	vadd.s32 $0x32, v2  }
0x15d: {  	[tilespmem:v6+s11+$0x0] =	vst.idx.msk $0xffff, v3;
	v3 =	vand.u32 $0xFFFFFF80, v5  }
0x15e: {  	v6 =	vor.u32 v55, v63;
	v5 =	vand.u32 $0x7F, v5;
	v4 =	vld.idx.msk [tilespmem:v4+s9+$0x0], $0xffff;
	v3 =	vadd.s32 v0, v3  }
0x15f: {  	v3 =	vor.u32 v5, v3;
	_ =	sdelay $0x2  }
0x160: {  	v5 =	vadd.s32 $0x33, v2  }
0x161: {  	[tilespmem:v6+s11+$0x0] =	vst.idx.msk $0xffff, v4;
	v4 =	vand.u32 $0xFFFFFF80, v5  }
0x162: {  	v6 =	vor.u32 v56, v63;
	v5 =	vand.u32 $0x7F, v5;
	v3 =	vld.idx.msk [tilespmem:v3+s9+$0x0], $0xffff;
	v4 =	vadd.s32 v0, v4  }
0x163: {  	v4 =	vor.u32 v5, v4;
	_ =	sdelay $0x2  }
0x164: {  	v5 =	vadd.s32 $0x34, v2  }
0x165: {  	[tilespmem:v6+s11+$0x0] =	vst.idx.msk $0xffff, v3;
	v3 =	vand.u32 $0xFFFFFF80, v5  }
0x166: {  	v6 =	vor.u32 v57, v63;
	v5 =	vand.u32 $0x7F, v5;
	v4 =	vld.idx.msk [tilespmem:v4+s9+$0x0], $0xffff;
	v3 =	vadd.s32 v0, v3  }
0x167: {  	v3 =	vor.u32 v5, v3;
	_ =	sdelay $0x2  }
0x168: {  	v5 =	vadd.s32 $0x35, v2  }
0x169: {  	[tilespmem:v6+s11+$0x0] =	vst.idx.msk $0xffff, v4;
	v4 =	vand.u32 $0xFFFFFF80, v5  }
0x16a: {  	v6 =	vor.u32 v58, v63;
	v5 =	vand.u32 $0x7F, v5;
	v3 =	vld.idx.msk [tilespmem:v3+s9+$0x0], $0xffff;
	v4 =	vadd.s32 v0, v4  }
0x16b: {  	v4 =	vor.u32 v5, v4;
	_ =	sdelay $0x2  }
0x16c: {  	v5 =	vadd.s32 $0x36, v2  }
0x16d: {  	[tilespmem:v6+s11+$0x0] =	vst.idx.msk $0xffff, v3;
	v3 =	vand.u32 $0xFFFFFF80, v5  }
0x16e: {  	v6 =	vor.u32 v59, v63;
	v5 =	vand.u32 $0x7F, v5;
	v4 =	vld.idx.msk [tilespmem:v4+s9+$0x0], $0xffff;
	v3 =	vadd.s32 v0, v3  }
0x16f: {  	v3 =	vor.u32 v5, v3;
	_ =	sdelay $0x2  }
0x170: {  	v5 =	vadd.s32 $0x37, v2  }
0x171: {  	[tilespmem:v6+s11+$0x0] =	vst.idx.msk $0xffff, v4;
	v4 =	vand.u32 $0xFFFFFF80, v5  }
0x172: {  	v6 =	vor.u32 v60, v63;
	v5 =	vand.u32 $0x7F, v5;
	v3 =	vld.idx.msk [tilespmem:v3+s9+$0x0], $0xffff;
	v4 =	vadd.s32 v0, v4  }
0x173: {  	v4 =	vor.u32 v5, v4;
	_ =	sdelay $0x2  }
0x174: {  	v5 =	vadd.s32 $0x38, v2  }
0x175: {  	[tilespmem:v6+s11+$0x0] =	vst.idx.msk $0xffff, v3;
	v3 =	vand.u32 $0xFFFFFF80, v5  }
0x176: {  	v6 =	vor.u32 v61, v63;
	v5 =	vand.u32 $0x7F, v5;
	v4 =	vld.idx.msk [tilespmem:v4+s9+$0x0], $0xffff;
	v3 =	vadd.s32 v0, v3  }
0x177: {  	v3 =	vor.u32 v5, v3;
	_ =	sdelay $0x2  }
0x178: {  	v5 =	vadd.s32 $0x39, v2  }
0x179: {  	[tilespmem:v6+s11+$0x0] =	vst.idx.msk $0xffff, v4;
	v4 =	vand.u32 $0xFFFFFF80, v5  }
0x17a: {  	v6 =	vor.u32 v62, v63;
	v5 =	vand.u32 $0x7F, v5;
	v3 =	vld.idx.msk [tilespmem:v3+s9+$0x0], $0xffff;
	v4 =	vadd.s32 v0, v4  }
0x17b: {  	v4 =	vor.u32 v5, v4;
	_ =	sdelay $0x2  }
0x17c: {  	v5 =	vadd.s32 $0x3A, v2  }
0x17d: {  	[tilespmem:v6+s11+$0x0] =	vst.idx.msk $0xffff, v3;
	v3 =	vand.u32 $0xFFFFFF80, v5  }
0x17e: {  	v6 =	vor.u32 v7, v63;
	v5 =	vand.u32 $0x7F, v5;
	v4 =	vld.idx.msk [tilespmem:v4+s9+$0x0], $0xffff;
	v3 =	vadd.s32 v0, v3  }
0x17f: {  	v3 =	vor.u32 v5, v3;
	_ =	sdelay $0x2  }
0x180: {  	v5 =	vadd.s32 $0x3B, v2  }
0x181: {  	[tilespmem:v6+s11+$0x0] =	vst.idx.msk $0xffff, v4;
	v4 =	vand.u32 $0xFFFFFF80, v5  }
0x182: {  	v6 =	vor.u32 v8, v63;
	v5 =	vand.u32 $0x7F, v5;
	v3 =	vld.idx.msk [tilespmem:v3+s9+$0x0], $0xffff;
	v4 =	vadd.s32 v0, v4  }
0x183: {  	v4 =	vor.u32 v5, v4;
	_ =	sdelay $0x2  }
0x184: {  	v5 =	vadd.s32 $0x3C, v2  }
0x185: {  	[tilespmem:v6+s11+$0x0] =	vst.idx.msk $0xffff, v3;
	v3 =	vand.u32 $0xFFFFFF80, v5  }
0x186: {  	v6 =	vor.u32 v9, v63;
	v5 =	vand.u32 $0x7F, v5;
	v4 =	vld.idx.msk [tilespmem:v4+s9+$0x0], $0xffff;
	v3 =	vadd.s32 v0, v3  }
0x187: {  	v3 =	vor.u32 v5, v3;
	_ =	sdelay $0x2  }
0x188: {  	v5 =	vadd.s32 $0x3D, v2  }
0x189: {  	[tilespmem:v6+s11+$0x0] =	vst.idx.msk $0xffff, v4;
	v4 =	vand.u32 $0xFFFFFF80, v5  }
0x18a: {  	v6 =	vor.u32 v10, v63;
	v5 =	vand.u32 $0x7F, v5;
	v3 =	vld.idx.msk [tilespmem:v3+s9+$0x0], $0xffff;
	v4 =	vadd.s32 v0, v4  }
0x18b: {  	v4 =	vor.u32 v5, v4;
	_ =	sdelay $0x2  }
0x18c: {  	v5 =	vadd.s32 $0x3E, v2  }
0x18d: {  	[tilespmem:v6+s11+$0x0] =	vst.idx.msk $0xffff, v3;
	v3 =	vand.u32 $0xFFFFFF80, v5  }
0x18e: {  	v6 =	vor.u32 v11, v63;
	v5 =	vand.u32 $0x7F, v5;
	v4 =	vld.idx.msk [tilespmem:v4+s9+$0x0], $0xffff;
	v3 =	vadd.s32 v0, v3  }
0x18f: {  	v3 =	vor.u32 v5, v3;
	_ =	sdelay $0x2  }
0x190: {  	v2 =	vadd.s32 $0x3F, v2  }
0x191: {  	v5 =	vand.u32 $0xFFFFFF80, v2;
	[tilespmem:v6+s11+$0x0] =	vst.idx.msk $0xffff, v4;
	v4 =	vor.u32 $0x3E, v1  }
0x192: {  	v2 =	vand.u32 $0x7F, v2;
	v0 =	vadd.s32 v0, v5;
	v3 =	vld.idx.msk [tilespmem:v3+s9+$0x0], $0xffff;
	v4 =	vor.u32 v4, v63  }
0x193: {  	v0 =	vor.u32 v2, v0;
	_ =	sdelay $0x3  }
0x194: {  	v2 =	vor.u32 $0x3F, v1;
	[tilespmem:v4+s11+$0x0] =	vst.idx.msk $0xffff, v3  }
0x195: {  	p0 =	sne.s32 s13, $0x1F0;
	v2 =	vor.u32 v2, v63;
	v0 =	vld.idx.msk [tilespmem:v0+s9+$0x0], $0xffff  }
.Ltmp1:
0x196: {  	_ = 	snop;
	(pc) =	sbr.rel @p0 .LBB2_4-.Ltmp1, $2  }
0x197: {  	_ =	sdelay $0x2  }
0x198: {  	s14 =	sadd.s32 $0x10, s14;
	s13 =	sadd.s32 $0x10, s13;
	v3 =	vlaneseq.u32;
	[tilespmem:v2+s11+$0x0] =	vst.idx.msk $0xffff, v0  }
0x199: {  	s12 =	sadd.s32 $0x1, s12  }
0x19a: {  	p0 =	sne.s32 s12, s6  }
.Ltmp2:
0x19b: {  	_ = 	snop;
	(pc) =	sbr.rel @p0 .LBB2_1-.Ltmp2, $4  }
0x19c: {  	[hbm4b:s5+s1] =	stream.linear.scatter [tilespmem:s11], [sflag:$0x2], $0x8000, $0x38;
	[tilespmem:$0x18600] =	vst v63  }
0x19d: {  	_ =	swait.ge [sflag:s7], $0x8000  }
0x19e: {  	[sflag:s7] =	ssyncset.done $0x0  }
0x19f: {  	[sflag:s7] =	ssyncadd.s32 $0xFFFF8000  }
0x1a0: {  	_ =	sfence.sel $0x180000  }
0x1a1: {  	[bflag:$0x0] =	sbarrier.arrive $0xFFFF  }
0x1a2: {  	p0 =	sne.s32 s2, $0x0;
	_ =	strace $0x9000004A  }
0x1a3: {  	s0 =	sadd.s32 @!p0 $0x100000, s0;
	[bflag:$0x2] =	sbarrier.arrive $0xFFFF  }
0x1a4: {  	[sflag:s0] =	ssyncadd.tile.s32 @!p0 $0x1;
	_ =	shalt  }
.Lfunc_end2:
_tile_overlayer_lowered:
.L_overlay_start_2:
0x1a5: {  	(tag) =	ssettag $0x2  }
0x1a6: {  	s0 =	rddreg [dreg:$0x0];
	s2 =	stileid.u32  }
0x1a7: {  	s1 =	rddreg [dreg:$0x1];
	p0 =	sne.s32 s2, $0x0  }
0x1a8: {  	s3 =	rddreg [dreg:$0x2];
	[bflag:$0x3] =	sbarrier.arrive $0xFFFF;
	s2 =	simm.s32 @!p0 $0x1C02  }
0x1a9: {  	[timem:s3], [sflag:s2] =	dma.local @!p0 [hbm:s0], s1  }
0x1aa: {  	s0 =	simm.s32 @!p0 $0x2  }
0x1ab: {  	_ =	swait.ge @!p0 [sflag:s0], s1  }
0x1ac: {  	s1 =	ssub.s32 @!p0 $0x0, s1;
	[sflag:s0] =	ssyncset.done @!p0 $0x0  }
0x1ad: {  	[sflag:s0] =	ssyncadd.s32 @!p0 s1  }
0x1ae: {  	[bflag:$0x3] =	sbarrier.arrive $0xFFFF  }
0x1af: {  	_ =	shalt  }

</sc_bundles>
